<compile_context>
chip_gen: v7x
topology: tpu7x:2x2x1
jax: 0.10.2.dev20260603
libtpu: 0.0.44.dev20260713+nightly
codegen_flags: <defaults>
</compile_context>

<pallas_src>
import jax
import jax.numpy as jnp
from jax import lax
from jax.experimental import pallas as pl
from jax.experimental.pallas import tpu as pltpu
from jax.experimental.pallas import tpu_sc as plsc

N = 10000
D = 128
HD = 64
G = 64
NPAD = 10240
NW = 32
EPAD = 16 * 160 * 128
ECH = 128
ENCH = 160
CW = 16
BLK = 512
NBLK = NPAD // BLK
ROWS_W = NPAD // NW
SROWS = NPAD // 16


def _sc_mesh():
    return plsc.VectorSubcoreMesh(core_axis_name="c", subcore_axis_name="s")


def _gather_body(nodes_hbm, emb_hbm, out_hbm, idx_v, rows_v, sem):
    c = lax.axis_index("c")
    s = lax.axis_index("s")
    wid = s * 2 + c
    base = wid * ROWS_W
    pltpu.sync_copy(nodes_hbm.at[wid], idx_v)
    for j in range(4):
        pltpu.async_copy(emb_hbm.at[idx_v.at[j]], rows_v, sem).wait()
        pltpu.sync_copy(rows_v, out_hbm.at[pl.ds(base + j * 80, 80)])


def _sc_gather(nodes4, emb):
    kfn = pl.kernel(
        _gather_body,
        mesh=_sc_mesh(),
        out_type=jax.ShapeDtypeStruct((NPAD, D), jnp.float32),
        scratch_types=[
            pltpu.VMEM((4, 80), jnp.int32),
            pltpu.VMEM((80, D), jnp.float32),
            pltpu.SemaphoreType.DMA,
        ],
    )
    return kfn(nodes4, emb)


NBUF = 2


def _edge_loop(src_v, dst_v, a_half, b_half, bufs_a, bufs_b, gsem):
    def make_pair_body(acc, cnt_idx, cacc, ones_v, sem_c, zc_dummy):
        def pair_body(i, carry):
            for par in range(NBUF):
                jj = NBUF * i + par
                cur_a, cur_b = bufs_a[par], bufs_b[par]
                pre = (par + NBUF - 1) % NBUF

                @pl.when(jj + NBUF - 1 < ENCH)
                def _prefetch():
                    pltpu.async_copy(a_half.at[src_v.at[jj + NBUF - 1]],
                                     bufs_a[pre], gsem[pre])
                    pltpu.async_copy(b_half.at[dst_v.at[jj + NBUF - 1]],
                                     bufs_b[pre], gsem[pre])

                pltpu.make_async_copy(a_half.at[pl.ds(0, ECH)], cur_a,
                                      gsem[par]).wait()
                pltpu.make_async_copy(a_half.at[pl.ds(0, ECH)], cur_b,
                                      gsem[par]).wait()
                pltpu.sync_copy(cur_a, acc.at[dst_v.at[jj]], add=True)
                pltpu.sync_copy(cur_b, acc.at[src_v.at[jj]], add=True)
                if cnt_idx is not None:
                    @pl.when(jj > 0)
                    def _drain_cnt():
                        pltpu.make_async_copy(zc_dummy, ones_v, sem_c).wait()
                    pltpu.async_copy(ones_v, cacc.at[cnt_idx.at[jj]], sem_c,
                                     add=True)
            return carry
        return pair_body
    return make_pair_body


def _make_edge_kernel(with_counts):
    def body(*refs):
        if with_counts:
            (src_hbm, dst_hbm, a2_hbm, b2_hbm, zb_hbm, zc_hbm, ones_hbm,
             p_hbm, cnt_hbm,
             src_v, dst_v, *rest) = refs
            bufs = rest[:2 * NBUF]
            ones_v, acc, cacc = rest[2 * NBUF:2 * NBUF + 3]
            gsem = rest[2 * NBUF + 3:2 * NBUF + 3 + NBUF]
            sem_c = rest[2 * NBUF + 3 + NBUF]
        else:
            (src_hbm, dst_hbm, a2_hbm, b2_hbm, zb_hbm,
             p_hbm,
             src_v, dst_v, *rest) = refs
            bufs = rest[:2 * NBUF]
            acc = rest[2 * NBUF]
            gsem = rest[2 * NBUF + 1:2 * NBUF + 1 + NBUF]
        bufs_a = bufs[:NBUF]
        bufs_b = bufs[NBUF:]
        c = lax.axis_index("c")
        s = lax.axis_index("s")
        pltpu.sync_copy(src_hbm.at[s], src_v)
        pltpu.sync_copy(dst_hbm.at[s], dst_v)

        a_half = a2_hbm.at[c]
        b_half = b2_hbm.at[c]
        maker = _edge_loop(src_v, dst_v, a_half, b_half, bufs_a, bufs_b, gsem)

        for k in range(NBUF - 1):
            pltpu.async_copy(a_half.at[src_v.at[k]], bufs_a[k], gsem[k])
            pltpu.async_copy(b_half.at[dst_v.at[k]], bufs_b[k], gsem[k])

        pltpu.sync_copy(zb_hbm, acc.at[pl.ds(s * SROWS, SROWS)])
        if with_counts:
            pltpu.sync_copy(ones_hbm, ones_v)
            pltpu.sync_copy(zc_hbm, cacc.at[pl.ds(s * SROWS, SROWS)])
        plsc.subcore_barrier()

        if with_counts:
            zc_dummy = zc_hbm.at[pl.ds(0, ECH)]

            @pl.when(c == 0)
            def _loop0():
                lax.fori_loop(0, ENCH // NBUF,
                              maker(acc, dst_v, cacc, ones_v, sem_c,
                                    zc_dummy), 0)

            @pl.when(c == 1)
            def _loop1():
                lax.fori_loop(0, ENCH // NBUF,
                              maker(acc, src_v, cacc, ones_v, sem_c,
                                    zc_dummy), 0)

            pltpu.make_async_copy(zc_dummy, ones_v, sem_c).wait()
        else:
            lax.fori_loop(0, ENCH // NBUF,
                          maker(acc, None, None, None, None, None), 0)

        plsc.subcore_barrier()
        pltpu.sync_copy(acc.at[pl.ds(s * SROWS, SROWS)],
                        p_hbm.at[c, pl.ds(s * SROWS, SROWS)])
        if with_counts:
            pltpu.sync_copy(cacc.at[pl.ds(s * SROWS, SROWS)],
                            cnt_hbm.at[c, pl.ds(s * SROWS, SROWS)])

    p_t = jax.ShapeDtypeStruct((2, NPAD, HD), jnp.float32)
    cnt_t = jax.ShapeDtypeStruct((2, NPAD, CW), jnp.float32)
    idx_t = pltpu.VMEM((ENCH, ECH), jnp.int32)
    row_t = pltpu.VMEM((ECH, HD), jnp.float32)
    scratch = [idx_t, idx_t] + [row_t] * (2 * NBUF)
    if with_counts:
        scratch.append(pltpu.VMEM((ECH, CW), jnp.float32))
    scratch.append(pltpu.VMEM_SHARED((NPAD, HD), jnp.float32))
    if with_counts:
        scratch.append(pltpu.VMEM_SHARED((NPAD, CW), jnp.float32))
    scratch += [pltpu.SemaphoreType.DMA] * (NBUF + (1 if with_counts else 0))
    return pl.kernel(
        body,
        mesh=_sc_mesh(),
        compiler_params=pltpu.CompilerParams(use_tc_tiling_on_sc=False),
        out_type=[p_t, cnt_t] if with_counts else p_t,
        scratch_types=scratch,
    )


def _sc_edge_counts(srcw, dstw, a2, b2, zb, zc, ones16):
    return _make_edge_kernel(True)(srcw, dstw, a2, b2, zb, zc, ones16)


def _sc_edge(srcw, dstw, a2, b2, zb):
    return _make_edge_kernel(False)(srcw, dstw, a2, b2, zb)


def _pre_body(h_ref, w0_ref, w1_ref, w2_ref, a_ref, b_ref, h0_ref):
    x = h_ref[...]
    dims = (((1,), (1,)), ((), ()))
    a = lax.dot_general(x, w1_ref[...], dims,
                        preferred_element_type=jnp.float32)
    b = lax.dot_general(x, w2_ref[...], dims,
                        preferred_element_type=jnp.float32)
    a_ref[0] = a[:, :HD]
    a_ref[1] = a[:, HD:]
    b_ref[0] = b[:, :HD]
    b_ref[1] = b[:, HD:]
    h0_ref[...] = lax.dot_general(x, w0_ref[...], dims,
                                  preferred_element_type=jnp.float32)


def _tc_pre(h, w0, w1, w2):
    return pl.pallas_call(
        _pre_body,
        grid=(NBLK,),
        in_specs=[
            pl.BlockSpec((BLK, D), lambda i: (i, 0)),
            pl.BlockSpec((D, D), lambda i: (0, 0)),
            pl.BlockSpec((D, D), lambda i: (0, 0)),
            pl.BlockSpec((D, D), lambda i: (0, 0)),
        ],
        out_specs=[
            pl.BlockSpec((2, BLK, HD), lambda i: (0, i, 0)),
            pl.BlockSpec((2, BLK, HD), lambda i: (0, i, 0)),
            pl.BlockSpec((BLK, D), lambda i: (i, 0)),
        ],
        out_shape=[
            jax.ShapeDtypeStruct((2, NPAD, HD), jnp.float32),
            jax.ShapeDtypeStruct((2, NPAD, HD), jnp.float32),
            jax.ShapeDtypeStruct((NPAD, D), jnp.float32),
        ],
    )(h, w0, w1, w2)


def _combine_block(h0_ref, p_ref, cnt_ref, i):
    s = jnp.concatenate([p_ref[0], p_ref[1]], axis=1)
    c = (cnt_ref[0, pl.ds(i * BLK, BLK), 0:1]
         + cnt_ref[1, pl.ds(i * BLK, BLK), 0:1])
    msg = s / jnp.maximum(c, 1.0)
    return jnp.maximum(h0_ref[...] + msg, 0.0)


def _combine_pre_body(h0_ref, p_ref, cnt_ref, w0_ref, w1_ref, w2_ref,
                      a_ref, b_ref, h0o_ref):
    x = _combine_block(h0_ref, p_ref, cnt_ref, pl.program_id(0))
    dims = (((1,), (1,)), ((), ()))
    a = lax.dot_general(x, w1_ref[...], dims,
                        preferred_element_type=jnp.float32)
    b = lax.dot_general(x, w2_ref[...], dims,
                        preferred_element_type=jnp.float32)
    a_ref[0] = a[:, :HD]
    a_ref[1] = a[:, HD:]
    b_ref[0] = b[:, :HD]
    b_ref[1] = b[:, HD:]
    h0o_ref[...] = lax.dot_general(x, w0_ref[...], dims,
                                   preferred_element_type=jnp.float32)


def _tc_combine_pre(h0, p, cnt, w0, w1, w2):
    return pl.pallas_call(
        _combine_pre_body,
        grid=(NBLK,),
        in_specs=[
            pl.BlockSpec((BLK, D), lambda i: (i, 0)),
            pl.BlockSpec((2, BLK, HD), lambda i: (0, i, 0)),
            pl.BlockSpec((2, NPAD, CW), lambda i: (0, 0, 0)),
            pl.BlockSpec((D, D), lambda i: (0, 0)),
            pl.BlockSpec((D, D), lambda i: (0, 0)),
            pl.BlockSpec((D, D), lambda i: (0, 0)),
        ],
        out_specs=[
            pl.BlockSpec((2, BLK, HD), lambda i: (0, i, 0)),
            pl.BlockSpec((2, BLK, HD), lambda i: (0, i, 0)),
            pl.BlockSpec((BLK, D), lambda i: (i, 0)),
        ],
        out_shape=[
            jax.ShapeDtypeStruct((2, NPAD, HD), jnp.float32),
            jax.ShapeDtypeStruct((2, NPAD, HD), jnp.float32),
            jax.ShapeDtypeStruct((NPAD, D), jnp.float32),
        ],
    )(h0, p, cnt, w0, w1, w2)


def _final_body(h0_ref, p_ref, cnt_ref, segb_ref, wout_ref, bout_ref, out_ref,
                sum_acc, max_acc, cnt_acc):
    i = pl.program_id(0)

    @pl.when(i == 0)
    def _init():
        sum_acc[...] = jnp.zeros((G, D), jnp.float32)
        max_acc[...] = jnp.full((G, D), -1e30, jnp.float32)
        cnt_acc[...] = jnp.zeros((G, D), jnp.float32)

    segc = segb_ref[...]
    h = _combine_block(h0_ref, p_ref, cnt_ref, i)
    seg_row = segc[:, 0:1]
    gids = lax.broadcasted_iota(jnp.int32, (G, BLK), 0)
    onehot = (seg_row.reshape(1, BLK) == gids).astype(jnp.float32)
    dims = (((1,), (0,)), ((), ()))
    sum_acc[...] += lax.dot_general(onehot, h, dims,
                                    preferred_element_type=jnp.float32)
    cnt_acc[...] += lax.dot_general(onehot, jnp.ones((BLK, D), jnp.float32),
                                    dims, preferred_element_type=jnp.float32)

    g_lo = segc[0, 0]
    g_hi = jnp.minimum(segc[BLK - 1, 0], G - 1)

    def mbody(g, carry):
        mask = segc == g
        gmax = jnp.max(jnp.where(mask, h, -1e30), axis=0, keepdims=True)
        cur = max_acc[pl.ds(g, 1), :]
        max_acc[pl.ds(g, 1), :] = jnp.maximum(cur, gmax)
        return carry

    lax.fori_loop(g_lo, jnp.minimum(g_hi + 1, G), mbody, 0)

    @pl.when(i == NBLK - 1)
    def _finish():
        cnt = cnt_acc[...]
        mean = sum_acc[...] / jnp.maximum(cnt, 1.0)
        mx = jnp.where(cnt > 0.0, max_acc[...], 0.0)
        v = jnp.concatenate([mean, mx], axis=1)
        o = lax.dot_general(v, wout_ref[...], (((1,), (1,)), ((), ())),
                            preferred_element_type=jnp.float32)
        out_ref[...] = o + bout_ref[0:1, :]


def _tc_final(h0, p, cnt, segb, wout, bout8):
    return pl.pallas_call(
        _final_body,
        grid=(NBLK,),
        in_specs=[
            pl.BlockSpec((BLK, D), lambda i: (i, 0)),
            pl.BlockSpec((2, BLK, HD), lambda i: (0, i, 0)),
            pl.BlockSpec((2, NPAD, CW), lambda i: (0, 0, 0)),
            pl.BlockSpec((BLK, D), lambda i: (i, 0)),
            pl.BlockSpec((D, 2 * D), lambda i: (0, 0)),
            pl.BlockSpec((8, D), lambda i: (0, 0)),
        ],
        out_specs=pl.BlockSpec((G, D), lambda i: (0, 0)),
        out_shape=jax.ShapeDtypeStruct((G, D), jnp.float32),
        scratch_shapes=[
            pltpu.VMEM((G, D), jnp.float32),
            pltpu.VMEM((G, D), jnp.float32),
            pltpu.VMEM((G, D), jnp.float32),
        ],
    )(h0, p, cnt, segb, wout, bout8)


def kernel(nodes, edges, indices, emb, W0_0, W1_0, W2_0, W0_1, W1_1, W2_1,
           Wout, bout):
    nodes4 = jnp.pad(nodes.astype(jnp.int32), (0, NPAD - N)).reshape(NW, 4, 80)
    src = edges[0].astype(jnp.int32)
    dst = edges[1].astype(jnp.int32)
    epad = EPAD - src.shape[0]
    srcw = jnp.pad(src, (0, epad), constant_values=N).reshape(16, ENCH, ECH)
    dstw = jnp.pad(dst, (0, epad), constant_values=N).reshape(16, ENCH, ECH)
    zb = jnp.zeros((SROWS, HD), jnp.float32)
    zc = jnp.zeros((SROWS, CW), jnp.float32)
    ones16 = jnp.ones((ECH, CW), jnp.float32)
    segb = jnp.broadcast_to(
        jnp.pad(indices.astype(jnp.int32), (0, NPAD - N), constant_values=G)
        [:, None], (NPAD, D))
    bout8 = jnp.broadcast_to(bout[None, :], (8, D)).astype(jnp.float32)

    h = _sc_gather(nodes4, emb)
    a2, b2, h0 = _tc_pre(h, W0_0, W1_0, W2_0)
    p, cnt = _sc_edge_counts(srcw, dstw, a2, b2, zb, zc, ones16)
    a2, b2, h0 = _tc_combine_pre(h0, p, cnt, W0_1, W1_1, W2_1)
    p = _sc_edge(srcw, dstw, a2, b2, zb)
    return _tc_final(h0, p, cnt, segb, Wout, bout8)

# --- scband reference (transcript-rebuilt; emitter-appended) ---
"""Pipeline reference for scband-gnnmodel-50620484550702 (READ-ONLY COPY).

The authoritative reference and input builder live on the scoring server;
editing this copy changes nothing except your own understanding.
"""

import jax, jax.numpy as jnp
import numpy as np

N = 10000
E = 320000
D = 128
V = 100000
G = 64
OUT = 128


def setup_inputs(seed: int = 0) -> dict:
    key = jax.random.key(seed)
    ks = jax.random.split(key, 12)
    nodes = jax.random.randint(ks[0], (N,), 0, V)
    edges = jax.random.randint(ks[1], (2, E), 0, N)
    indices = jnp.sort(jax.random.randint(ks[2], (N,), 0, G))
    emb = jax.random.normal(ks[3], (V, D), dtype=jnp.float32) * 0.02
    W0_0 = jax.random.normal(ks[4], (D, D), dtype=jnp.float32) * 0.05
    W1_0 = jax.random.normal(ks[5], (D, D), dtype=jnp.float32) * 0.05
    W2_0 = jax.random.normal(ks[6], (D, D), dtype=jnp.float32) * 0.05
    W0_1 = jax.random.normal(ks[7], (D, D), dtype=jnp.float32) * 0.05
    W1_1 = jax.random.normal(ks[8], (D, D), dtype=jnp.float32) * 0.05
    W2_1 = jax.random.normal(ks[9], (D, D), dtype=jnp.float32) * 0.05
    Wout = jax.random.normal(ks[10], (OUT, 2 * D), dtype=jnp.float32) * 0.05
    bout = jnp.zeros((OUT,), dtype=jnp.float32)
    return {"nodes": nodes, "edges": edges, "indices": indices, "emb": emb,
            "W0_0": W0_0, "W1_0": W1_0, "W2_0": W2_0,
            "W0_1": W0_1, "W1_1": W1_1, "W2_1": W2_1,
            "Wout": Wout, "bout": bout}


def _segment_mean(vals, idx, n):
    s = jax.ops.segment_sum(vals, idx, num_segments=n)
    c = jax.ops.segment_sum(jnp.ones((vals.shape[0],), vals.dtype), idx, num_segments=n)
    return s / jnp.maximum(c, 1.0)[:, None]


def reference(nodes, edges, indices, emb, W0_0, W1_0, W2_0, W0_1, W1_1, W2_1, Wout, bout):
    # embedding lookup (dropout is identity in eval)
    h = emb[nodes]
    src = edges[0]
    dst = edges[1]
    idx_cat = jnp.concatenate([dst, src], axis=0)
    for (W0, W1, W2) in ((W0_0, W1_0, W2_0), (W0_1, W1_1, W2_1)):
        nbr_msg = jnp.concatenate([h[src] @ W1.T, h[dst] @ W2.T], axis=0)
        msg = _segment_mean(nbr_msg, idx_cat, N)
        h = jax.nn.relu(h @ W0.T + msg)
    mean_pool = _segment_mean(h, indices, G)
    max_pool = jax.ops.segment_max(h, indices, num_segments=G)
    max_pool = jnp.where(jnp.isfinite(max_pool), max_pool, 0.0)
    v = jnp.concatenate([mean_pool, max_pool], axis=1)
    return v @ Wout.T + bout

if __name__ == "__main__":
    import jax
    _d = setup_inputs()
    print(jax.jit(kernel)(*tuple(_d.values())))

</pallas_src>

<mosaic_0001>
#map = affine_map<(d0, d1) -> (0, 0, 0)>
#map1 = affine_map<(d0, d1) -> (0, 0)>
module attributes {stable_mosaic.version = 14 : i64} {
  func.func @_gather_body(%arg0: i32, %arg1: i32, %arg2: memref<32x4x80xi32, #tpu.memory_space<hbm>>, %arg3: memref<100000x128xf32, #tpu.memory_space<hbm>>, %arg4: memref<10240x128xf32, #tpu.memory_space<hbm>>, %arg5: memref<4x80xi32, #tpu.memory_space<vmem>>, %arg6: memref<80x128xf32, #tpu.memory_space<vmem>>, %arg7: memref<!tpu.dma_semaphore, #tpu.memory_space<semaphore_mem>>) attributes {dimension_semantics = [#tpu.dimension_semantics<core_parallel>, #tpu.dimension_semantics<subcore_parallel>], iteration_bounds = array<i64: 2, 16>, scalar_prefetch = 0 : i64, scratch_operands = 3 : i64, tpu.core_type = #tpu.core_type<sc_vector_subcore>, window_params = [{transform_indices = #map}, {transform_indices = #map1}, {transform_indices = #map1}]} {
    %mul3A = arith.constant 2 : i32
    %mul3A_0 = arith.muli %arg1, %mul3A : i32
    %add3A = arith.addi %mul3A_0, %arg0 : i32
    %mul3A_1 = arith.constant 320 : i32
    %mul3A_2 = arith.muli %add3A, %mul3A_1 : i32
    "tpu.region"() ({
      %run_scoped3A = tpu.sem_alloc : memref<!tpu.dma_semaphore, #tpu.memory_space<semaphore_mem>>
      %dma_start3A_65 = arith.constant 0 : i32
      %dma_start3A_66 = arith.constant 0 : i32
      %dma_start3A_67 = tpu.memref_slice %arg2[%add3A, %dma_start3A_65, %dma_start3A_66] : memref<32x4x80xi32, #tpu.memory_space<hbm>> -> memref<1x4x80xi32, #tpu.memory_space<hbm>>
      %dma_start3A_68 = tpu.memref_squeeze %dma_start3A_67 : memref<1x4x80xi32, #tpu.memory_space<hbm>> -> memref<4x80xi32, #tpu.memory_space<hbm>>
      %dma_start3A_69 = arith.constant 0 : i32
      %dma_start3A_70 = arith.constant 0 : i32
      %dma_start3A_71 = tpu.memref_slice %arg2[%add3A, %dma_start3A_69, %dma_start3A_70] : memref<32x4x80xi32, #tpu.memory_space<hbm>> -> memref<1x4x80xi32, #tpu.memory_space<hbm>>
      %dma_start3A_72 = tpu.memref_squeeze %dma_start3A_71 : memref<1x4x80xi32, #tpu.memory_space<hbm>> -> memref<4x80xi32, #tpu.memory_space<hbm>>
      tpu.enqueue_dma source(%dma_start3A_72 : memref<4x80xi32, #tpu.memory_space<hbm>>) target(%arg5 : memref<4x80xi32, #tpu.memory_space<vmem>>) target_semaphore(%run_scoped3A : memref<!tpu.dma_semaphore, #tpu.memory_space<semaphore_mem>>)
      %dma_wait3A_73 = arith.constant 0 : i32
      %dma_wait3A_74 = arith.constant 0 : i32
      %dma_wait3A_75 = tpu.memref_slice %arg2[%add3A, %dma_wait3A_73, %dma_wait3A_74] : memref<32x4x80xi32, #tpu.memory_space<hbm>> -> memref<1x4x80xi32, #tpu.memory_space<hbm>>
      %dma_wait3A_76 = tpu.memref_squeeze %dma_wait3A_75 : memref<1x4x80xi32, #tpu.memory_space<hbm>> -> memref<4x80xi32, #tpu.memory_space<hbm>>
      %dma_wait3A_77 = arith.constant 0 : i32
      %dma_wait3A_78 = arith.constant 0 : i32
      %dma_wait3A_79 = tpu.memref_slice %arg2[%add3A, %dma_wait3A_77, %dma_wait3A_78] : memref<32x4x80xi32, #tpu.memory_space<hbm>> -> memref<1x4x80xi32, #tpu.memory_space<hbm>>
      %dma_wait3A_80 = tpu.memref_squeeze %dma_wait3A_79 : memref<1x4x80xi32, #tpu.memory_space<hbm>> -> memref<4x80xi32, #tpu.memory_space<hbm>>
      tpu.wait_dma2 semaphore(%run_scoped3A : memref<!tpu.dma_semaphore, #tpu.memory_space<semaphore_mem>>) src(%dma_wait3A_80 : memref<4x80xi32, #tpu.memory_space<hbm>>) dst(%arg5 : memref<4x80xi32, #tpu.memory_space<vmem>>)
      tpu.yield
    }) : () -> ()
    %dma_start3A = arith.constant 0 : i32
    %dma_start3A_3 = arith.constant 0 : i32
    %dma_start3A_4 = tpu.memref_slice %arg5[%dma_start3A, %dma_start3A_3] : memref<4x80xi32, #tpu.memory_space<vmem>> -> memref<1x80xi32, #tpu.memory_space<vmem>>
    %dma_start3A_5 = tpu.memref_squeeze %dma_start3A_4 : memref<1x80xi32, #tpu.memory_space<vmem>> -> memref<80xi32, #tpu.memory_space<vmem>>
    %dma_start3A_6 = arith.constant 0 : i32
    %dma_start3A_7 = arith.constant 0 : i32
    %dma_start3A_8 = tpu.memref_slice %arg3[%dma_start3A_6, %dma_start3A_7] : memref<100000x128xf32, #tpu.memory_space<hbm>> -> memref<100000x128xf32, #tpu.memory_space<hbm>>
    tpu.enqueue_indirect_dma source(%dma_start3A_8 : memref<100000x128xf32, #tpu.memory_space<hbm>>) target(%arg6 : memref<80x128xf32, #tpu.memory_space<vmem>>) offsets(%dma_start3A_5 : memref<80xi32, #tpu.memory_space<vmem>>) semaphore(%arg7 : memref<!tpu.dma_semaphore, #tpu.memory_space<semaphore_mem>>)
    %dma_wait3A = arith.constant 0 : i32
    %dma_wait3A_9 = arith.constant 0 : i32
    %dma_wait3A_10 = tpu.memref_slice %arg5[%dma_wait3A, %dma_wait3A_9] : memref<4x80xi32, #tpu.memory_space<vmem>> -> memref<1x80xi32, #tpu.memory_space<vmem>>
    %dma_wait3A_11 = tpu.memref_squeeze %dma_wait3A_10 : memref<1x80xi32, #tpu.memory_space<vmem>> -> memref<80xi32, #tpu.memory_space<vmem>>
    %dma_wait3A_12 = arith.constant 0 : i32
    %dma_wait3A_13 = arith.constant 0 : i32
    %dma_wait3A_14 = tpu.memref_slice %arg3[%dma_wait3A_12, %dma_wait3A_13] : memref<100000x128xf32, #tpu.memory_space<hbm>> -> memref<100000x128xf32, #tpu.memory_space<hbm>>
    tpu.wait_indirect_dma semaphore(%arg7 : memref<!tpu.dma_semaphore, #tpu.memory_space<semaphore_mem>>) src(%dma_wait3A_14 : memref<100000x128xf32, #tpu.memory_space<hbm>>) dst(%arg6 : memref<80x128xf32, #tpu.memory_space<vmem>>)
    %add3A_15 = arith.constant 0 : i32
    %add3A_16 = arith.addi %mul3A_2, %add3A_15 : i32
    "tpu.region"() ({
      %run_scoped3A = tpu.sem_alloc : memref<!tpu.dma_semaphore, #tpu.memory_space<semaphore_mem>>
      %dma_start3A_65 = arith.constant 0 : i32
      %dma_start3A_66 = tpu.memref_slice %arg4[%add3A_16, %dma_start3A_65] : memref<10240x128xf32, #tpu.memory_space<hbm>> -> memref<80x128xf32, #tpu.memory_space<hbm>>
      %dma_start3A_67 = arith.constant 0 : i32
      %dma_start3A_68 = tpu.memref_slice %arg4[%add3A_16, %dma_start3A_67] : memref<10240x128xf32, #tpu.memory_space<hbm>> -> memref<80x128xf32, #tpu.memory_space<hbm>>
      tpu.enqueue_dma source(%arg6 : memref<80x128xf32, #tpu.memory_space<vmem>>) target(%dma_start3A_68 : memref<80x128xf32, #tpu.memory_space<hbm>>) target_semaphore(%run_scoped3A : memref<!tpu.dma_semaphore, #tpu.memory_space<semaphore_mem>>)
      %dma_wait3A_69 = arith.constant 0 : i32
      %dma_wait3A_70 = tpu.memref_slice %arg4[%add3A_16, %dma_wait3A_69] : memref<10240x128xf32, #tpu.memory_space<hbm>> -> memref<80x128xf32, #tpu.memory_space<hbm>>
      %dma_wait3A_71 = arith.constant 0 : i32
      %dma_wait3A_72 = tpu.memref_slice %arg4[%add3A_16, %dma_wait3A_71] : memref<10240x128xf32, #tpu.memory_space<hbm>> -> memref<80x128xf32, #tpu.memory_space<hbm>>
      tpu.wait_dma2 semaphore(%run_scoped3A : memref<!tpu.dma_semaphore, #tpu.memory_space<semaphore_mem>>) src(%arg6 : memref<80x128xf32, #tpu.memory_space<vmem>>) dst(%dma_wait3A_72 : memref<80x128xf32, #tpu.memory_space<hbm>>)
      tpu.yield
    }) : () -> ()
    %dma_start3A_17 = arith.constant 1 : i32
    %dma_start3A_18 = arith.constant 0 : i32
    %dma_start3A_19 = tpu.memref_slice %arg5[%dma_start3A_17, %dma_start3A_18] : memref<4x80xi32, #tpu.memory_space<vmem>> -> memref<1x80xi32, #tpu.memory_space<vmem>>
    %dma_start3A_20 = tpu.memref_squeeze %dma_start3A_19 : memref<1x80xi32, #tpu.memory_space<vmem>> -> memref<80xi32, #tpu.memory_space<vmem>>
    %dma_start3A_21 = arith.constant 0 : i32
    %dma_start3A_22 = arith.constant 0 : i32
    %dma_start3A_23 = tpu.memref_slice %arg3[%dma_start3A_21, %dma_start3A_22] : memref<100000x128xf32, #tpu.memory_space<hbm>> -> memref<100000x128xf32, #tpu.memory_space<hbm>>
    tpu.enqueue_indirect_dma source(%dma_start3A_23 : memref<100000x128xf32, #tpu.memory_space<hbm>>) target(%arg6 : memref<80x128xf32, #tpu.memory_space<vmem>>) offsets(%dma_start3A_20 : memref<80xi32, #tpu.memory_space<vmem>>) semaphore(%arg7 : memref<!tpu.dma_semaphore, #tpu.memory_space<semaphore_mem>>)
    %dma_wait3A_24 = arith.constant 1 : i32
    %dma_wait3A_25 = arith.constant 0 : i32
    %dma_wait3A_26 = tpu.memref_slice %arg5[%dma_wait3A_24, %dma_wait3A_25] : memref<4x80xi32, #tpu.memory_space<vmem>> -> memref<1x80xi32, #tpu.memory_space<vmem>>
    %dma_wait3A_27 = tpu.memref_squeeze %dma_wait3A_26 : memref<1x80xi32, #tpu.memory_space<vmem>> -> memref<80xi32, #tpu.memory_space<vmem>>
    %dma_wait3A_28 = arith.constant 0 : i32
    %dma_wait3A_29 = arith.constant 0 : i32
    %dma_wait3A_30 = tpu.memref_slice %arg3[%dma_wait3A_28, %dma_wait3A_29] : memref<100000x128xf32, #tpu.memory_space<hbm>> -> memref<100000x128xf32, #tpu.memory_space<hbm>>
    tpu.wait_indirect_dma semaphore(%arg7 : memref<!tpu.dma_semaphore, #tpu.memory_space<semaphore_mem>>) src(%dma_wait3A_30 : memref<100000x128xf32, #tpu.memory_space<hbm>>) dst(%arg6 : memref<80x128xf32, #tpu.memory_space<vmem>>)
    %add3A_31 = arith.constant 80 : i32
    %add3A_32 = arith.addi %mul3A_2, %add3A_31 : i32
    "tpu.region"() ({
      %run_scoped3A = tpu.sem_alloc : memref<!tpu.dma_semaphore, #tpu.memory_space<semaphore_mem>>
      %dma_start3A_65 = arith.constant 0 : i32
      %dma_start3A_66 = tpu.memref_slice %arg4[%add3A_32, %dma_start3A_65] : memref<10240x128xf32, #tpu.memory_space<hbm>> -> memref<80x128xf32, #tpu.memory_space<hbm>>
      %dma_start3A_67 = arith.constant 0 : i32
      %dma_start3A_68 = tpu.memref_slice %arg4[%add3A_32, %dma_start3A_67] : memref<10240x128xf32, #tpu.memory_space<hbm>> -> memref<80x128xf32, #tpu.memory_space<hbm>>
      tpu.enqueue_dma source(%arg6 : memref<80x128xf32, #tpu.memory_space<vmem>>) target(%dma_start3A_68 : memref<80x128xf32, #tpu.memory_space<hbm>>) target_semaphore(%run_scoped3A : memref<!tpu.dma_semaphore, #tpu.memory_space<semaphore_mem>>)
      %dma_wait3A_69 = arith.constant 0 : i32
      %dma_wait3A_70 = tpu.memref_slice %arg4[%add3A_32, %dma_wait3A_69] : memref<10240x128xf32, #tpu.memory_space<hbm>> -> memref<80x128xf32, #tpu.memory_space<hbm>>
      %dma_wait3A_71 = arith.constant 0 : i32
      %dma_wait3A_72 = tpu.memref_slice %arg4[%add3A_32, %dma_wait3A_71] : memref<10240x128xf32, #tpu.memory_space<hbm>> -> memref<80x128xf32, #tpu.memory_space<hbm>>
      tpu.wait_dma2 semaphore(%run_scoped3A : memref<!tpu.dma_semaphore, #tpu.memory_space<semaphore_mem>>) src(%arg6 : memref<80x128xf32, #tpu.memory_space<vmem>>) dst(%dma_wait3A_72 : memref<80x128xf32, #tpu.memory_space<hbm>>)
      tpu.yield
    }) : () -> ()
    %dma_start3A_33 = arith.constant 2 : i32
    %dma_start3A_34 = arith.constant 0 : i32
    %dma_start3A_35 = tpu.memref_slice %arg5[%dma_start3A_33, %dma_start3A_34] : memref<4x80xi32, #tpu.memory_space<vmem>> -> memref<1x80xi32, #tpu.memory_space<vmem>>
    %dma_start3A_36 = tpu.memref_squeeze %dma_start3A_35 : memref<1x80xi32, #tpu.memory_space<vmem>> -> memref<80xi32, #tpu.memory_space<vmem>>
    %dma_start3A_37 = arith.constant 0 : i32
    %dma_start3A_38 = arith.constant 0 : i32
    %dma_start3A_39 = tpu.memref_slice %arg3[%dma_start3A_37, %dma_start3A_38] : memref<100000x128xf32, #tpu.memory_space<hbm>> -> memref<100000x128xf32, #tpu.memory_space<hbm>>
    tpu.enqueue_indirect_dma source(%dma_start3A_39 : memref<100000x128xf32, #tpu.memory_space<hbm>>) target(%arg6 : memref<80x128xf32, #tpu.memory_space<vmem>>) offsets(%dma_start3A_36 : memref<80xi32, #tpu.memory_space<vmem>>) semaphore(%arg7 : memref<!tpu.dma_semaphore, #tpu.memory_space<semaphore_mem>>)
    %dma_wait3A_40 = arith.constant 2 : i32
    %dma_wait3A_41 = arith.constant 0 : i32
    %dma_wait3A_42 = tpu.memref_slice %arg5[%dma_wait3A_40, %dma_wait3A_41] : memref<4x80xi32, #tpu.memory_space<vmem>> -> memref<1x80xi32, #tpu.memory_space<vmem>>
    %dma_wait3A_43 = tpu.memref_squeeze %dma_wait3A_42 : memref<1x80xi32, #tpu.memory_space<vmem>> -> memref<80xi32, #tpu.memory_space<vmem>>
    %dma_wait3A_44 = arith.constant 0 : i32
    %dma_wait3A_45 = arith.constant 0 : i32
    %dma_wait3A_46 = tpu.memref_slice %arg3[%dma_wait3A_44, %dma_wait3A_45] : memref<100000x128xf32, #tpu.memory_space<hbm>> -> memref<100000x128xf32, #tpu.memory_space<hbm>>
    tpu.wait_indirect_dma semaphore(%arg7 : memref<!tpu.dma_semaphore, #tpu.memory_space<semaphore_mem>>) src(%dma_wait3A_46 : memref<100000x128xf32, #tpu.memory_space<hbm>>) dst(%arg6 : memref<80x128xf32, #tpu.memory_space<vmem>>)
    %add3A_47 = arith.constant 160 : i32
    %add3A_48 = arith.addi %mul3A_2, %add3A_47 : i32
    "tpu.region"() ({
      %run_scoped3A = tpu.sem_alloc : memref<!tpu.dma_semaphore, #tpu.memory_space<semaphore_mem>>
      %dma_start3A_65 = arith.constant 0 : i32
      %dma_start3A_66 = tpu.memref_slice %arg4[%add3A_48, %dma_start3A_65] : memref<10240x128xf32, #tpu.memory_space<hbm>> -> memref<80x128xf32, #tpu.memory_space<hbm>>
      %dma_start3A_67 = arith.constant 0 : i32
      %dma_start3A_68 = tpu.memref_slice %arg4[%add3A_48, %dma_start3A_67] : memref<10240x128xf32, #tpu.memory_space<hbm>> -> memref<80x128xf32, #tpu.memory_space<hbm>>
      tpu.enqueue_dma source(%arg6 : memref<80x128xf32, #tpu.memory_space<vmem>>) target(%dma_start3A_68 : memref<80x128xf32, #tpu.memory_space<hbm>>) target_semaphore(%run_scoped3A : memref<!tpu.dma_semaphore, #tpu.memory_space<semaphore_mem>>)
      %dma_wait3A_69 = arith.constant 0 : i32
      %dma_wait3A_70 = tpu.memref_slice %arg4[%add3A_48, %dma_wait3A_69] : memref<10240x128xf32, #tpu.memory_space<hbm>> -> memref<80x128xf32, #tpu.memory_space<hbm>>
      %dma_wait3A_71 = arith.constant 0 : i32
      %dma_wait3A_72 = tpu.memref_slice %arg4[%add3A_48, %dma_wait3A_71] : memref<10240x128xf32, #tpu.memory_space<hbm>> -> memref<80x128xf32, #tpu.memory_space<hbm>>
      tpu.wait_dma2 semaphore(%run_scoped3A : memref<!tpu.dma_semaphore, #tpu.memory_space<semaphore_mem>>) src(%arg6 : memref<80x128xf32, #tpu.memory_space<vmem>>) dst(%dma_wait3A_72 : memref<80x128xf32, #tpu.memory_space<hbm>>)
      tpu.yield
    }) : () -> ()
    %dma_start3A_49 = arith.constant 3 : i32
    %dma_start3A_50 = arith.constant 0 : i32
    %dma_start3A_51 = tpu.memref_slice %arg5[%dma_start3A_49, %dma_start3A_50] : memref<4x80xi32, #tpu.memory_space<vmem>> -> memref<1x80xi32, #tpu.memory_space<vmem>>
    %dma_start3A_52 = tpu.memref_squeeze %dma_start3A_51 : memref<1x80xi32, #tpu.memory_space<vmem>> -> memref<80xi32, #tpu.memory_space<vmem>>
    %dma_start3A_53 = arith.constant 0 : i32
    %dma_start3A_54 = arith.constant 0 : i32
    %dma_start3A_55 = tpu.memref_slice %arg3[%dma_start3A_53, %dma_start3A_54] : memref<100000x128xf32, #tpu.memory_space<hbm>> -> memref<100000x128xf32, #tpu.memory_space<hbm>>
    tpu.enqueue_indirect_dma source(%dma_start3A_55 : memref<100000x128xf32, #tpu.memory_space<hbm>>) target(%arg6 : memref<80x128xf32, #tpu.memory_space<vmem>>) offsets(%dma_start3A_52 : memref<80xi32, #tpu.memory_space<vmem>>) semaphore(%arg7 : memref<!tpu.dma_semaphore, #tpu.memory_space<semaphore_mem>>)
    %dma_wait3A_56 = arith.constant 3 : i32
    %dma_wait3A_57 = arith.constant 0 : i32
    %dma_wait3A_58 = tpu.memref_slice %arg5[%dma_wait3A_56, %dma_wait3A_57] : memref<4x80xi32, #tpu.memory_space<vmem>> -> memref<1x80xi32, #tpu.memory_space<vmem>>
    %dma_wait3A_59 = tpu.memref_squeeze %dma_wait3A_58 : memref<1x80xi32, #tpu.memory_space<vmem>> -> memref<80xi32, #tpu.memory_space<vmem>>
    %dma_wait3A_60 = arith.constant 0 : i32
    %dma_wait3A_61 = arith.constant 0 : i32
    %dma_wait3A_62 = tpu.memref_slice %arg3[%dma_wait3A_60, %dma_wait3A_61] : memref<100000x128xf32, #tpu.memory_space<hbm>> -> memref<100000x128xf32, #tpu.memory_space<hbm>>
    tpu.wait_indirect_dma semaphore(%arg7 : memref<!tpu.dma_semaphore, #tpu.memory_space<semaphore_mem>>) src(%dma_wait3A_62 : memref<100000x128xf32, #tpu.memory_space<hbm>>) dst(%arg6 : memref<80x128xf32, #tpu.memory_space<vmem>>)
    %add3A_63 = arith.constant 240 : i32
    %add3A_64 = arith.addi %mul3A_2, %add3A_63 : i32
    "tpu.region"() ({
      %run_scoped3A = tpu.sem_alloc : memref<!tpu.dma_semaphore, #tpu.memory_space<semaphore_mem>>
      %dma_start3A_65 = arith.constant 0 : i32
      %dma_start3A_66 = tpu.memref_slice %arg4[%add3A_64, %dma_start3A_65] : memref<10240x128xf32, #tpu.memory_space<hbm>> -> memref<80x128xf32, #tpu.memory_space<hbm>>
      %dma_start3A_67 = arith.constant 0 : i32
      %dma_start3A_68 = tpu.memref_slice %arg4[%add3A_64, %dma_start3A_67] : memref<10240x128xf32, #tpu.memory_space<hbm>> -> memref<80x128xf32, #tpu.memory_space<hbm>>
      tpu.enqueue_dma source(%arg6 : memref<80x128xf32, #tpu.memory_space<vmem>>) target(%dma_start3A_68 : memref<80x128xf32, #tpu.memory_space<hbm>>) target_semaphore(%run_scoped3A : memref<!tpu.dma_semaphore, #tpu.memory_space<semaphore_mem>>)
      %dma_wait3A_69 = arith.constant 0 : i32
      %dma_wait3A_70 = tpu.memref_slice %arg4[%add3A_64, %dma_wait3A_69] : memref<10240x128xf32, #tpu.memory_space<hbm>> -> memref<80x128xf32, #tpu.memory_space<hbm>>
      %dma_wait3A_71 = arith.constant 0 : i32
      %dma_wait3A_72 = tpu.memref_slice %arg4[%add3A_64, %dma_wait3A_71] : memref<10240x128xf32, #tpu.memory_space<hbm>> -> memref<80x128xf32, #tpu.memory_space<hbm>>
      tpu.wait_dma2 semaphore(%run_scoped3A : memref<!tpu.dma_semaphore, #tpu.memory_space<semaphore_mem>>) src(%arg6 : memref<80x128xf32, #tpu.memory_space<vmem>>) dst(%dma_wait3A_72 : memref<80x128xf32, #tpu.memory_space<hbm>>)
      tpu.yield
    }) : () -> ()
    return
  }
}

#map = affine_map<(d0, d1) -> (0, 0, 0)>
#map1 = affine_map<(d0, d1) -> (0, 0)>
module attributes {stable_mosaic.version = 14 : i64} {
  func.func @body(%arg0: i32, %arg1: i32, %arg2: memref<16x160x128xi32, #tpu.memory_space<hbm>>, %arg3: memref<16x160x128xi32, #tpu.memory_space<hbm>>, %arg4: memref<2x10240x64xf32, #tpu.memory_space<hbm>>, %arg5: memref<2x10240x64xf32, #tpu.memory_space<hbm>>, %arg6: memref<640x64xf32, #tpu.memory_space<hbm>>, %arg7: memref<640x16xf32, #tpu.memory_space<hbm>>, %arg8: memref<128x16xf32, #tpu.memory_space<hbm>>, %arg9: memref<2x10240x64xf32, #tpu.memory_space<hbm>>, %arg10: memref<2x10240x16xf32, #tpu.memory_space<hbm>>, %arg11: memref<160x128xi32, #tpu.memory_space<vmem>>, %arg12: memref<160x128xi32, #tpu.memory_space<vmem>>, %arg13: memref<128x64xf32, #tpu.memory_space<vmem>>, %arg14: memref<128x64xf32, #tpu.memory_space<vmem>>, %arg15: memref<128x64xf32, #tpu.memory_space<vmem>>, %arg16: memref<128x64xf32, #tpu.memory_space<vmem>>, %arg17: memref<128x16xf32, #tpu.memory_space<vmem>>, %arg18: memref<10240x64xf32, #tpu.memory_space<vmem_shared>>, %arg19: memref<10240x16xf32, #tpu.memory_space<vmem_shared>>, %arg20: memref<!tpu.dma_semaphore, #tpu.memory_space<semaphore_mem>>, %arg21: memref<!tpu.dma_semaphore, #tpu.memory_space<semaphore_mem>>, %arg22: memref<!tpu.dma_semaphore, #tpu.memory_space<semaphore_mem>>) attributes {dimension_semantics = [#tpu.dimension_semantics<core_parallel>, #tpu.dimension_semantics<subcore_parallel>], iteration_bounds = array<i64: 2, 16>, scalar_prefetch = 0 : i64, scratch_operands = 12 : i64, tpu.core_type = #tpu.core_type<sc_vector_subcore>, window_params = [{transform_indices = #map}, {transform_indices = #map}, {transform_indices = #map}, {transform_indices = #map}, {transform_indices = #map1}, {transform_indices = #map1}, {transform_indices = #map1}, {transform_indices = #map}, {transform_indices = #map}]} {
    "tpu.region"() ({
      %run_scoped3A = tpu.sem_alloc : memref<!tpu.dma_semaphore, #tpu.memory_space<semaphore_mem>>
      %dma_start3A_45 = arith.constant 0 : i32
      %dma_start3A_46 = arith.constant 0 : i32
      %dma_start3A_47 = tpu.memref_slice %arg2[%arg1, %dma_start3A_45, %dma_start3A_46] : memref<16x160x128xi32, #tpu.memory_space<hbm>> -> memref<1x160x128xi32, #tpu.memory_space<hbm>>
      %dma_start3A_48 = tpu.memref_squeeze %dma_start3A_47 : memref<1x160x128xi32, #tpu.memory_space<hbm>> -> memref<160x128xi32, #tpu.memory_space<hbm>>
      %dma_start3A_49 = arith.constant 0 : i32
      %dma_start3A_50 = arith.constant 0 : i32
      %dma_start3A_51 = tpu.memref_slice %arg2[%arg1, %dma_start3A_49, %dma_start3A_50] : memref<16x160x128xi32, #tpu.memory_space<hbm>> -> memref<1x160x128xi32, #tpu.memory_space<hbm>>
      %dma_start3A_52 = tpu.memref_squeeze %dma_start3A_51 : memref<1x160x128xi32, #tpu.memory_space<hbm>> -> memref<160x128xi32, #tpu.memory_space<hbm>>
      tpu.enqueue_dma source(%dma_start3A_52 : memref<160x128xi32, #tpu.memory_space<hbm>>) target(%arg11 : memref<160x128xi32, #tpu.memory_space<vmem>>) target_semaphore(%run_scoped3A : memref<!tpu.dma_semaphore, #tpu.memory_space<semaphore_mem>>)
      %dma_wait3A_53 = arith.constant 0 : i32
      %dma_wait3A_54 = arith.constant 0 : i32
      %dma_wait3A_55 = tpu.memref_slice %arg2[%arg1, %dma_wait3A_53, %dma_wait3A_54] : memref<16x160x128xi32, #tpu.memory_space<hbm>> -> memref<1x160x128xi32, #tpu.memory_space<hbm>>
      %dma_wait3A_56 = tpu.memref_squeeze %dma_wait3A_55 : memref<1x160x128xi32, #tpu.memory_space<hbm>> -> memref<160x128xi32, #tpu.memory_space<hbm>>
      %dma_wait3A_57 = arith.constant 0 : i32
      %dma_wait3A_58 = arith.constant 0 : i32
      %dma_wait3A_59 = tpu.memref_slice %arg2[%arg1, %dma_wait3A_57, %dma_wait3A_58] : memref<16x160x128xi32, #tpu.memory_space<hbm>> -> memref<1x160x128xi32, #tpu.memory_space<hbm>>
      %dma_wait3A_60 = tpu.memref_squeeze %dma_wait3A_59 : memref<1x160x128xi32, #tpu.memory_space<hbm>> -> memref<160x128xi32, #tpu.memory_space<hbm>>
      tpu.wait_dma2 semaphore(%run_scoped3A : memref<!tpu.dma_semaphore, #tpu.memory_space<semaphore_mem>>) src(%dma_wait3A_60 : memref<160x128xi32, #tpu.memory_space<hbm>>) dst(%arg11 : memref<160x128xi32, #tpu.memory_space<vmem>>)
      tpu.yield
    }) : () -> ()
    "tpu.region"() ({
      %run_scoped3A = tpu.sem_alloc : memref<!tpu.dma_semaphore, #tpu.memory_space<semaphore_mem>>
      %dma_start3A_45 = arith.constant 0 : i32
      %dma_start3A_46 = arith.constant 0 : i32
      %dma_start3A_47 = tpu.memref_slice %arg3[%arg1, %dma_start3A_45, %dma_start3A_46] : memref<16x160x128xi32, #tpu.memory_space<hbm>> -> memref<1x160x128xi32, #tpu.memory_space<hbm>>
      %dma_start3A_48 = tpu.memref_squeeze %dma_start3A_47 : memref<1x160x128xi32, #tpu.memory_space<hbm>> -> memref<160x128xi32, #tpu.memory_space<hbm>>
      %dma_start3A_49 = arith.constant 0 : i32
      %dma_start3A_50 = arith.constant 0 : i32
      %dma_start3A_51 = tpu.memref_slice %arg3[%arg1, %dma_start3A_49, %dma_start3A_50] : memref<16x160x128xi32, #tpu.memory_space<hbm>> -> memref<1x160x128xi32, #tpu.memory_space<hbm>>
      %dma_start3A_52 = tpu.memref_squeeze %dma_start3A_51 : memref<1x160x128xi32, #tpu.memory_space<hbm>> -> memref<160x128xi32, #tpu.memory_space<hbm>>
      tpu.enqueue_dma source(%dma_start3A_52 : memref<160x128xi32, #tpu.memory_space<hbm>>) target(%arg12 : memref<160x128xi32, #tpu.memory_space<vmem>>) target_semaphore(%run_scoped3A : memref<!tpu.dma_semaphore, #tpu.memory_space<semaphore_mem>>)
      %dma_wait3A_53 = arith.constant 0 : i32
      %dma_wait3A_54 = arith.constant 0 : i32
      %dma_wait3A_55 = tpu.memref_slice %arg3[%arg1, %dma_wait3A_53, %dma_wait3A_54] : memref<16x160x128xi32, #tpu.memory_space<hbm>> -> memref<1x160x128xi32, #tpu.memory_space<hbm>>
      %dma_wait3A_56 = tpu.memref_squeeze %dma_wait3A_55 : memref<1x160x128xi32, #tpu.memory_space<hbm>> -> memref<160x128xi32, #tpu.memory_space<hbm>>
      %dma_wait3A_57 = arith.constant 0 : i32
      %dma_wait3A_58 = arith.constant 0 : i32
      %dma_wait3A_59 = tpu.memref_slice %arg3[%arg1, %dma_wait3A_57, %dma_wait3A_58] : memref<16x160x128xi32, #tpu.memory_space<hbm>> -> memref<1x160x128xi32, #tpu.memory_space<hbm>>
      %dma_wait3A_60 = tpu.memref_squeeze %dma_wait3A_59 : memref<1x160x128xi32, #tpu.memory_space<hbm>> -> memref<160x128xi32, #tpu.memory_space<hbm>>
      tpu.wait_dma2 semaphore(%run_scoped3A : memref<!tpu.dma_semaphore, #tpu.memory_space<semaphore_mem>>) src(%dma_wait3A_60 : memref<160x128xi32, #tpu.memory_space<hbm>>) dst(%arg12 : memref<160x128xi32, #tpu.memory_space<vmem>>)
      tpu.yield
    }) : () -> ()
    %dma_start3A = arith.constant 0 : i32
    %dma_start3A_0 = arith.constant 0 : i32
    %dma_start3A_1 = tpu.memref_slice %arg11[%dma_start3A, %dma_start3A_0] : memref<160x128xi32, #tpu.memory_space<vmem>> -> memref<1x128xi32, #tpu.memory_space<vmem>>
    %dma_start3A_2 = tpu.memref_squeeze %dma_start3A_1 : memref<1x128xi32, #tpu.memory_space<vmem>> -> memref<128xi32, #tpu.memory_space<vmem>>
    %dma_start3A_3 = arith.constant 0 : i32
    %dma_start3A_4 = arith.constant 0 : i32
    %dma_start3A_5 = tpu.memref_slice %arg4[%arg0, %dma_start3A_3, %dma_start3A_4] : memref<2x10240x64xf32, #tpu.memory_space<hbm>> -> memref<1x10240x64xf32, #tpu.memory_space<hbm>>
    %dma_start3A_6 = tpu.memref_squeeze %dma_start3A_5 : memref<1x10240x64xf32, #tpu.memory_space<hbm>> -> memref<10240x64xf32, #tpu.memory_space<hbm>>
    %dma_start3A_7 = arith.constant 0 : i32
    %dma_start3A_8 = arith.constant 0 : i32
    %dma_start3A_9 = tpu.memref_slice %dma_start3A_6[%dma_start3A_7, %dma_start3A_8] : memref<10240x64xf32, #tpu.memory_space<hbm>> -> memref<10240x64xf32, #tpu.memory_space<hbm>>
    tpu.enqueue_indirect_dma source(%dma_start3A_9 : memref<10240x64xf32, #tpu.memory_space<hbm>>) target(%arg13 : memref<128x64xf32, #tpu.memory_space<vmem>>) offsets(%dma_start3A_2 : memref<128xi32, #tpu.memory_space<vmem>>) semaphore(%arg20 : memref<!tpu.dma_semaphore, #tpu.memory_space<semaphore_mem>>)
    %dma_start3A_10 = arith.constant 0 : i32
    %dma_start3A_11 = arith.constant 0 : i32
    %dma_start3A_12 = tpu.memref_slice %arg12[%dma_start3A_10, %dma_start3A_11] : memref<160x128xi32, #tpu.memory_space<vmem>> -> memref<1x128xi32, #tpu.memory_space<vmem>>
    %dma_start3A_13 = tpu.memref_squeeze %dma_start3A_12 : memref<1x128xi32, #tpu.memory_space<vmem>> -> memref<128xi32, #tpu.memory_space<vmem>>
    %dma_start3A_14 = arith.constant 0 : i32
    %dma_start3A_15 = arith.constant 0 : i32
    %dma_start3A_16 = tpu.memref_slice %arg5[%arg0, %dma_start3A_14, %dma_start3A_15] : memref<2x10240x64xf32, #tpu.memory_space<hbm>> -> memref<1x10240x64xf32, #tpu.memory_space<hbm>>
    %dma_start3A_17 = tpu.memref_squeeze %dma_start3A_16 : memref<1x10240x64xf32, #tpu.memory_space<hbm>> -> memref<10240x64xf32, #tpu.memory_space<hbm>>
    %dma_start3A_18 = arith.constant 0 : i32
    %dma_start3A_19 = arith.constant 0 : i32
    %dma_start3A_20 = tpu.memref_slice %dma_start3A_17[%dma_start3A_18, %dma_start3A_19] : memref<10240x64xf32, #tpu.memory_space<hbm>> -> memref<10240x64xf32, #tpu.memory_space<hbm>>
    tpu.enqueue_indirect_dma source(%dma_start3A_20 : memref<10240x64xf32, #tpu.memory_space<hbm>>) target(%arg15 : memref<128x64xf32, #tpu.memory_space<vmem>>) offsets(%dma_start3A_13 : memref<128xi32, #tpu.memory_space<vmem>>) semaphore(%arg20 : memref<!tpu.dma_semaphore, #tpu.memory_space<semaphore_mem>>)
    %mul3A = arith.constant 640 : i32
    %mul3A_21 = arith.muli %arg1, %mul3A : i32
    "tpu.region"() ({
      %run_scoped3A = tpu.sem_alloc : memref<!tpu.dma_semaphore, #tpu.memory_space<semaphore_mem>>
      %dma_start3A_45 = arith.constant 0 : i32
      %dma_start3A_46 = tpu.memref_slice %arg18[%mul3A_21, %dma_start3A_45] : memref<10240x64xf32, #tpu.memory_space<vmem_shared>> -> memref<640x64xf32, #tpu.memory_space<vmem_shared>>
      tpu.enqueue_dma source(%arg6 : memref<640x64xf32, #tpu.memory_space<hbm>>) target(%dma_start3A_46 : memref<640x64xf32, #tpu.memory_space<vmem_shared>>) target_semaphore(%run_scoped3A : memref<!tpu.dma_semaphore, #tpu.memory_space<semaphore_mem>>)
      %dma_wait3A_47 = arith.constant 0 : i32
      %dma_wait3A_48 = tpu.memref_slice %arg18[%mul3A_21, %dma_wait3A_47] : memref<10240x64xf32, #tpu.memory_space<vmem_shared>> -> memref<640x64xf32, #tpu.memory_space<vmem_shared>>
      tpu.wait_dma2 semaphore(%run_scoped3A : memref<!tpu.dma_semaphore, #tpu.memory_space<semaphore_mem>>) src(%arg6 : memref<640x64xf32, #tpu.memory_space<hbm>>) dst(%dma_wait3A_48 : memref<640x64xf32, #tpu.memory_space<vmem_shared>>)
      tpu.yield
    }) : () -> ()
    "tpu.region"() ({
      %run_scoped3A = tpu.sem_alloc : memref<!tpu.dma_semaphore, #tpu.memory_space<semaphore_mem>>
      tpu.enqueue_dma source(%arg8 : memref<128x16xf32, #tpu.memory_space<hbm>>) target(%arg17 : memref<128x16xf32, #tpu.memory_space<vmem>>) target_semaphore(%run_scoped3A : memref<!tpu.dma_semaphore, #tpu.memory_space<semaphore_mem>>)
      tpu.wait_dma2 semaphore(%run_scoped3A : memref<!tpu.dma_semaphore, #tpu.memory_space<semaphore_mem>>) src(%arg8 : memref<128x16xf32, #tpu.memory_space<hbm>>) dst(%arg17 : memref<128x16xf32, #tpu.memory_space<vmem>>)
      tpu.yield
    }) : () -> ()
    %mul3A_22 = arith.constant 640 : i32
    %mul3A_23 = arith.muli %arg1, %mul3A_22 : i32
    "tpu.region"() ({
      %run_scoped3A = tpu.sem_alloc : memref<!tpu.dma_semaphore, #tpu.memory_space<semaphore_mem>>
      %dma_start3A_45 = arith.constant 0 : i32
      %dma_start3A_46 = tpu.memref_slice %arg19[%mul3A_23, %dma_start3A_45] : memref<10240x16xf32, #tpu.memory_space<vmem_shared>> -> memref<640x16xf32, #tpu.memory_space<vmem_shared>>
      tpu.enqueue_dma source(%arg7 : memref<640x16xf32, #tpu.memory_space<hbm>>) target(%dma_start3A_46 : memref<640x16xf32, #tpu.memory_space<vmem_shared>>) target_semaphore(%run_scoped3A : memref<!tpu.dma_semaphore, #tpu.memory_space<semaphore_mem>>)
      %dma_wait3A_47 = arith.constant 0 : i32
      %dma_wait3A_48 = tpu.memref_slice %arg19[%mul3A_23, %dma_wait3A_47] : memref<10240x16xf32, #tpu.memory_space<vmem_shared>> -> memref<640x16xf32, #tpu.memory_space<vmem_shared>>
      tpu.wait_dma2 semaphore(%run_scoped3A : memref<!tpu.dma_semaphore, #tpu.memory_space<semaphore_mem>>) src(%arg7 : memref<640x16xf32, #tpu.memory_space<hbm>>) dst(%dma_wait3A_48 : memref<640x16xf32, #tpu.memory_space<vmem_shared>>)
      tpu.yield
    }) : () -> ()
    %barrier3A = arith.constant 0 : index
    tpu.barrier barrier_id(%barrier3A)
    %eq3A = arith.constant 0 : i32
    %eq3A_24 = arith.cmpi eq, %arg0, %eq3A : i32
    %convert_element_type3A = arith.extui %eq3A_24 : i1 to i32
    %cond3A = arith.constant 0 : i32
    %cond3A_25 = arith.cmpi ne, %convert_element_type3A, %cond3A : i32
    scf.if %cond3A_25 {
      %scan3A = arith.constant 0 : i32
      %scan3A_45 = arith.constant 0 : i32
      %scan3A_46 = arith.constant 80 : i32
      %scan3A_47 = arith.addi %scan3A_45, %scan3A_46 : i32
      %scan3A_48 = arith.constant 1 : i32
      scf.for %scan3A_50 = %scan3A_45 to %scan3A_47 step %scan3A_48  : i32 {
        %mul3A_51 = arith.constant 2 : i32
        %mul3A_52 = arith.muli %mul3A_51, %scan3A_50 : i32
        %add3A = arith.constant 0 : i32
        %add3A_53 = arith.addi %mul3A_52, %add3A : i32
        %add3A_54 = arith.constant 2 : i32
        %add3A_55 = arith.addi %add3A_53, %add3A_54 : i32
        %sub3A = arith.constant 1 : i32
        %sub3A_56 = arith.subi %add3A_55, %sub3A : i32
        %lt3A = arith.constant 160 : i32
        %lt3A_57 = arith.cmpi slt, %sub3A_56, %lt3A : i32
        %convert_element_type3A_58 = arith.extui %lt3A_57 : i1 to i32
        %cond3A_59 = arith.constant 0 : i32
        %cond3A_60 = arith.cmpi ne, %convert_element_type3A_58, %cond3A_59 : i32
        scf.if %cond3A_60 {
          %add3A_151 = arith.constant 2 : i32
          %add3A_152 = arith.addi %add3A_53, %add3A_151 : i32
          %sub3A_153 = arith.constant 1 : i32
          %sub3A_154 = arith.subi %add3A_152, %sub3A_153 : i32
          %dma_start3A_155 = arith.constant 0 : i32
          %dma_start3A_156 = tpu.memref_slice %arg11[%sub3A_154, %dma_start3A_155] : memref<160x128xi32, #tpu.memory_space<vmem>> -> memref<1x128xi32, #tpu.memory_space<vmem>>
          %dma_start3A_157 = tpu.memref_squeeze %dma_start3A_156 : memref<1x128xi32, #tpu.memory_space<vmem>> -> memref<128xi32, #tpu.memory_space<vmem>>
          %dma_start3A_158 = arith.constant 0 : i32
          %dma_start3A_159 = arith.constant 0 : i32
          %dma_start3A_160 = tpu.memref_slice %arg4[%arg0, %dma_start3A_158, %dma_start3A_159] : memref<2x10240x64xf32, #tpu.memory_space<hbm>> -> memref<1x10240x64xf32, #tpu.memory_space<hbm>>
          %dma_start3A_161 = tpu.memref_squeeze %dma_start3A_160 : memref<1x10240x64xf32, #tpu.memory_space<hbm>> -> memref<10240x64xf32, #tpu.memory_space<hbm>>
          %dma_start3A_162 = arith.constant 0 : i32
          %dma_start3A_163 = arith.constant 0 : i32
          %dma_start3A_164 = tpu.memref_slice %dma_start3A_161[%dma_start3A_162, %dma_start3A_163] : memref<10240x64xf32, #tpu.memory_space<hbm>> -> memref<10240x64xf32, #tpu.memory_space<hbm>>
          tpu.enqueue_indirect_dma source(%dma_start3A_164 : memref<10240x64xf32, #tpu.memory_space<hbm>>) target(%arg14 : memref<128x64xf32, #tpu.memory_space<vmem>>) offsets(%dma_start3A_157 : memref<128xi32, #tpu.memory_space<vmem>>) semaphore(%arg21 : memref<!tpu.dma_semaphore, #tpu.memory_space<semaphore_mem>>)
          %add3A_165 = arith.constant 2 : i32
          %add3A_166 = arith.addi %add3A_53, %add3A_165 : i32
          %sub3A_167 = arith.constant 1 : i32
          %sub3A_168 = arith.subi %add3A_166, %sub3A_167 : i32
          %dma_start3A_169 = arith.constant 0 : i32
          %dma_start3A_170 = tpu.memref_slice %arg12[%sub3A_168, %dma_start3A_169] : memref<160x128xi32, #tpu.memory_space<vmem>> -> memref<1x128xi32, #tpu.memory_space<vmem>>
          %dma_start3A_171 = tpu.memref_squeeze %dma_start3A_170 : memref<1x128xi32, #tpu.memory_space<vmem>> -> memref<128xi32, #tpu.memory_space<vmem>>
          %dma_start3A_172 = arith.constant 0 : i32
          %dma_start3A_173 = arith.constant 0 : i32
          %dma_start3A_174 = tpu.memref_slice %arg5[%arg0, %dma_start3A_172, %dma_start3A_173] : memref<2x10240x64xf32, #tpu.memory_space<hbm>> -> memref<1x10240x64xf32, #tpu.memory_space<hbm>>
          %dma_start3A_175 = tpu.memref_squeeze %dma_start3A_174 : memref<1x10240x64xf32, #tpu.memory_space<hbm>> -> memref<10240x64xf32, #tpu.memory_space<hbm>>
          %dma_start3A_176 = arith.constant 0 : i32
          %dma_start3A_177 = arith.constant 0 : i32
          %dma_start3A_178 = tpu.memref_slice %dma_start3A_175[%dma_start3A_176, %dma_start3A_177] : memref<10240x64xf32, #tpu.memory_space<hbm>> -> memref<10240x64xf32, #tpu.memory_space<hbm>>
          tpu.enqueue_indirect_dma source(%dma_start3A_178 : memref<10240x64xf32, #tpu.memory_space<hbm>>) target(%arg16 : memref<128x64xf32, #tpu.memory_space<vmem>>) offsets(%dma_start3A_171 : memref<128xi32, #tpu.memory_space<vmem>>) semaphore(%arg21 : memref<!tpu.dma_semaphore, #tpu.memory_space<semaphore_mem>>)
        } else {
        }
        %dma_wait3A_61 = arith.constant 0 : i32
        %dma_wait3A_62 = arith.constant 0 : i32
        %dma_wait3A_63 = tpu.memref_slice %arg4[%arg0, %dma_wait3A_61, %dma_wait3A_62] : memref<2x10240x64xf32, #tpu.memory_space<hbm>> -> memref<1x10240x64xf32, #tpu.memory_space<hbm>>
        %dma_wait3A_64 = tpu.memref_squeeze %dma_wait3A_63 : memref<1x10240x64xf32, #tpu.memory_space<hbm>> -> memref<10240x64xf32, #tpu.memory_space<hbm>>
        %dma_wait3A_65 = arith.constant 0 : i32
        %dma_wait3A_66 = arith.constant 0 : i32
        %dma_wait3A_67 = tpu.memref_slice %dma_wait3A_64[%dma_wait3A_65, %dma_wait3A_66] : memref<10240x64xf32, #tpu.memory_space<hbm>> -> memref<128x64xf32, #tpu.memory_space<hbm>>
        %dma_wait3A_68 = arith.constant 0 : i32
        %dma_wait3A_69 = arith.constant 0 : i32
        %dma_wait3A_70 = tpu.memref_slice %arg4[%arg0, %dma_wait3A_68, %dma_wait3A_69] : memref<2x10240x64xf32, #tpu.memory_space<hbm>> -> memref<1x10240x64xf32, #tpu.memory_space<hbm>>
        %dma_wait3A_71 = tpu.memref_squeeze %dma_wait3A_70 : memref<1x10240x64xf32, #tpu.memory_space<hbm>> -> memref<10240x64xf32, #tpu.memory_space<hbm>>
        %dma_wait3A_72 = arith.constant 0 : i32
        %dma_wait3A_73 = arith.constant 0 : i32
        %dma_wait3A_74 = tpu.memref_slice %dma_wait3A_71[%dma_wait3A_72, %dma_wait3A_73] : memref<10240x64xf32, #tpu.memory_space<hbm>> -> memref<128x64xf32, #tpu.memory_space<hbm>>
        tpu.wait_dma2 semaphore(%arg20 : memref<!tpu.dma_semaphore, #tpu.memory_space<semaphore_mem>>) src(%dma_wait3A_74 : memref<128x64xf32, #tpu.memory_space<hbm>>) dst(%arg13 : memref<128x64xf32, #tpu.memory_space<vmem>>)
        %dma_wait3A_75 = arith.constant 0 : i32
        %dma_wait3A_76 = arith.constant 0 : i32
        %dma_wait3A_77 = tpu.memref_slice %arg4[%arg0, %dma_wait3A_75, %dma_wait3A_76] : memref<2x10240x64xf32, #tpu.memory_space<hbm>> -> memref<1x10240x64xf32, #tpu.memory_space<hbm>>
        %dma_wait3A_78 = tpu.memref_squeeze %dma_wait3A_77 : memref<1x10240x64xf32, #tpu.memory_space<hbm>> -> memref<10240x64xf32, #tpu.memory_space<hbm>>
        %dma_wait3A_79 = arith.constant 0 : i32
        %dma_wait3A_80 = arith.constant 0 : i32
        %dma_wait3A_81 = tpu.memref_slice %dma_wait3A_78[%dma_wait3A_79, %dma_wait3A_80] : memref<10240x64xf32, #tpu.memory_space<hbm>> -> memref<128x64xf32, #tpu.memory_space<hbm>>
        %dma_wait3A_82 = arith.constant 0 : i32
        %dma_wait3A_83 = arith.constant 0 : i32
        %dma_wait3A_84 = tpu.memref_slice %arg4[%arg0, %dma_wait3A_82, %dma_wait3A_83] : memref<2x10240x64xf32, #tpu.memory_space<hbm>> -> memref<1x10240x64xf32, #tpu.memory_space<hbm>>
        %dma_wait3A_85 = tpu.memref_squeeze %dma_wait3A_84 : memref<1x10240x64xf32, #tpu.memory_space<hbm>> -> memref<10240x64xf32, #tpu.memory_space<hbm>>
        %dma_wait3A_86 = arith.constant 0 : i32
        %dma_wait3A_87 = arith.constant 0 : i32
        %dma_wait3A_88 = tpu.memref_slice %dma_wait3A_85[%dma_wait3A_86, %dma_wait3A_87] : memref<10240x64xf32, #tpu.memory_space<hbm>> -> memref<128x64xf32, #tpu.memory_space<hbm>>
        tpu.wait_dma2 semaphore(%arg20 : memref<!tpu.dma_semaphore, #tpu.memory_space<semaphore_mem>>) src(%dma_wait3A_88 : memref<128x64xf32, #tpu.memory_space<hbm>>) dst(%arg15 : memref<128x64xf32, #tpu.memory_space<vmem>>)
        "tpu.region"() ({
          %run_scoped3A = tpu.sem_alloc : memref<!tpu.dma_semaphore, #tpu.memory_space<semaphore_mem>>
          %dma_start3A_151 = arith.constant 0 : i32
          %dma_start3A_152 = tpu.memref_slice %arg12[%add3A_53, %dma_start3A_151] : memref<160x128xi32, #tpu.memory_space<vmem>> -> memref<1x128xi32, #tpu.memory_space<vmem>>
          %dma_start3A_153 = tpu.memref_squeeze %dma_start3A_152 : memref<1x128xi32, #tpu.memory_space<vmem>> -> memref<128xi32, #tpu.memory_space<vmem>>
          %dma_start3A_154 = arith.constant 0 : i32
          %dma_start3A_155 = arith.constant 0 : i32
          %dma_start3A_156 = tpu.memref_slice %arg18[%dma_start3A_154, %dma_start3A_155] : memref<10240x64xf32, #tpu.memory_space<vmem_shared>> -> memref<10240x64xf32, #tpu.memory_space<vmem_shared>>
          tpu.enqueue_indirect_dma source(%arg13 : memref<128x64xf32, #tpu.memory_space<vmem>>) target(%dma_start3A_156 : memref<10240x64xf32, #tpu.memory_space<vmem_shared>>) offsets(%dma_start3A_153 : memref<128xi32, #tpu.memory_space<vmem>>) semaphore(%run_scoped3A : memref<!tpu.dma_semaphore, #tpu.memory_space<semaphore_mem>>) {add = true}
          %dma_wait3A_157 = arith.constant 0 : i32
          %dma_wait3A_158 = tpu.memref_slice %arg12[%add3A_53, %dma_wait3A_157] : memref<160x128xi32, #tpu.memory_space<vmem>> -> memref<1x128xi32, #tpu.memory_space<vmem>>
          %dma_wait3A_159 = tpu.memref_squeeze %dma_wait3A_158 : memref<1x128xi32, #tpu.memory_space<vmem>> -> memref<128xi32, #tpu.memory_space<vmem>>
          %dma_wait3A_160 = arith.constant 0 : i32
          %dma_wait3A_161 = arith.constant 0 : i32
          %dma_wait3A_162 = tpu.memref_slice %arg18[%dma_wait3A_160, %dma_wait3A_161] : memref<10240x64xf32, #tpu.memory_space<vmem_shared>> -> memref<10240x64xf32, #tpu.memory_space<vmem_shared>>
          tpu.wait_indirect_dma semaphore(%run_scoped3A : memref<!tpu.dma_semaphore, #tpu.memory_space<semaphore_mem>>) src(%arg13 : memref<128x64xf32, #tpu.memory_space<vmem>>) dst(%dma_wait3A_162 : memref<10240x64xf32, #tpu.memory_space<vmem_shared>>)
          tpu.yield
        }) : () -> ()
        "tpu.region"() ({
          %run_scoped3A = tpu.sem_alloc : memref<!tpu.dma_semaphore, #tpu.memory_space<semaphore_mem>>
          %dma_start3A_151 = arith.constant 0 : i32
          %dma_start3A_152 = tpu.memref_slice %arg11[%add3A_53, %dma_start3A_151] : memref<160x128xi32, #tpu.memory_space<vmem>> -> memref<1x128xi32, #tpu.memory_space<vmem>>
          %dma_start3A_153 = tpu.memref_squeeze %dma_start3A_152 : memref<1x128xi32, #tpu.memory_space<vmem>> -> memref<128xi32, #tpu.memory_space<vmem>>
          %dma_start3A_154 = arith.constant 0 : i32
          %dma_start3A_155 = arith.constant 0 : i32
          %dma_start3A_156 = tpu.memref_slice %arg18[%dma_start3A_154, %dma_start3A_155] : memref<10240x64xf32, #tpu.memory_space<vmem_shared>> -> memref<10240x64xf32, #tpu.memory_space<vmem_shared>>
          tpu.enqueue_indirect_dma source(%arg15 : memref<128x64xf32, #tpu.memory_space<vmem>>) target(%dma_start3A_156 : memref<10240x64xf32, #tpu.memory_space<vmem_shared>>) offsets(%dma_start3A_153 : memref<128xi32, #tpu.memory_space<vmem>>) semaphore(%run_scoped3A : memref<!tpu.dma_semaphore, #tpu.memory_space<semaphore_mem>>) {add = true}
          %dma_wait3A_157 = arith.constant 0 : i32
          %dma_wait3A_158 = tpu.memref_slice %arg11[%add3A_53, %dma_wait3A_157] : memref<160x128xi32, #tpu.memory_space<vmem>> -> memref<1x128xi32, #tpu.memory_space<vmem>>
          %dma_wait3A_159 = tpu.memref_squeeze %dma_wait3A_158 : memref<1x128xi32, #tpu.memory_space<vmem>> -> memref<128xi32, #tpu.memory_space<vmem>>
          %dma_wait3A_160 = arith.constant 0 : i32
          %dma_wait3A_161 = arith.constant 0 : i32
          %dma_wait3A_162 = tpu.memref_slice %arg18[%dma_wait3A_160, %dma_wait3A_161] : memref<10240x64xf32, #tpu.memory_space<vmem_shared>> -> memref<10240x64xf32, #tpu.memory_space<vmem_shared>>
          tpu.wait_indirect_dma semaphore(%run_scoped3A : memref<!tpu.dma_semaphore, #tpu.memory_space<semaphore_mem>>) src(%arg15 : memref<128x64xf32, #tpu.memory_space<vmem>>) dst(%dma_wait3A_162 : memref<10240x64xf32, #tpu.memory_space<vmem_shared>>)
          tpu.yield
        }) : () -> ()
        %gt3A = arith.constant 0 : i32
        %gt3A_89 = arith.cmpi sgt, %add3A_53, %gt3A : i32
        %convert_element_type3A_90 = arith.extui %gt3A_89 : i1 to i32
        %cond3A_91 = arith.constant 0 : i32
        %cond3A_92 = arith.cmpi ne, %convert_element_type3A_90, %cond3A_91 : i32
        scf.if %cond3A_92 {
          %dma_wait3A_151 = arith.constant 0 : i32
          %dma_wait3A_152 = arith.constant 0 : i32
          %dma_wait3A_153 = tpu.memref_slice %arg7[%dma_wait3A_151, %dma_wait3A_152] : memref<640x16xf32, #tpu.memory_space<hbm>> -> memref<128x16xf32, #tpu.memory_space<hbm>>
          %dma_wait3A_154 = arith.constant 0 : i32
          %dma_wait3A_155 = arith.constant 0 : i32
          %dma_wait3A_156 = tpu.memref_slice %arg7[%dma_wait3A_154, %dma_wait3A_155] : memref<640x16xf32, #tpu.memory_space<hbm>> -> memref<128x16xf32, #tpu.memory_space<hbm>>
          tpu.wait_dma2 semaphore(%arg22 : memref<!tpu.dma_semaphore, #tpu.memory_space<semaphore_mem>>) src(%dma_wait3A_156 : memref<128x16xf32, #tpu.memory_space<hbm>>) dst(%arg17 : memref<128x16xf32, #tpu.memory_space<vmem>>)
        } else {
        }
        %dma_start3A_93 = arith.constant 0 : i32
        %dma_start3A_94 = tpu.memref_slice %arg12[%add3A_53, %dma_start3A_93] : memref<160x128xi32, #tpu.memory_space<vmem>> -> memref<1x128xi32, #tpu.memory_space<vmem>>
        %dma_start3A_95 = tpu.memref_squeeze %dma_start3A_94 : memref<1x128xi32, #tpu.memory_space<vmem>> -> memref<128xi32, #tpu.memory_space<vmem>>
        %dma_start3A_96 = arith.constant 0 : i32
        %dma_start3A_97 = arith.constant 0 : i32
        %dma_start3A_98 = tpu.memref_slice %arg19[%dma_start3A_96, %dma_start3A_97] : memref<10240x16xf32, #tpu.memory_space<vmem_shared>> -> memref<10240x16xf32, #tpu.memory_space<vmem_shared>>
        tpu.enqueue_indirect_dma source(%arg17 : memref<128x16xf32, #tpu.memory_space<vmem>>) target(%dma_start3A_98 : memref<10240x16xf32, #tpu.memory_space<vmem_shared>>) offsets(%dma_start3A_95 : memref<128xi32, #tpu.memory_space<vmem>>) semaphore(%arg22 : memref<!tpu.dma_semaphore, #tpu.memory_space<semaphore_mem>>) {add = true}
        %mul3A_99 = arith.constant 2 : i32
        %mul3A_100 = arith.muli %mul3A_99, %scan3A_50 : i32
        %add3A_101 = arith.constant 1 : i32
        %add3A_102 = arith.addi %mul3A_100, %add3A_101 : i32
        %add3A_103 = arith.constant 2 : i32
        %add3A_104 = arith.addi %add3A_102, %add3A_103 : i32
        %sub3A_105 = arith.constant 1 : i32
        %sub3A_106 = arith.subi %add3A_104, %sub3A_105 : i32
        %lt3A_107 = arith.constant 160 : i32
        %lt3A_108 = arith.cmpi slt, %sub3A_106, %lt3A_107 : i32
        %convert_element_type3A_109 = arith.extui %lt3A_108 : i1 to i32
        %cond3A_110 = arith.constant 0 : i32
        %cond3A_111 = arith.cmpi ne, %convert_element_type3A_109, %cond3A_110 : i32
        scf.if %cond3A_111 {
          %add3A_151 = arith.constant 2 : i32
          %add3A_152 = arith.addi %add3A_102, %add3A_151 : i32
          %sub3A_153 = arith.constant 1 : i32
          %sub3A_154 = arith.subi %add3A_152, %sub3A_153 : i32
          %dma_start3A_155 = arith.constant 0 : i32
          %dma_start3A_156 = tpu.memref_slice %arg11[%sub3A_154, %dma_start3A_155] : memref<160x128xi32, #tpu.memory_space<vmem>> -> memref<1x128xi32, #tpu.memory_space<vmem>>
          %dma_start3A_157 = tpu.memref_squeeze %dma_start3A_156 : memref<1x128xi32, #tpu.memory_space<vmem>> -> memref<128xi32, #tpu.memory_space<vmem>>
          %dma_start3A_158 = arith.constant 0 : i32
          %dma_start3A_159 = arith.constant 0 : i32
          %dma_start3A_160 = tpu.memref_slice %arg4[%arg0, %dma_start3A_158, %dma_start3A_159] : memref<2x10240x64xf32, #tpu.memory_space<hbm>> -> memref<1x10240x64xf32, #tpu.memory_space<hbm>>
          %dma_start3A_161 = tpu.memref_squeeze %dma_start3A_160 : memref<1x10240x64xf32, #tpu.memory_space<hbm>> -> memref<10240x64xf32, #tpu.memory_space<hbm>>
          %dma_start3A_162 = arith.constant 0 : i32
          %dma_start3A_163 = arith.constant 0 : i32
          %dma_start3A_164 = tpu.memref_slice %dma_start3A_161[%dma_start3A_162, %dma_start3A_163] : memref<10240x64xf32, #tpu.memory_space<hbm>> -> memref<10240x64xf32, #tpu.memory_space<hbm>>
          tpu.enqueue_indirect_dma source(%dma_start3A_164 : memref<10240x64xf32, #tpu.memory_space<hbm>>) target(%arg13 : memref<128x64xf32, #tpu.memory_space<vmem>>) offsets(%dma_start3A_157 : memref<128xi32, #tpu.memory_space<vmem>>) semaphore(%arg20 : memref<!tpu.dma_semaphore, #tpu.memory_space<semaphore_mem>>)
          %add3A_165 = arith.constant 2 : i32
          %add3A_166 = arith.addi %add3A_102, %add3A_165 : i32
          %sub3A_167 = arith.constant 1 : i32
          %sub3A_168 = arith.subi %add3A_166, %sub3A_167 : i32
          %dma_start3A_169 = arith.constant 0 : i32
          %dma_start3A_170 = tpu.memref_slice %arg12[%sub3A_168, %dma_start3A_169] : memref<160x128xi32, #tpu.memory_space<vmem>> -> memref<1x128xi32, #tpu.memory_space<vmem>>
          %dma_start3A_171 = tpu.memref_squeeze %dma_start3A_170 : memref<1x128xi32, #tpu.memory_space<vmem>> -> memref<128xi32, #tpu.memory_space<vmem>>
          %dma_start3A_172 = arith.constant 0 : i32
          %dma_start3A_173 = arith.constant 0 : i32
          %dma_start3A_174 = tpu.memref_slice %arg5[%arg0, %dma_start3A_172, %dma_start3A_173] : memref<2x10240x64xf32, #tpu.memory_space<hbm>> -> memref<1x10240x64xf32, #tpu.memory_space<hbm>>
          %dma_start3A_175 = tpu.memref_squeeze %dma_start3A_174 : memref<1x10240x64xf32, #tpu.memory_space<hbm>> -> memref<10240x64xf32, #tpu.memory_space<hbm>>
          %dma_start3A_176 = arith.constant 0 : i32
          %dma_start3A_177 = arith.constant 0 : i32
          %dma_start3A_178 = tpu.memref_slice %dma_start3A_175[%dma_start3A_176, %dma_start3A_177] : memref<10240x64xf32, #tpu.memory_space<hbm>> -> memref<10240x64xf32, #tpu.memory_space<hbm>>
          tpu.enqueue_indirect_dma source(%dma_start3A_178 : memref<10240x64xf32, #tpu.memory_space<hbm>>) target(%arg15 : memref<128x64xf32, #tpu.memory_space<vmem>>) offsets(%dma_start3A_171 : memref<128xi32, #tpu.memory_space<vmem>>) semaphore(%arg20 : memref<!tpu.dma_semaphore, #tpu.memory_space<semaphore_mem>>)
        } else {
        }
        %dma_wait3A_112 = arith.constant 0 : i32
        %dma_wait3A_113 = arith.constant 0 : i32
        %dma_wait3A_114 = tpu.memref_slice %arg4[%arg0, %dma_wait3A_112, %dma_wait3A_113] : memref<2x10240x64xf32, #tpu.memory_space<hbm>> -> memref<1x10240x64xf32, #tpu.memory_space<hbm>>
        %dma_wait3A_115 = tpu.memref_squeeze %dma_wait3A_114 : memref<1x10240x64xf32, #tpu.memory_space<hbm>> -> memref<10240x64xf32, #tpu.memory_space<hbm>>
        %dma_wait3A_116 = arith.constant 0 : i32
        %dma_wait3A_117 = arith.constant 0 : i32
        %dma_wait3A_118 = tpu.memref_slice %dma_wait3A_115[%dma_wait3A_116, %dma_wait3A_117] : memref<10240x64xf32, #tpu.memory_space<hbm>> -> memref<128x64xf32, #tpu.memory_space<hbm>>
        %dma_wait3A_119 = arith.constant 0 : i32
        %dma_wait3A_120 = arith.constant 0 : i32
        %dma_wait3A_121 = tpu.memref_slice %arg4[%arg0, %dma_wait3A_119, %dma_wait3A_120] : memref<2x10240x64xf32, #tpu.memory_space<hbm>> -> memref<1x10240x64xf32, #tpu.memory_space<hbm>>
        %dma_wait3A_122 = tpu.memref_squeeze %dma_wait3A_121 : memref<1x10240x64xf32, #tpu.memory_space<hbm>> -> memref<10240x64xf32, #tpu.memory_space<hbm>>
        %dma_wait3A_123 = arith.constant 0 : i32
        %dma_wait3A_124 = arith.constant 0 : i32
        %dma_wait3A_125 = tpu.memref_slice %dma_wait3A_122[%dma_wait3A_123, %dma_wait3A_124] : memref<10240x64xf32, #tpu.memory_space<hbm>> -> memref<128x64xf32, #tpu.memory_space<hbm>>
        tpu.wait_dma2 semaphore(%arg21 : memref<!tpu.dma_semaphore, #tpu.memory_space<semaphore_mem>>) src(%dma_wait3A_125 : memref<128x64xf32, #tpu.memory_space<hbm>>) dst(%arg14 : memref<128x64xf32, #tpu.memory_space<vmem>>)
        %dma_wait3A_126 = arith.constant 0 : i32
        %dma_wait3A_127 = arith.constant 0 : i32
        %dma_wait3A_128 = tpu.memref_slice %arg4[%arg0, %dma_wait3A_126, %dma_wait3A_127] : memref<2x10240x64xf32, #tpu.memory_space<hbm>> -> memref<1x10240x64xf32, #tpu.memory_space<hbm>>
        %dma_wait3A_129 = tpu.memref_squeeze %dma_wait3A_128 : memref<1x10240x64xf32, #tpu.memory_space<hbm>> -> memref<10240x64xf32, #tpu.memory_space<hbm>>
        %dma_wait3A_130 = arith.constant 0 : i32
        %dma_wait3A_131 = arith.constant 0 : i32
        %dma_wait3A_132 = tpu.memref_slice %dma_wait3A_129[%dma_wait3A_130, %dma_wait3A_131] : memref<10240x64xf32, #tpu.memory_space<hbm>> -> memref<128x64xf32, #tpu.memory_space<hbm>>
        %dma_wait3A_133 = arith.constant 0 : i32
        %dma_wait3A_134 = arith.constant 0 : i32
        %dma_wait3A_135 = tpu.memref_slice %arg4[%arg0, %dma_wait3A_133, %dma_wait3A_134] : memref<2x10240x64xf32, #tpu.memory_space<hbm>> -> memref<1x10240x64xf32, #tpu.memory_space<hbm>>
        %dma_wait3A_136 = tpu.memref_squeeze %dma_wait3A_135 : memref<1x10240x64xf32, #tpu.memory_space<hbm>> -> memref<10240x64xf32, #tpu.memory_space<hbm>>
        %dma_wait3A_137 = arith.constant 0 : i32
        %dma_wait3A_138 = arith.constant 0 : i32
        %dma_wait3A_139 = tpu.memref_slice %dma_wait3A_136[%dma_wait3A_137, %dma_wait3A_138] : memref<10240x64xf32, #tpu.memory_space<hbm>> -> memref<128x64xf32, #tpu.memory_space<hbm>>
        tpu.wait_dma2 semaphore(%arg21 : memref<!tpu.dma_semaphore, #tpu.memory_space<semaphore_mem>>) src(%dma_wait3A_139 : memref<128x64xf32, #tpu.memory_space<hbm>>) dst(%arg16 : memref<128x64xf32, #tpu.memory_space<vmem>>)
        "tpu.region"() ({
          %run_scoped3A = tpu.sem_alloc : memref<!tpu.dma_semaphore, #tpu.memory_space<semaphore_mem>>
          %dma_start3A_151 = arith.constant 0 : i32
          %dma_start3A_152 = tpu.memref_slice %arg12[%add3A_102, %dma_start3A_151] : memref<160x128xi32, #tpu.memory_space<vmem>> -> memref<1x128xi32, #tpu.memory_space<vmem>>
          %dma_start3A_153 = tpu.memref_squeeze %dma_start3A_152 : memref<1x128xi32, #tpu.memory_space<vmem>> -> memref<128xi32, #tpu.memory_space<vmem>>
          %dma_start3A_154 = arith.constant 0 : i32
          %dma_start3A_155 = arith.constant 0 : i32
          %dma_start3A_156 = tpu.memref_slice %arg18[%dma_start3A_154, %dma_start3A_155] : memref<10240x64xf32, #tpu.memory_space<vmem_shared>> -> memref<10240x64xf32, #tpu.memory_space<vmem_shared>>
          tpu.enqueue_indirect_dma source(%arg14 : memref<128x64xf32, #tpu.memory_space<vmem>>) target(%dma_start3A_156 : memref<10240x64xf32, #tpu.memory_space<vmem_shared>>) offsets(%dma_start3A_153 : memref<128xi32, #tpu.memory_space<vmem>>) semaphore(%run_scoped3A : memref<!tpu.dma_semaphore, #tpu.memory_space<semaphore_mem>>) {add = true}
          %dma_wait3A_157 = arith.constant 0 : i32
          %dma_wait3A_158 = tpu.memref_slice %arg12[%add3A_102, %dma_wait3A_157] : memref<160x128xi32, #tpu.memory_space<vmem>> -> memref<1x128xi32, #tpu.memory_space<vmem>>
          %dma_wait3A_159 = tpu.memref_squeeze %dma_wait3A_158 : memref<1x128xi32, #tpu.memory_space<vmem>> -> memref<128xi32, #tpu.memory_space<vmem>>
          %dma_wait3A_160 = arith.constant 0 : i32
          %dma_wait3A_161 = arith.constant 0 : i32
          %dma_wait3A_162 = tpu.memref_slice %arg18[%dma_wait3A_160, %dma_wait3A_161] : memref<10240x64xf32, #tpu.memory_space<vmem_shared>> -> memref<10240x64xf32, #tpu.memory_space<vmem_shared>>
          tpu.wait_indirect_dma semaphore(%run_scoped3A : memref<!tpu.dma_semaphore, #tpu.memory_space<semaphore_mem>>) src(%arg14 : memref<128x64xf32, #tpu.memory_space<vmem>>) dst(%dma_wait3A_162 : memref<10240x64xf32, #tpu.memory_space<vmem_shared>>)
          tpu.yield
        }) : () -> ()
        "tpu.region"() ({
          %run_scoped3A = tpu.sem_alloc : memref<!tpu.dma_semaphore, #tpu.memory_space<semaphore_mem>>
          %dma_start3A_151 = arith.constant 0 : i32
          %dma_start3A_152 = tpu.memref_slice %arg11[%add3A_102, %dma_start3A_151] : memref<160x128xi32, #tpu.memory_space<vmem>> -> memref<1x128xi32, #tpu.memory_space<vmem>>
          %dma_start3A_153 = tpu.memref_squeeze %dma_start3A_152 : memref<1x128xi32, #tpu.memory_space<vmem>> -> memref<128xi32, #tpu.memory_space<vmem>>
          %dma_start3A_154 = arith.constant 0 : i32
          %dma_start3A_155 = arith.constant 0 : i32
          %dma_start3A_156 = tpu.memref_slice %arg18[%dma_start3A_154, %dma_start3A_155] : memref<10240x64xf32, #tpu.memory_space<vmem_shared>> -> memref<10240x64xf32, #tpu.memory_space<vmem_shared>>
          tpu.enqueue_indirect_dma source(%arg16 : memref<128x64xf32, #tpu.memory_space<vmem>>) target(%dma_start3A_156 : memref<10240x64xf32, #tpu.memory_space<vmem_shared>>) offsets(%dma_start3A_153 : memref<128xi32, #tpu.memory_space<vmem>>) semaphore(%run_scoped3A : memref<!tpu.dma_semaphore, #tpu.memory_space<semaphore_mem>>) {add = true}
          %dma_wait3A_157 = arith.constant 0 : i32
          %dma_wait3A_158 = tpu.memref_slice %arg11[%add3A_102, %dma_wait3A_157] : memref<160x128xi32, #tpu.memory_space<vmem>> -> memref<1x128xi32, #tpu.memory_space<vmem>>
          %dma_wait3A_159 = tpu.memref_squeeze %dma_wait3A_158 : memref<1x128xi32, #tpu.memory_space<vmem>> -> memref<128xi32, #tpu.memory_space<vmem>>
          %dma_wait3A_160 = arith.constant 0 : i32
          %dma_wait3A_161 = arith.constant 0 : i32
          %dma_wait3A_162 = tpu.memref_slice %arg18[%dma_wait3A_160, %dma_wait3A_161] : memref<10240x64xf32, #tpu.memory_space<vmem_shared>> -> memref<10240x64xf32, #tpu.memory_space<vmem_shared>>
          tpu.wait_indirect_dma semaphore(%run_scoped3A : memref<!tpu.dma_semaphore, #tpu.memory_space<semaphore_mem>>) src(%arg16 : memref<128x64xf32, #tpu.memory_space<vmem>>) dst(%dma_wait3A_162 : memref<10240x64xf32, #tpu.memory_space<vmem_shared>>)
          tpu.yield
        }) : () -> ()
        %gt3A_140 = arith.constant 0 : i32
        %gt3A_141 = arith.cmpi sgt, %add3A_102, %gt3A_140 : i32
        %convert_element_type3A_142 = arith.extui %gt3A_141 : i1 to i32
        %cond3A_143 = arith.constant 0 : i32
        %cond3A_144 = arith.cmpi ne, %convert_element_type3A_142, %cond3A_143 : i32
        scf.if %cond3A_144 {
          %dma_wait3A_151 = arith.constant 0 : i32
          %dma_wait3A_152 = arith.constant 0 : i32
          %dma_wait3A_153 = tpu.memref_slice %arg7[%dma_wait3A_151, %dma_wait3A_152] : memref<640x16xf32, #tpu.memory_space<hbm>> -> memref<128x16xf32, #tpu.memory_space<hbm>>
          %dma_wait3A_154 = arith.constant 0 : i32
          %dma_wait3A_155 = arith.constant 0 : i32
          %dma_wait3A_156 = tpu.memref_slice %arg7[%dma_wait3A_154, %dma_wait3A_155] : memref<640x16xf32, #tpu.memory_space<hbm>> -> memref<128x16xf32, #tpu.memory_space<hbm>>
          tpu.wait_dma2 semaphore(%arg22 : memref<!tpu.dma_semaphore, #tpu.memory_space<semaphore_mem>>) src(%dma_wait3A_156 : memref<128x16xf32, #tpu.memory_space<hbm>>) dst(%arg17 : memref<128x16xf32, #tpu.memory_space<vmem>>)
        } else {
        }
        %dma_start3A_145 = arith.constant 0 : i32
        %dma_start3A_146 = tpu.memref_slice %arg12[%add3A_102, %dma_start3A_145] : memref<160x128xi32, #tpu.memory_space<vmem>> -> memref<1x128xi32, #tpu.memory_space<vmem>>
        %dma_start3A_147 = tpu.memref_squeeze %dma_start3A_146 : memref<1x128xi32, #tpu.memory_space<vmem>> -> memref<128xi32, #tpu.memory_space<vmem>>
        %dma_start3A_148 = arith.constant 0 : i32
        %dma_start3A_149 = arith.constant 0 : i32
        %dma_start3A_150 = tpu.memref_slice %arg19[%dma_start3A_148, %dma_start3A_149] : memref<10240x16xf32, #tpu.memory_space<vmem_shared>> -> memref<10240x16xf32, #tpu.memory_space<vmem_shared>>
        tpu.enqueue_indirect_dma source(%arg17 : memref<128x16xf32, #tpu.memory_space<vmem>>) target(%dma_start3A_150 : memref<10240x16xf32, #tpu.memory_space<vmem_shared>>) offsets(%dma_start3A_147 : memref<128xi32, #tpu.memory_space<vmem>>) semaphore(%arg22 : memref<!tpu.dma_semaphore, #tpu.memory_space<semaphore_mem>>) {add = true}
      }
      %scan3A_49 = arith.constant 80 : i32
    } else {
    }
    %eq3A_26 = arith.constant 1 : i32
    %eq3A_27 = arith.cmpi eq, %arg0, %eq3A_26 : i32
    %convert_element_type3A_28 = arith.extui %eq3A_27 : i1 to i32
    %cond3A_29 = arith.constant 0 : i32
    %cond3A_30 = arith.cmpi ne, %convert_element_type3A_28, %cond3A_29 : i32
    scf.if %cond3A_30 {
      %scan3A = arith.constant 0 : i32
      %scan3A_45 = arith.constant 0 : i32
      %scan3A_46 = arith.constant 80 : i32
      %scan3A_47 = arith.addi %scan3A_45, %scan3A_46 : i32
      %scan3A_48 = arith.constant 1 : i32
      scf.for %scan3A_50 = %scan3A_45 to %scan3A_47 step %scan3A_48  : i32 {
        %mul3A_51 = arith.constant 2 : i32
        %mul3A_52 = arith.muli %mul3A_51, %scan3A_50 : i32
        %add3A = arith.constant 0 : i32
        %add3A_53 = arith.addi %mul3A_52, %add3A : i32
        %add3A_54 = arith.constant 2 : i32
        %add3A_55 = arith.addi %add3A_53, %add3A_54 : i32
        %sub3A = arith.constant 1 : i32
        %sub3A_56 = arith.subi %add3A_55, %sub3A : i32
        %lt3A = arith.constant 160 : i32
        %lt3A_57 = arith.cmpi slt, %sub3A_56, %lt3A : i32
        %convert_element_type3A_58 = arith.extui %lt3A_57 : i1 to i32
        %cond3A_59 = arith.constant 0 : i32
        %cond3A_60 = arith.cmpi ne, %convert_element_type3A_58, %cond3A_59 : i32
        scf.if %cond3A_60 {
          %add3A_151 = arith.constant 2 : i32
          %add3A_152 = arith.addi %add3A_53, %add3A_151 : i32
          %sub3A_153 = arith.constant 1 : i32
          %sub3A_154 = arith.subi %add3A_152, %sub3A_153 : i32
          %dma_start3A_155 = arith.constant 0 : i32
          %dma_start3A_156 = tpu.memref_slice %arg11[%sub3A_154, %dma_start3A_155] : memref<160x128xi32, #tpu.memory_space<vmem>> -> memref<1x128xi32, #tpu.memory_space<vmem>>
          %dma_start3A_157 = tpu.memref_squeeze %dma_start3A_156 : memref<1x128xi32, #tpu.memory_space<vmem>> -> memref<128xi32, #tpu.memory_space<vmem>>
          %dma_start3A_158 = arith.constant 0 : i32
          %dma_start3A_159 = arith.constant 0 : i32
          %dma_start3A_160 = tpu.memref_slice %arg4[%arg0, %dma_start3A_158, %dma_start3A_159] : memref<2x10240x64xf32, #tpu.memory_space<hbm>> -> memref<1x10240x64xf32, #tpu.memory_space<hbm>>
          %dma_start3A_161 = tpu.memref_squeeze %dma_start3A_160 : memref<1x10240x64xf32, #tpu.memory_space<hbm>> -> memref<10240x64xf32, #tpu.memory_space<hbm>>
          %dma_start3A_162 = arith.constant 0 : i32
          %dma_start3A_163 = arith.constant 0 : i32
          %dma_start3A_164 = tpu.memref_slice %dma_start3A_161[%dma_start3A_162, %dma_start3A_163] : memref<10240x64xf32, #tpu.memory_space<hbm>> -> memref<10240x64xf32, #tpu.memory_space<hbm>>
          tpu.enqueue_indirect_dma source(%dma_start3A_164 : memref<10240x64xf32, #tpu.memory_space<hbm>>) target(%arg14 : memref<128x64xf32, #tpu.memory_space<vmem>>) offsets(%dma_start3A_157 : memref<128xi32, #tpu.memory_space<vmem>>) semaphore(%arg21 : memref<!tpu.dma_semaphore, #tpu.memory_space<semaphore_mem>>)
          %add3A_165 = arith.constant 2 : i32
          %add3A_166 = arith.addi %add3A_53, %add3A_165 : i32
          %sub3A_167 = arith.constant 1 : i32
          %sub3A_168 = arith.subi %add3A_166, %sub3A_167 : i32
          %dma_start3A_169 = arith.constant 0 : i32
          %dma_start3A_170 = tpu.memref_slice %arg12[%sub3A_168, %dma_start3A_169] : memref<160x128xi32, #tpu.memory_space<vmem>> -> memref<1x128xi32, #tpu.memory_space<vmem>>
          %dma_start3A_171 = tpu.memref_squeeze %dma_start3A_170 : memref<1x128xi32, #tpu.memory_space<vmem>> -> memref<128xi32, #tpu.memory_space<vmem>>
          %dma_start3A_172 = arith.constant 0 : i32
          %dma_start3A_173 = arith.constant 0 : i32
          %dma_start3A_174 = tpu.memref_slice %arg5[%arg0, %dma_start3A_172, %dma_start3A_173] : memref<2x10240x64xf32, #tpu.memory_space<hbm>> -> memref<1x10240x64xf32, #tpu.memory_space<hbm>>
          %dma_start3A_175 = tpu.memref_squeeze %dma_start3A_174 : memref<1x10240x64xf32, #tpu.memory_space<hbm>> -> memref<10240x64xf32, #tpu.memory_space<hbm>>
          %dma_start3A_176 = arith.constant 0 : i32
          %dma_start3A_177 = arith.constant 0 : i32
          %dma_start3A_178 = tpu.memref_slice %dma_start3A_175[%dma_start3A_176, %dma_start3A_177] : memref<10240x64xf32, #tpu.memory_space<hbm>> -> memref<10240x64xf32, #tpu.memory_space<hbm>>
          tpu.enqueue_indirect_dma source(%dma_start3A_178 : memref<10240x64xf32, #tpu.memory_space<hbm>>) target(%arg16 : memref<128x64xf32, #tpu.memory_space<vmem>>) offsets(%dma_start3A_171 : memref<128xi32, #tpu.memory_space<vmem>>) semaphore(%arg21 : memref<!tpu.dma_semaphore, #tpu.memory_space<semaphore_mem>>)
        } else {
        }
        %dma_wait3A_61 = arith.constant 0 : i32
        %dma_wait3A_62 = arith.constant 0 : i32
        %dma_wait3A_63 = tpu.memref_slice %arg4[%arg0, %dma_wait3A_61, %dma_wait3A_62] : memref<2x10240x64xf32, #tpu.memory_space<hbm>> -> memref<1x10240x64xf32, #tpu.memory_space<hbm>>
        %dma_wait3A_64 = tpu.memref_squeeze %dma_wait3A_63 : memref<1x10240x64xf32, #tpu.memory_space<hbm>> -> memref<10240x64xf32, #tpu.memory_space<hbm>>
        %dma_wait3A_65 = arith.constant 0 : i32
        %dma_wait3A_66 = arith.constant 0 : i32
        %dma_wait3A_67 = tpu.memref_slice %dma_wait3A_64[%dma_wait3A_65, %dma_wait3A_66] : memref<10240x64xf32, #tpu.memory_space<hbm>> -> memref<128x64xf32, #tpu.memory_space<hbm>>
        %dma_wait3A_68 = arith.constant 0 : i32
        %dma_wait3A_69 = arith.constant 0 : i32
        %dma_wait3A_70 = tpu.memref_slice %arg4[%arg0, %dma_wait3A_68, %dma_wait3A_69] : memref<2x10240x64xf32, #tpu.memory_space<hbm>> -> memref<1x10240x64xf32, #tpu.memory_space<hbm>>
        %dma_wait3A_71 = tpu.memref_squeeze %dma_wait3A_70 : memref<1x10240x64xf32, #tpu.memory_space<hbm>> -> memref<10240x64xf32, #tpu.memory_space<hbm>>
        %dma_wait3A_72 = arith.constant 0 : i32
        %dma_wait3A_73 = arith.constant 0 : i32
        %dma_wait3A_74 = tpu.memref_slice %dma_wait3A_71[%dma_wait3A_72, %dma_wait3A_73] : memref<10240x64xf32, #tpu.memory_space<hbm>> -> memref<128x64xf32, #tpu.memory_space<hbm>>
        tpu.wait_dma2 semaphore(%arg20 : memref<!tpu.dma_semaphore, #tpu.memory_space<semaphore_mem>>) src(%dma_wait3A_74 : memref<128x64xf32, #tpu.memory_space<hbm>>) dst(%arg13 : memref<128x64xf32, #tpu.memory_space<vmem>>)
        %dma_wait3A_75 = arith.constant 0 : i32
        %dma_wait3A_76 = arith.constant 0 : i32
        %dma_wait3A_77 = tpu.memref_slice %arg4[%arg0, %dma_wait3A_75, %dma_wait3A_76] : memref<2x10240x64xf32, #tpu.memory_space<hbm>> -> memref<1x10240x64xf32, #tpu.memory_space<hbm>>
        %dma_wait3A_78 = tpu.memref_squeeze %dma_wait3A_77 : memref<1x10240x64xf32, #tpu.memory_space<hbm>> -> memref<10240x64xf32, #tpu.memory_space<hbm>>
        %dma_wait3A_79 = arith.constant 0 : i32
        %dma_wait3A_80 = arith.constant 0 : i32
        %dma_wait3A_81 = tpu.memref_slice %dma_wait3A_78[%dma_wait3A_79, %dma_wait3A_80] : memref<10240x64xf32, #tpu.memory_space<hbm>> -> memref<128x64xf32, #tpu.memory_space<hbm>>
        %dma_wait3A_82 = arith.constant 0 : i32
        %dma_wait3A_83 = arith.constant 0 : i32
        %dma_wait3A_84 = tpu.memref_slice %arg4[%arg0, %dma_wait3A_82, %dma_wait3A_83] : memref<2x10240x64xf32, #tpu.memory_space<hbm>> -> memref<1x10240x64xf32, #tpu.memory_space<hbm>>
        %dma_wait3A_85 = tpu.memref_squeeze %dma_wait3A_84 : memref<1x10240x64xf32, #tpu.memory_space<hbm>> -> memref<10240x64xf32, #tpu.memory_space<hbm>>
        %dma_wait3A_86 = arith.constant 0 : i32
        %dma_wait3A_87 = arith.constant 0 : i32
        %dma_wait3A_88 = tpu.memref_slice %dma_wait3A_85[%dma_wait3A_86, %dma_wait3A_87] : memref<10240x64xf32, #tpu.memory_space<hbm>> -> memref<128x64xf32, #tpu.memory_space<hbm>>
        tpu.wait_dma2 semaphore(%arg20 : memref<!tpu.dma_semaphore, #tpu.memory_space<semaphore_mem>>) src(%dma_wait3A_88 : memref<128x64xf32, #tpu.memory_space<hbm>>) dst(%arg15 : memref<128x64xf32, #tpu.memory_space<vmem>>)
        "tpu.region"() ({
          %run_scoped3A = tpu.sem_alloc : memref<!tpu.dma_semaphore, #tpu.memory_space<semaphore_mem>>
          %dma_start3A_151 = arith.constant 0 : i32
          %dma_start3A_152 = tpu.memref_slice %arg12[%add3A_53, %dma_start3A_151] : memref<160x128xi32, #tpu.memory_space<vmem>> -> memref<1x128xi32, #tpu.memory_space<vmem>>
          %dma_start3A_153 = tpu.memref_squeeze %dma_start3A_152 : memref<1x128xi32, #tpu.memory_space<vmem>> -> memref<128xi32, #tpu.memory_space<vmem>>
          %dma_start3A_154 = arith.constant 0 : i32
          %dma_start3A_155 = arith.constant 0 : i32
          %dma_start3A_156 = tpu.memref_slice %arg18[%dma_start3A_154, %dma_start3A_155] : memref<10240x64xf32, #tpu.memory_space<vmem_shared>> -> memref<10240x64xf32, #tpu.memory_space<vmem_shared>>
          tpu.enqueue_indirect_dma source(%arg13 : memref<128x64xf32, #tpu.memory_space<vmem>>) target(%dma_start3A_156 : memref<10240x64xf32, #tpu.memory_space<vmem_shared>>) offsets(%dma_start3A_153 : memref<128xi32, #tpu.memory_space<vmem>>) semaphore(%run_scoped3A : memref<!tpu.dma_semaphore, #tpu.memory_space<semaphore_mem>>) {add = true}
          %dma_wait3A_157 = arith.constant 0 : i32
          %dma_wait3A_158 = tpu.memref_slice %arg12[%add3A_53, %dma_wait3A_157] : memref<160x128xi32, #tpu.memory_space<vmem>> -> memref<1x128xi32, #tpu.memory_space<vmem>>
          %dma_wait3A_159 = tpu.memref_squeeze %dma_wait3A_158 : memref<1x128xi32, #tpu.memory_space<vmem>> -> memref<128xi32, #tpu.memory_space<vmem>>
          %dma_wait3A_160 = arith.constant 0 : i32
          %dma_wait3A_161 = arith.constant 0 : i32
          %dma_wait3A_162 = tpu.memref_slice %arg18[%dma_wait3A_160, %dma_wait3A_161] : memref<10240x64xf32, #tpu.memory_space<vmem_shared>> -> memref<10240x64xf32, #tpu.memory_space<vmem_shared>>
          tpu.wait_indirect_dma semaphore(%run_scoped3A : memref<!tpu.dma_semaphore, #tpu.memory_space<semaphore_mem>>) src(%arg13 : memref<128x64xf32, #tpu.memory_space<vmem>>) dst(%dma_wait3A_162 : memref<10240x64xf32, #tpu.memory_space<vmem_shared>>)
          tpu.yield
        }) : () -> ()
        "tpu.region"() ({
          %run_scoped3A = tpu.sem_alloc : memref<!tpu.dma_semaphore, #tpu.memory_space<semaphore_mem>>
          %dma_start3A_151 = arith.constant 0 : i32
          %dma_start3A_152 = tpu.memref_slice %arg11[%add3A_53, %dma_start3A_151] : memref<160x128xi32, #tpu.memory_space<vmem>> -> memref<1x128xi32, #tpu.memory_space<vmem>>
          %dma_start3A_153 = tpu.memref_squeeze %dma_start3A_152 : memref<1x128xi32, #tpu.memory_space<vmem>> -> memref<128xi32, #tpu.memory_space<vmem>>
          %dma_start3A_154 = arith.constant 0 : i32
          %dma_start3A_155 = arith.constant 0 : i32
          %dma_start3A_156 = tpu.memref_slice %arg18[%dma_start3A_154, %dma_start3A_155] : memref<10240x64xf32, #tpu.memory_space<vmem_shared>> -> memref<10240x64xf32, #tpu.memory_space<vmem_shared>>
          tpu.enqueue_indirect_dma source(%arg15 : memref<128x64xf32, #tpu.memory_space<vmem>>) target(%dma_start3A_156 : memref<10240x64xf32, #tpu.memory_space<vmem_shared>>) offsets(%dma_start3A_153 : memref<128xi32, #tpu.memory_space<vmem>>) semaphore(%run_scoped3A : memref<!tpu.dma_semaphore, #tpu.memory_space<semaphore_mem>>) {add = true}
          %dma_wait3A_157 = arith.constant 0 : i32
          %dma_wait3A_158 = tpu.memref_slice %arg11[%add3A_53, %dma_wait3A_157] : memref<160x128xi32, #tpu.memory_space<vmem>> -> memref<1x128xi32, #tpu.memory_space<vmem>>
          %dma_wait3A_159 = tpu.memref_squeeze %dma_wait3A_158 : memref<1x128xi32, #tpu.memory_space<vmem>> -> memref<128xi32, #tpu.memory_space<vmem>>
          %dma_wait3A_160 = arith.constant 0 : i32
          %dma_wait3A_161 = arith.constant 0 : i32
          %dma_wait3A_162 = tpu.memref_slice %arg18[%dma_wait3A_160, %dma_wait3A_161] : memref<10240x64xf32, #tpu.memory_space<vmem_shared>> -> memref<10240x64xf32, #tpu.memory_space<vmem_shared>>
          tpu.wait_indirect_dma semaphore(%run_scoped3A : memref<!tpu.dma_semaphore, #tpu.memory_space<semaphore_mem>>) src(%arg15 : memref<128x64xf32, #tpu.memory_space<vmem>>) dst(%dma_wait3A_162 : memref<10240x64xf32, #tpu.memory_space<vmem_shared>>)
          tpu.yield
        }) : () -> ()
        %gt3A = arith.constant 0 : i32
        %gt3A_89 = arith.cmpi sgt, %add3A_53, %gt3A : i32
        %convert_element_type3A_90 = arith.extui %gt3A_89 : i1 to i32
        %cond3A_91 = arith.constant 0 : i32
        %cond3A_92 = arith.cmpi ne, %convert_element_type3A_90, %cond3A_91 : i32
        scf.if %cond3A_92 {
          %dma_wait3A_151 = arith.constant 0 : i32
          %dma_wait3A_152 = arith.constant 0 : i32
          %dma_wait3A_153 = tpu.memref_slice %arg7[%dma_wait3A_151, %dma_wait3A_152] : memref<640x16xf32, #tpu.memory_space<hbm>> -> memref<128x16xf32, #tpu.memory_space<hbm>>
          %dma_wait3A_154 = arith.constant 0 : i32
          %dma_wait3A_155 = arith.constant 0 : i32
          %dma_wait3A_156 = tpu.memref_slice %arg7[%dma_wait3A_154, %dma_wait3A_155] : memref<640x16xf32, #tpu.memory_space<hbm>> -> memref<128x16xf32, #tpu.memory_space<hbm>>
          tpu.wait_dma2 semaphore(%arg22 : memref<!tpu.dma_semaphore, #tpu.memory_space<semaphore_mem>>) src(%dma_wait3A_156 : memref<128x16xf32, #tpu.memory_space<hbm>>) dst(%arg17 : memref<128x16xf32, #tpu.memory_space<vmem>>)
        } else {
        }
        %dma_start3A_93 = arith.constant 0 : i32
        %dma_start3A_94 = tpu.memref_slice %arg11[%add3A_53, %dma_start3A_93] : memref<160x128xi32, #tpu.memory_space<vmem>> -> memref<1x128xi32, #tpu.memory_space<vmem>>
        %dma_start3A_95 = tpu.memref_squeeze %dma_start3A_94 : memref<1x128xi32, #tpu.memory_space<vmem>> -> memref<128xi32, #tpu.memory_space<vmem>>
        %dma_start3A_96 = arith.constant 0 : i32
        %dma_start3A_97 = arith.constant 0 : i32
        %dma_start3A_98 = tpu.memref_slice %arg19[%dma_start3A_96, %dma_start3A_97] : memref<10240x16xf32, #tpu.memory_space<vmem_shared>> -> memref<10240x16xf32, #tpu.memory_space<vmem_shared>>
        tpu.enqueue_indirect_dma source(%arg17 : memref<128x16xf32, #tpu.memory_space<vmem>>) target(%dma_start3A_98 : memref<10240x16xf32, #tpu.memory_space<vmem_shared>>) offsets(%dma_start3A_95 : memref<128xi32, #tpu.memory_space<vmem>>) semaphore(%arg22 : memref<!tpu.dma_semaphore, #tpu.memory_space<semaphore_mem>>) {add = true}
        %mul3A_99 = arith.constant 2 : i32
        %mul3A_100 = arith.muli %mul3A_99, %scan3A_50 : i32
        %add3A_101 = arith.constant 1 : i32
        %add3A_102 = arith.addi %mul3A_100, %add3A_101 : i32
        %add3A_103 = arith.constant 2 : i32
        %add3A_104 = arith.addi %add3A_102, %add3A_103 : i32
        %sub3A_105 = arith.constant 1 : i32
        %sub3A_106 = arith.subi %add3A_104, %sub3A_105 : i32
        %lt3A_107 = arith.constant 160 : i32
        %lt3A_108 = arith.cmpi slt, %sub3A_106, %lt3A_107 : i32
        %convert_element_type3A_109 = arith.extui %lt3A_108 : i1 to i32
        %cond3A_110 = arith.constant 0 : i32
        %cond3A_111 = arith.cmpi ne, %convert_element_type3A_109, %cond3A_110 : i32
        scf.if %cond3A_111 {
          %add3A_151 = arith.constant 2 : i32
          %add3A_152 = arith.addi %add3A_102, %add3A_151 : i32
          %sub3A_153 = arith.constant 1 : i32
          %sub3A_154 = arith.subi %add3A_152, %sub3A_153 : i32
          %dma_start3A_155 = arith.constant 0 : i32
          %dma_start3A_156 = tpu.memref_slice %arg11[%sub3A_154, %dma_start3A_155] : memref<160x128xi32, #tpu.memory_space<vmem>> -> memref<1x128xi32, #tpu.memory_space<vmem>>
          %dma_start3A_157 = tpu.memref_squeeze %dma_start3A_156 : memref<1x128xi32, #tpu.memory_space<vmem>> -> memref<128xi32, #tpu.memory_space<vmem>>
          %dma_start3A_158 = arith.constant 0 : i32
          %dma_start3A_159 = arith.constant 0 : i32
          %dma_start3A_160 = tpu.memref_slice %arg4[%arg0, %dma_start3A_158, %dma_start3A_159] : memref<2x10240x64xf32, #tpu.memory_space<hbm>> -> memref<1x10240x64xf32, #tpu.memory_space<hbm>>
          %dma_start3A_161 = tpu.memref_squeeze %dma_start3A_160 : memref<1x10240x64xf32, #tpu.memory_space<hbm>> -> memref<10240x64xf32, #tpu.memory_space<hbm>>
          %dma_start3A_162 = arith.constant 0 : i32
          %dma_start3A_163 = arith.constant 0 : i32
          %dma_start3A_164 = tpu.memref_slice %dma_start3A_161[%dma_start3A_162, %dma_start3A_163] : memref<10240x64xf32, #tpu.memory_space<hbm>> -> memref<10240x64xf32, #tpu.memory_space<hbm>>
          tpu.enqueue_indirect_dma source(%dma_start3A_164 : memref<10240x64xf32, #tpu.memory_space<hbm>>) target(%arg13 : memref<128x64xf32, #tpu.memory_space<vmem>>) offsets(%dma_start3A_157 : memref<128xi32, #tpu.memory_space<vmem>>) semaphore(%arg20 : memref<!tpu.dma_semaphore, #tpu.memory_space<semaphore_mem>>)
          %add3A_165 = arith.constant 2 : i32
          %add3A_166 = arith.addi %add3A_102, %add3A_165 : i32
          %sub3A_167 = arith.constant 1 : i32
          %sub3A_168 = arith.subi %add3A_166, %sub3A_167 : i32
          %dma_start3A_169 = arith.constant 0 : i32
          %dma_start3A_170 = tpu.memref_slice %arg12[%sub3A_168, %dma_start3A_169] : memref<160x128xi32, #tpu.memory_space<vmem>> -> memref<1x128xi32, #tpu.memory_space<vmem>>
          %dma_start3A_171 = tpu.memref_squeeze %dma_start3A_170 : memref<1x128xi32, #tpu.memory_space<vmem>> -> memref<128xi32, #tpu.memory_space<vmem>>
          %dma_start3A_172 = arith.constant 0 : i32
          %dma_start3A_173 = arith.constant 0 : i32
          %dma_start3A_174 = tpu.memref_slice %arg5[%arg0, %dma_start3A_172, %dma_start3A_173] : memref<2x10240x64xf32, #tpu.memory_space<hbm>> -> memref<1x10240x64xf32, #tpu.memory_space<hbm>>
          %dma_start3A_175 = tpu.memref_squeeze %dma_start3A_174 : memref<1x10240x64xf32, #tpu.memory_space<hbm>> -> memref<10240x64xf32, #tpu.memory_space<hbm>>
          %dma_start3A_176 = arith.constant 0 : i32
          %dma_start3A_177 = arith.constant 0 : i32
          %dma_start3A_178 = tpu.memref_slice %dma_start3A_175[%dma_start3A_176, %dma_start3A_177] : memref<10240x64xf32, #tpu.memory_space<hbm>> -> memref<10240x64xf32, #tpu.memory_space<hbm>>
          tpu.enqueue_indirect_dma source(%dma_start3A_178 : memref<10240x64xf32, #tpu.memory_space<hbm>>) target(%arg15 : memref<128x64xf32, #tpu.memory_space<vmem>>) offsets(%dma_start3A_171 : memref<128xi32, #tpu.memory_space<vmem>>) semaphore(%arg20 : memref<!tpu.dma_semaphore, #tpu.memory_space<semaphore_mem>>)
        } else {
        }
        %dma_wait3A_112 = arith.constant 0 : i32
        %dma_wait3A_113 = arith.constant 0 : i32
        %dma_wait3A_114 = tpu.memref_slice %arg4[%arg0, %dma_wait3A_112, %dma_wait3A_113] : memref<2x10240x64xf32, #tpu.memory_space<hbm>> -> memref<1x10240x64xf32, #tpu.memory_space<hbm>>
        %dma_wait3A_115 = tpu.memref_squeeze %dma_wait3A_114 : memref<1x10240x64xf32, #tpu.memory_space<hbm>> -> memref<10240x64xf32, #tpu.memory_space<hbm>>
        %dma_wait3A_116 = arith.constant 0 : i32
        %dma_wait3A_117 = arith.constant 0 : i32
        %dma_wait3A_118 = tpu.memref_slice %dma_wait3A_115[%dma_wait3A_116, %dma_wait3A_117] : memref<10240x64xf32, #tpu.memory_space<hbm>> -> memref<128x64xf32, #tpu.memory_space<hbm>>
        %dma_wait3A_119 = arith.constant 0 : i32
        %dma_wait3A_120 = arith.constant 0 : i32
        %dma_wait3A_121 = tpu.memref_slice %arg4[%arg0, %dma_wait3A_119, %dma_wait3A_120] : memref<2x10240x64xf32, #tpu.memory_space<hbm>> -> memref<1x10240x64xf32, #tpu.memory_space<hbm>>
        %dma_wait3A_122 = tpu.memref_squeeze %dma_wait3A_121 : memref<1x10240x64xf32, #tpu.memory_space<hbm>> -> memref<10240x64xf32, #tpu.memory_space<hbm>>
        %dma_wait3A_123 = arith.constant 0 : i32
        %dma_wait3A_124 = arith.constant 0 : i32
        %dma_wait3A_125 = tpu.memref_slice %dma_wait3A_122[%dma_wait3A_123, %dma_wait3A_124] : memref<10240x64xf32, #tpu.memory_space<hbm>> -> memref<128x64xf32, #tpu.memory_space<hbm>>
        tpu.wait_dma2 semaphore(%arg21 : memref<!tpu.dma_semaphore, #tpu.memory_space<semaphore_mem>>) src(%dma_wait3A_125 : memref<128x64xf32, #tpu.memory_space<hbm>>) dst(%arg14 : memref<128x64xf32, #tpu.memory_space<vmem>>)
        %dma_wait3A_126 = arith.constant 0 : i32
        %dma_wait3A_127 = arith.constant 0 : i32
        %dma_wait3A_128 = tpu.memref_slice %arg4[%arg0, %dma_wait3A_126, %dma_wait3A_127] : memref<2x10240x64xf32, #tpu.memory_space<hbm>> -> memref<1x10240x64xf32, #tpu.memory_space<hbm>>
        %dma_wait3A_129 = tpu.memref_squeeze %dma_wait3A_128 : memref<1x10240x64xf32, #tpu.memory_space<hbm>> -> memref<10240x64xf32, #tpu.memory_space<hbm>>
        %dma_wait3A_130 = arith.constant 0 : i32
        %dma_wait3A_131 = arith.constant 0 : i32
        %dma_wait3A_132 = tpu.memref_slice %dma_wait3A_129[%dma_wait3A_130, %dma_wait3A_131] : memref<10240x64xf32, #tpu.memory_space<hbm>> -> memref<128x64xf32, #tpu.memory_space<hbm>>
        %dma_wait3A_133 = arith.constant 0 : i32
        %dma_wait3A_134 = arith.constant 0 : i32
        %dma_wait3A_135 = tpu.memref_slice %arg4[%arg0, %dma_wait3A_133, %dma_wait3A_134] : memref<2x10240x64xf32, #tpu.memory_space<hbm>> -> memref<1x10240x64xf32, #tpu.memory_space<hbm>>
        %dma_wait3A_136 = tpu.memref_squeeze %dma_wait3A_135 : memref<1x10240x64xf32, #tpu.memory_space<hbm>> -> memref<10240x64xf32, #tpu.memory_space<hbm>>
        %dma_wait3A_137 = arith.constant 0 : i32
        %dma_wait3A_138 = arith.constant 0 : i32
        %dma_wait3A_139 = tpu.memref_slice %dma_wait3A_136[%dma_wait3A_137, %dma_wait3A_138] : memref<10240x64xf32, #tpu.memory_space<hbm>> -> memref<128x64xf32, #tpu.memory_space<hbm>>
        tpu.wait_dma2 semaphore(%arg21 : memref<!tpu.dma_semaphore, #tpu.memory_space<semaphore_mem>>) src(%dma_wait3A_139 : memref<128x64xf32, #tpu.memory_space<hbm>>) dst(%arg16 : memref<128x64xf32, #tpu.memory_space<vmem>>)
        "tpu.region"() ({
          %run_scoped3A = tpu.sem_alloc : memref<!tpu.dma_semaphore, #tpu.memory_space<semaphore_mem>>
          %dma_start3A_151 = arith.constant 0 : i32
          %dma_start3A_152 = tpu.memref_slice %arg12[%add3A_102, %dma_start3A_151] : memref<160x128xi32, #tpu.memory_space<vmem>> -> memref<1x128xi32, #tpu.memory_space<vmem>>
          %dma_start3A_153 = tpu.memref_squeeze %dma_start3A_152 : memref<1x128xi32, #tpu.memory_space<vmem>> -> memref<128xi32, #tpu.memory_space<vmem>>
          %dma_start3A_154 = arith.constant 0 : i32
          %dma_start3A_155 = arith.constant 0 : i32
          %dma_start3A_156 = tpu.memref_slice %arg18[%dma_start3A_154, %dma_start3A_155] : memref<10240x64xf32, #tpu.memory_space<vmem_shared>> -> memref<10240x64xf32, #tpu.memory_space<vmem_shared>>
          tpu.enqueue_indirect_dma source(%arg14 : memref<128x64xf32, #tpu.memory_space<vmem>>) target(%dma_start3A_156 : memref<10240x64xf32, #tpu.memory_space<vmem_shared>>) offsets(%dma_start3A_153 : memref<128xi32, #tpu.memory_space<vmem>>) semaphore(%run_scoped3A : memref<!tpu.dma_semaphore, #tpu.memory_space<semaphore_mem>>) {add = true}
          %dma_wait3A_157 = arith.constant 0 : i32
          %dma_wait3A_158 = tpu.memref_slice %arg12[%add3A_102, %dma_wait3A_157] : memref<160x128xi32, #tpu.memory_space<vmem>> -> memref<1x128xi32, #tpu.memory_space<vmem>>
          %dma_wait3A_159 = tpu.memref_squeeze %dma_wait3A_158 : memref<1x128xi32, #tpu.memory_space<vmem>> -> memref<128xi32, #tpu.memory_space<vmem>>
          %dma_wait3A_160 = arith.constant 0 : i32
          %dma_wait3A_161 = arith.constant 0 : i32
          %dma_wait3A_162 = tpu.memref_slice %arg18[%dma_wait3A_160, %dma_wait3A_161] : memref<10240x64xf32, #tpu.memory_space<vmem_shared>> -> memref<10240x64xf32, #tpu.memory_space<vmem_shared>>
          tpu.wait_indirect_dma semaphore(%run_scoped3A : memref<!tpu.dma_semaphore, #tpu.memory_space<semaphore_mem>>) src(%arg14 : memref<128x64xf32, #tpu.memory_space<vmem>>) dst(%dma_wait3A_162 : memref<10240x64xf32, #tpu.memory_space<vmem_shared>>)
          tpu.yield
        }) : () -> ()
        "tpu.region"() ({
          %run_scoped3A = tpu.sem_alloc : memref<!tpu.dma_semaphore, #tpu.memory_space<semaphore_mem>>
          %dma_start3A_151 = arith.constant 0 : i32
          %dma_start3A_152 = tpu.memref_slice %arg11[%add3A_102, %dma_start3A_151] : memref<160x128xi32, #tpu.memory_space<vmem>> -> memref<1x128xi32, #tpu.memory_space<vmem>>
          %dma_start3A_153 = tpu.memref_squeeze %dma_start3A_152 : memref<1x128xi32, #tpu.memory_space<vmem>> -> memref<128xi32, #tpu.memory_space<vmem>>
          %dma_start3A_154 = arith.constant 0 : i32
          %dma_start3A_155 = arith.constant 0 : i32
          %dma_start3A_156 = tpu.memref_slice %arg18[%dma_start3A_154, %dma_start3A_155] : memref<10240x64xf32, #tpu.memory_space<vmem_shared>> -> memref<10240x64xf32, #tpu.memory_space<vmem_shared>>
          tpu.enqueue_indirect_dma source(%arg16 : memref<128x64xf32, #tpu.memory_space<vmem>>) target(%dma_start3A_156 : memref<10240x64xf32, #tpu.memory_space<vmem_shared>>) offsets(%dma_start3A_153 : memref<128xi32, #tpu.memory_space<vmem>>) semaphore(%run_scoped3A : memref<!tpu.dma_semaphore, #tpu.memory_space<semaphore_mem>>) {add = true}
          %dma_wait3A_157 = arith.constant 0 : i32
          %dma_wait3A_158 = tpu.memref_slice %arg11[%add3A_102, %dma_wait3A_157] : memref<160x128xi32, #tpu.memory_space<vmem>> -> memref<1x128xi32, #tpu.memory_space<vmem>>
          %dma_wait3A_159 = tpu.memref_squeeze %dma_wait3A_158 : memref<1x128xi32, #tpu.memory_space<vmem>> -> memref<128xi32, #tpu.memory_space<vmem>>
          %dma_wait3A_160 = arith.constant 0 : i32
          %dma_wait3A_161 = arith.constant 0 : i32
          %dma_wait3A_162 = tpu.memref_slice %arg18[%dma_wait3A_160, %dma_wait3A_161] : memref<10240x64xf32, #tpu.memory_space<vmem_shared>> -> memref<10240x64xf32, #tpu.memory_space<vmem_shared>>
          tpu.wait_indirect_dma semaphore(%run_scoped3A : memref<!tpu.dma_semaphore, #tpu.memory_space<semaphore_mem>>) src(%arg16 : memref<128x64xf32, #tpu.memory_space<vmem>>) dst(%dma_wait3A_162 : memref<10240x64xf32, #tpu.memory_space<vmem_shared>>)
          tpu.yield
        }) : () -> ()
        %gt3A_140 = arith.constant 0 : i32
        %gt3A_141 = arith.cmpi sgt, %add3A_102, %gt3A_140 : i32
        %convert_element_type3A_142 = arith.extui %gt3A_141 : i1 to i32
        %cond3A_143 = arith.constant 0 : i32
        %cond3A_144 = arith.cmpi ne, %convert_element_type3A_142, %cond3A_143 : i32
        scf.if %cond3A_144 {
          %dma_wait3A_151 = arith.constant 0 : i32
          %dma_wait3A_152 = arith.constant 0 : i32
          %dma_wait3A_153 = tpu.memref_slice %arg7[%dma_wait3A_151, %dma_wait3A_152] : memref<640x16xf32, #tpu.memory_space<hbm>> -> memref<128x16xf32, #tpu.memory_space<hbm>>
          %dma_wait3A_154 = arith.constant 0 : i32
          %dma_wait3A_155 = arith.constant 0 : i32
          %dma_wait3A_156 = tpu.memref_slice %arg7[%dma_wait3A_154, %dma_wait3A_155] : memref<640x16xf32, #tpu.memory_space<hbm>> -> memref<128x16xf32, #tpu.memory_space<hbm>>
          tpu.wait_dma2 semaphore(%arg22 : memref<!tpu.dma_semaphore, #tpu.memory_space<semaphore_mem>>) src(%dma_wait3A_156 : memref<128x16xf32, #tpu.memory_space<hbm>>) dst(%arg17 : memref<128x16xf32, #tpu.memory_space<vmem>>)
        } else {
        }
        %dma_start3A_145 = arith.constant 0 : i32
        %dma_start3A_146 = tpu.memref_slice %arg11[%add3A_102, %dma_start3A_145] : memref<160x128xi32, #tpu.memory_space<vmem>> -> memref<1x128xi32, #tpu.memory_space<vmem>>
        %dma_start3A_147 = tpu.memref_squeeze %dma_start3A_146 : memref<1x128xi32, #tpu.memory_space<vmem>> -> memref<128xi32, #tpu.memory_space<vmem>>
        %dma_start3A_148 = arith.constant 0 : i32
        %dma_start3A_149 = arith.constant 0 : i32
        %dma_start3A_150 = tpu.memref_slice %arg19[%dma_start3A_148, %dma_start3A_149] : memref<10240x16xf32, #tpu.memory_space<vmem_shared>> -> memref<10240x16xf32, #tpu.memory_space<vmem_shared>>
        tpu.enqueue_indirect_dma source(%arg17 : memref<128x16xf32, #tpu.memory_space<vmem>>) target(%dma_start3A_150 : memref<10240x16xf32, #tpu.memory_space<vmem_shared>>) offsets(%dma_start3A_147 : memref<128xi32, #tpu.memory_space<vmem>>) semaphore(%arg22 : memref<!tpu.dma_semaphore, #tpu.memory_space<semaphore_mem>>) {add = true}
      }
      %scan3A_49 = arith.constant 80 : i32
    } else {
    }
    %dma_wait3A = arith.constant 0 : i32
    %dma_wait3A_31 = arith.constant 0 : i32
    %dma_wait3A_32 = tpu.memref_slice %arg7[%dma_wait3A, %dma_wait3A_31] : memref<640x16xf32, #tpu.memory_space<hbm>> -> memref<128x16xf32, #tpu.memory_space<hbm>>
    %dma_wait3A_33 = arith.constant 0 : i32
    %dma_wait3A_34 = arith.constant 0 : i32
    %dma_wait3A_35 = tpu.memref_slice %arg7[%dma_wait3A_33, %dma_wait3A_34] : memref<640x16xf32, #tpu.memory_space<hbm>> -> memref<128x16xf32, #tpu.memory_space<hbm>>
    tpu.wait_dma2 semaphore(%arg22 : memref<!tpu.dma_semaphore, #tpu.memory_space<semaphore_mem>>) src(%dma_wait3A_35 : memref<128x16xf32, #tpu.memory_space<hbm>>) dst(%arg17 : memref<128x16xf32, #tpu.memory_space<vmem>>)
    %barrier3A_36 = arith.constant 0 : index
    tpu.barrier barrier_id(%barrier3A_36)
    %mul3A_37 = arith.constant 640 : i32
    %mul3A_38 = arith.muli %arg1, %mul3A_37 : i32
    %mul3A_39 = arith.constant 640 : i32
    %mul3A_40 = arith.muli %arg1, %mul3A_39 : i32
    "tpu.region"() ({
      %run_scoped3A = tpu.sem_alloc : memref<!tpu.dma_semaphore, #tpu.memory_space<semaphore_mem>>
      %dma_start3A_45 = arith.constant 0 : i32
      %dma_start3A_46 = tpu.memref_slice %arg9[%arg0, %mul3A_40, %dma_start3A_45] : memref<2x10240x64xf32, #tpu.memory_space<hbm>> -> memref<1x640x64xf32, #tpu.memory_space<hbm>>
      %dma_start3A_47 = tpu.memref_squeeze %dma_start3A_46 : memref<1x640x64xf32, #tpu.memory_space<hbm>> -> memref<640x64xf32, #tpu.memory_space<hbm>>
      %dma_start3A_48 = arith.constant 0 : i32
      %dma_start3A_49 = tpu.memref_slice %arg18[%mul3A_38, %dma_start3A_48] : memref<10240x64xf32, #tpu.memory_space<vmem_shared>> -> memref<640x64xf32, #tpu.memory_space<vmem_shared>>
      tpu.enqueue_dma source(%dma_start3A_49 : memref<640x64xf32, #tpu.memory_space<vmem_shared>>) target(%dma_start3A_47 : memref<640x64xf32, #tpu.memory_space<hbm>>) target_semaphore(%run_scoped3A : memref<!tpu.dma_semaphore, #tpu.memory_space<semaphore_mem>>)
      %dma_wait3A_50 = arith.constant 0 : i32
      %dma_wait3A_51 = tpu.memref_slice %arg9[%arg0, %mul3A_40, %dma_wait3A_50] : memref<2x10240x64xf32, #tpu.memory_space<hbm>> -> memref<1x640x64xf32, #tpu.memory_space<hbm>>
      %dma_wait3A_52 = tpu.memref_squeeze %dma_wait3A_51 : memref<1x640x64xf32, #tpu.memory_space<hbm>> -> memref<640x64xf32, #tpu.memory_space<hbm>>
      %dma_wait3A_53 = arith.constant 0 : i32
      %dma_wait3A_54 = tpu.memref_slice %arg18[%mul3A_38, %dma_wait3A_53] : memref<10240x64xf32, #tpu.memory_space<vmem_shared>> -> memref<640x64xf32, #tpu.memory_space<vmem_shared>>
      tpu.wait_dma2 semaphore(%run_scoped3A : memref<!tpu.dma_semaphore, #tpu.memory_space<semaphore_mem>>) src(%dma_wait3A_54 : memref<640x64xf32, #tpu.memory_space<vmem_shared>>) dst(%dma_wait3A_52 : memref<640x64xf32, #tpu.memory_space<hbm>>)
      tpu.yield
    }) : () -> ()
    %mul3A_41 = arith.constant 640 : i32
    %mul3A_42 = arith.muli %arg1, %mul3A_41 : i32
    %mul3A_43 = arith.constant 640 : i32
    %mul3A_44 = arith.muli %arg1, %mul3A_43 : i32
    "tpu.region"() ({
      %run_scoped3A = tpu.sem_alloc : memref<!tpu.dma_semaphore, #tpu.memory_space<semaphore_mem>>
      %dma_start3A_45 = arith.constant 0 : i32
      %dma_start3A_46 = tpu.memref_slice %arg10[%arg0, %mul3A_44, %dma_start3A_45] : memref<2x10240x16xf32, #tpu.memory_space<hbm>> -> memref<1x640x16xf32, #tpu.memory_space<hbm>>
      %dma_start3A_47 = tpu.memref_squeeze %dma_start3A_46 : memref<1x640x16xf32, #tpu.memory_space<hbm>> -> memref<640x16xf32, #tpu.memory_space<hbm>>
      %dma_start3A_48 = arith.constant 0 : i32
      %dma_start3A_49 = tpu.memref_slice %arg19[%mul3A_42, %dma_start3A_48] : memref<10240x16xf32, #tpu.memory_space<vmem_shared>> -> memref<640x16xf32, #tpu.memory_space<vmem_shared>>
      tpu.enqueue_dma source(%dma_start3A_49 : memref<640x16xf32, #tpu.memory_space<vmem_shared>>) target(%dma_start3A_47 : memref<640x16xf32, #tpu.memory_space<hbm>>) target_semaphore(%run_scoped3A : memref<!tpu.dma_semaphore, #tpu.memory_space<semaphore_mem>>)
      %dma_wait3A_50 = arith.constant 0 : i32
      %dma_wait3A_51 = tpu.memref_slice %arg10[%arg0, %mul3A_44, %dma_wait3A_50] : memref<2x10240x16xf32, #tpu.memory_space<hbm>> -> memref<1x640x16xf32, #tpu.memory_space<hbm>>
      %dma_wait3A_52 = tpu.memref_squeeze %dma_wait3A_51 : memref<1x640x16xf32, #tpu.memory_space<hbm>> -> memref<640x16xf32, #tpu.memory_space<hbm>>
      %dma_wait3A_53 = arith.constant 0 : i32
      %dma_wait3A_54 = tpu.memref_slice %arg19[%mul3A_42, %dma_wait3A_53] : memref<10240x16xf32, #tpu.memory_space<vmem_shared>> -> memref<640x16xf32, #tpu.memory_space<vmem_shared>>
      tpu.wait_dma2 semaphore(%run_scoped3A : memref<!tpu.dma_semaphore, #tpu.memory_space<semaphore_mem>>) src(%dma_wait3A_54 : memref<640x16xf32, #tpu.memory_space<vmem_shared>>) dst(%dma_wait3A_52 : memref<640x16xf32, #tpu.memory_space<hbm>>)
      tpu.yield
    }) : () -> ()
    return
  }
}

#map = affine_map<(d0, d1) -> (0, 0, 0)>
#map1 = affine_map<(d0, d1) -> (0, 0)>
module attributes {stable_mosaic.version = 14 : i64} {
  func.func @body(%arg0: i32, %arg1: i32, %arg2: memref<16x160x128xi32, #tpu.memory_space<hbm>>, %arg3: memref<16x160x128xi32, #tpu.memory_space<hbm>>, %arg4: memref<2x10240x64xf32, #tpu.memory_space<hbm>>, %arg5: memref<2x10240x64xf32, #tpu.memory_space<hbm>>, %arg6: memref<640x64xf32, #tpu.memory_space<hbm>>, %arg7: memref<2x10240x64xf32, #tpu.memory_space<hbm>>, %arg8: memref<160x128xi32, #tpu.memory_space<vmem>>, %arg9: memref<160x128xi32, #tpu.memory_space<vmem>>, %arg10: memref<128x64xf32, #tpu.memory_space<vmem>>, %arg11: memref<128x64xf32, #tpu.memory_space<vmem>>, %arg12: memref<128x64xf32, #tpu.memory_space<vmem>>, %arg13: memref<128x64xf32, #tpu.memory_space<vmem>>, %arg14: memref<10240x64xf32, #tpu.memory_space<vmem_shared>>, %arg15: memref<!tpu.dma_semaphore, #tpu.memory_space<semaphore_mem>>, %arg16: memref<!tpu.dma_semaphore, #tpu.memory_space<semaphore_mem>>) attributes {dimension_semantics = [#tpu.dimension_semantics<core_parallel>, #tpu.dimension_semantics<subcore_parallel>], iteration_bounds = array<i64: 2, 16>, scalar_prefetch = 0 : i64, scratch_operands = 9 : i64, tpu.core_type = #tpu.core_type<sc_vector_subcore>, window_params = [{transform_indices = #map}, {transform_indices = #map}, {transform_indices = #map}, {transform_indices = #map}, {transform_indices = #map1}, {transform_indices = #map}]} {
    "tpu.region"() ({
      %run_scoped3A = tpu.sem_alloc : memref<!tpu.dma_semaphore, #tpu.memory_space<semaphore_mem>>
      %dma_start3A_32 = arith.constant 0 : i32
      %dma_start3A_33 = arith.constant 0 : i32
      %dma_start3A_34 = tpu.memref_slice %arg2[%arg1, %dma_start3A_32, %dma_start3A_33] : memref<16x160x128xi32, #tpu.memory_space<hbm>> -> memref<1x160x128xi32, #tpu.memory_space<hbm>>
      %dma_start3A_35 = tpu.memref_squeeze %dma_start3A_34 : memref<1x160x128xi32, #tpu.memory_space<hbm>> -> memref<160x128xi32, #tpu.memory_space<hbm>>
      %dma_start3A_36 = arith.constant 0 : i32
      %dma_start3A_37 = arith.constant 0 : i32
      %dma_start3A_38 = tpu.memref_slice %arg2[%arg1, %dma_start3A_36, %dma_start3A_37] : memref<16x160x128xi32, #tpu.memory_space<hbm>> -> memref<1x160x128xi32, #tpu.memory_space<hbm>>
      %dma_start3A_39 = tpu.memref_squeeze %dma_start3A_38 : memref<1x160x128xi32, #tpu.memory_space<hbm>> -> memref<160x128xi32, #tpu.memory_space<hbm>>
      tpu.enqueue_dma source(%dma_start3A_39 : memref<160x128xi32, #tpu.memory_space<hbm>>) target(%arg8 : memref<160x128xi32, #tpu.memory_space<vmem>>) target_semaphore(%run_scoped3A : memref<!tpu.dma_semaphore, #tpu.memory_space<semaphore_mem>>)
      %dma_wait3A = arith.constant 0 : i32
      %dma_wait3A_40 = arith.constant 0 : i32
      %dma_wait3A_41 = tpu.memref_slice %arg2[%arg1, %dma_wait3A, %dma_wait3A_40] : memref<16x160x128xi32, #tpu.memory_space<hbm>> -> memref<1x160x128xi32, #tpu.memory_space<hbm>>
      %dma_wait3A_42 = tpu.memref_squeeze %dma_wait3A_41 : memref<1x160x128xi32, #tpu.memory_space<hbm>> -> memref<160x128xi32, #tpu.memory_space<hbm>>
      %dma_wait3A_43 = arith.constant 0 : i32
      %dma_wait3A_44 = arith.constant 0 : i32
      %dma_wait3A_45 = tpu.memref_slice %arg2[%arg1, %dma_wait3A_43, %dma_wait3A_44] : memref<16x160x128xi32, #tpu.memory_space<hbm>> -> memref<1x160x128xi32, #tpu.memory_space<hbm>>
      %dma_wait3A_46 = tpu.memref_squeeze %dma_wait3A_45 : memref<1x160x128xi32, #tpu.memory_space<hbm>> -> memref<160x128xi32, #tpu.memory_space<hbm>>
      tpu.wait_dma2 semaphore(%run_scoped3A : memref<!tpu.dma_semaphore, #tpu.memory_space<semaphore_mem>>) src(%dma_wait3A_46 : memref<160x128xi32, #tpu.memory_space<hbm>>) dst(%arg8 : memref<160x128xi32, #tpu.memory_space<vmem>>)
      tpu.yield
    }) : () -> ()
    "tpu.region"() ({
      %run_scoped3A = tpu.sem_alloc : memref<!tpu.dma_semaphore, #tpu.memory_space<semaphore_mem>>
      %dma_start3A_32 = arith.constant 0 : i32
      %dma_start3A_33 = arith.constant 0 : i32
      %dma_start3A_34 = tpu.memref_slice %arg3[%arg1, %dma_start3A_32, %dma_start3A_33] : memref<16x160x128xi32, #tpu.memory_space<hbm>> -> memref<1x160x128xi32, #tpu.memory_space<hbm>>
      %dma_start3A_35 = tpu.memref_squeeze %dma_start3A_34 : memref<1x160x128xi32, #tpu.memory_space<hbm>> -> memref<160x128xi32, #tpu.memory_space<hbm>>
      %dma_start3A_36 = arith.constant 0 : i32
      %dma_start3A_37 = arith.constant 0 : i32
      %dma_start3A_38 = tpu.memref_slice %arg3[%arg1, %dma_start3A_36, %dma_start3A_37] : memref<16x160x128xi32, #tpu.memory_space<hbm>> -> memref<1x160x128xi32, #tpu.memory_space<hbm>>
      %dma_start3A_39 = tpu.memref_squeeze %dma_start3A_38 : memref<1x160x128xi32, #tpu.memory_space<hbm>> -> memref<160x128xi32, #tpu.memory_space<hbm>>
      tpu.enqueue_dma source(%dma_start3A_39 : memref<160x128xi32, #tpu.memory_space<hbm>>) target(%arg9 : memref<160x128xi32, #tpu.memory_space<vmem>>) target_semaphore(%run_scoped3A : memref<!tpu.dma_semaphore, #tpu.memory_space<semaphore_mem>>)
      %dma_wait3A = arith.constant 0 : i32
      %dma_wait3A_40 = arith.constant 0 : i32
      %dma_wait3A_41 = tpu.memref_slice %arg3[%arg1, %dma_wait3A, %dma_wait3A_40] : memref<16x160x128xi32, #tpu.memory_space<hbm>> -> memref<1x160x128xi32, #tpu.memory_space<hbm>>
      %dma_wait3A_42 = tpu.memref_squeeze %dma_wait3A_41 : memref<1x160x128xi32, #tpu.memory_space<hbm>> -> memref<160x128xi32, #tpu.memory_space<hbm>>
      %dma_wait3A_43 = arith.constant 0 : i32
      %dma_wait3A_44 = arith.constant 0 : i32
      %dma_wait3A_45 = tpu.memref_slice %arg3[%arg1, %dma_wait3A_43, %dma_wait3A_44] : memref<16x160x128xi32, #tpu.memory_space<hbm>> -> memref<1x160x128xi32, #tpu.memory_space<hbm>>
      %dma_wait3A_46 = tpu.memref_squeeze %dma_wait3A_45 : memref<1x160x128xi32, #tpu.memory_space<hbm>> -> memref<160x128xi32, #tpu.memory_space<hbm>>
      tpu.wait_dma2 semaphore(%run_scoped3A : memref<!tpu.dma_semaphore, #tpu.memory_space<semaphore_mem>>) src(%dma_wait3A_46 : memref<160x128xi32, #tpu.memory_space<hbm>>) dst(%arg9 : memref<160x128xi32, #tpu.memory_space<vmem>>)
      tpu.yield
    }) : () -> ()
    %dma_start3A = arith.constant 0 : i32
    %dma_start3A_0 = arith.constant 0 : i32
    %dma_start3A_1 = tpu.memref_slice %arg8[%dma_start3A, %dma_start3A_0] : memref<160x128xi32, #tpu.memory_space<vmem>> -> memref<1x128xi32, #tpu.memory_space<vmem>>
    %dma_start3A_2 = tpu.memref_squeeze %dma_start3A_1 : memref<1x128xi32, #tpu.memory_space<vmem>> -> memref<128xi32, #tpu.memory_space<vmem>>
    %dma_start3A_3 = arith.constant 0 : i32
    %dma_start3A_4 = arith.constant 0 : i32
    %dma_start3A_5 = tpu.memref_slice %arg4[%arg0, %dma_start3A_3, %dma_start3A_4] : memref<2x10240x64xf32, #tpu.memory_space<hbm>> -> memref<1x10240x64xf32, #tpu.memory_space<hbm>>
    %dma_start3A_6 = tpu.memref_squeeze %dma_start3A_5 : memref<1x10240x64xf32, #tpu.memory_space<hbm>> -> memref<10240x64xf32, #tpu.memory_space<hbm>>
    %dma_start3A_7 = arith.constant 0 : i32
    %dma_start3A_8 = arith.constant 0 : i32
    %dma_start3A_9 = tpu.memref_slice %dma_start3A_6[%dma_start3A_7, %dma_start3A_8] : memref<10240x64xf32, #tpu.memory_space<hbm>> -> memref<10240x64xf32, #tpu.memory_space<hbm>>
    tpu.enqueue_indirect_dma source(%dma_start3A_9 : memref<10240x64xf32, #tpu.memory_space<hbm>>) target(%arg10 : memref<128x64xf32, #tpu.memory_space<vmem>>) offsets(%dma_start3A_2 : memref<128xi32, #tpu.memory_space<vmem>>) semaphore(%arg15 : memref<!tpu.dma_semaphore, #tpu.memory_space<semaphore_mem>>)
    %dma_start3A_10 = arith.constant 0 : i32
    %dma_start3A_11 = arith.constant 0 : i32
    %dma_start3A_12 = tpu.memref_slice %arg9[%dma_start3A_10, %dma_start3A_11] : memref<160x128xi32, #tpu.memory_space<vmem>> -> memref<1x128xi32, #tpu.memory_space<vmem>>
    %dma_start3A_13 = tpu.memref_squeeze %dma_start3A_12 : memref<1x128xi32, #tpu.memory_space<vmem>> -> memref<128xi32, #tpu.memory_space<vmem>>
    %dma_start3A_14 = arith.constant 0 : i32
    %dma_start3A_15 = arith.constant 0 : i32
    %dma_start3A_16 = tpu.memref_slice %arg5[%arg0, %dma_start3A_14, %dma_start3A_15] : memref<2x10240x64xf32, #tpu.memory_space<hbm>> -> memref<1x10240x64xf32, #tpu.memory_space<hbm>>
    %dma_start3A_17 = tpu.memref_squeeze %dma_start3A_16 : memref<1x10240x64xf32, #tpu.memory_space<hbm>> -> memref<10240x64xf32, #tpu.memory_space<hbm>>
    %dma_start3A_18 = arith.constant 0 : i32
    %dma_start3A_19 = arith.constant 0 : i32
    %dma_start3A_20 = tpu.memref_slice %dma_start3A_17[%dma_start3A_18, %dma_start3A_19] : memref<10240x64xf32, #tpu.memory_space<hbm>> -> memref<10240x64xf32, #tpu.memory_space<hbm>>
    tpu.enqueue_indirect_dma source(%dma_start3A_20 : memref<10240x64xf32, #tpu.memory_space<hbm>>) target(%arg12 : memref<128x64xf32, #tpu.memory_space<vmem>>) offsets(%dma_start3A_13 : memref<128xi32, #tpu.memory_space<vmem>>) semaphore(%arg15 : memref<!tpu.dma_semaphore, #tpu.memory_space<semaphore_mem>>)
    %mul3A = arith.constant 640 : i32
    %mul3A_21 = arith.muli %arg1, %mul3A : i32
    "tpu.region"() ({
      %run_scoped3A = tpu.sem_alloc : memref<!tpu.dma_semaphore, #tpu.memory_space<semaphore_mem>>
      %dma_start3A_32 = arith.constant 0 : i32
      %dma_start3A_33 = tpu.memref_slice %arg14[%mul3A_21, %dma_start3A_32] : memref<10240x64xf32, #tpu.memory_space<vmem_shared>> -> memref<640x64xf32, #tpu.memory_space<vmem_shared>>
      tpu.enqueue_dma source(%arg6 : memref<640x64xf32, #tpu.memory_space<hbm>>) target(%dma_start3A_33 : memref<640x64xf32, #tpu.memory_space<vmem_shared>>) target_semaphore(%run_scoped3A : memref<!tpu.dma_semaphore, #tpu.memory_space<semaphore_mem>>)
      %dma_wait3A = arith.constant 0 : i32
      %dma_wait3A_34 = tpu.memref_slice %arg14[%mul3A_21, %dma_wait3A] : memref<10240x64xf32, #tpu.memory_space<vmem_shared>> -> memref<640x64xf32, #tpu.memory_space<vmem_shared>>
      tpu.wait_dma2 semaphore(%run_scoped3A : memref<!tpu.dma_semaphore, #tpu.memory_space<semaphore_mem>>) src(%arg6 : memref<640x64xf32, #tpu.memory_space<hbm>>) dst(%dma_wait3A_34 : memref<640x64xf32, #tpu.memory_space<vmem_shared>>)
      tpu.yield
    }) : () -> ()
    %barrier3A = arith.constant 0 : index
    tpu.barrier barrier_id(%barrier3A)
    %scan3A = arith.constant 0 : i32
    %scan3A_22 = arith.constant 0 : i32
    %scan3A_23 = arith.constant 80 : i32
    %scan3A_24 = arith.addi %scan3A_22, %scan3A_23 : i32
    %scan3A_25 = arith.constant 1 : i32
    scf.for %scan3A_32 = %scan3A_22 to %scan3A_24 step %scan3A_25  : i32 {
      %mul3A_33 = arith.constant 2 : i32
      %mul3A_34 = arith.muli %mul3A_33, %scan3A_32 : i32
      %add3A = arith.constant 0 : i32
      %add3A_35 = arith.addi %mul3A_34, %add3A : i32
      %add3A_36 = arith.constant 2 : i32
      %add3A_37 = arith.addi %add3A_35, %add3A_36 : i32
      %sub3A = arith.constant 1 : i32
      %sub3A_38 = arith.subi %add3A_37, %sub3A : i32
      %lt3A = arith.constant 160 : i32
      %lt3A_39 = arith.cmpi slt, %sub3A_38, %lt3A : i32
      %convert_element_type3A = arith.extui %lt3A_39 : i1 to i32
      %cond3A = arith.constant 0 : i32
      %cond3A_40 = arith.cmpi ne, %convert_element_type3A, %cond3A : i32
      scf.if %cond3A_40 {
        %add3A_109 = arith.constant 2 : i32
        %add3A_110 = arith.addi %add3A_35, %add3A_109 : i32
        %sub3A_111 = arith.constant 1 : i32
        %sub3A_112 = arith.subi %add3A_110, %sub3A_111 : i32
        %dma_start3A_113 = arith.constant 0 : i32
        %dma_start3A_114 = tpu.memref_slice %arg8[%sub3A_112, %dma_start3A_113] : memref<160x128xi32, #tpu.memory_space<vmem>> -> memref<1x128xi32, #tpu.memory_space<vmem>>
        %dma_start3A_115 = tpu.memref_squeeze %dma_start3A_114 : memref<1x128xi32, #tpu.memory_space<vmem>> -> memref<128xi32, #tpu.memory_space<vmem>>
        %dma_start3A_116 = arith.constant 0 : i32
        %dma_start3A_117 = arith.constant 0 : i32
        %dma_start3A_118 = tpu.memref_slice %arg4[%arg0, %dma_start3A_116, %dma_start3A_117] : memref<2x10240x64xf32, #tpu.memory_space<hbm>> -> memref<1x10240x64xf32, #tpu.memory_space<hbm>>
        %dma_start3A_119 = tpu.memref_squeeze %dma_start3A_118 : memref<1x10240x64xf32, #tpu.memory_space<hbm>> -> memref<10240x64xf32, #tpu.memory_space<hbm>>
        %dma_start3A_120 = arith.constant 0 : i32
        %dma_start3A_121 = arith.constant 0 : i32
        %dma_start3A_122 = tpu.memref_slice %dma_start3A_119[%dma_start3A_120, %dma_start3A_121] : memref<10240x64xf32, #tpu.memory_space<hbm>> -> memref<10240x64xf32, #tpu.memory_space<hbm>>
        tpu.enqueue_indirect_dma source(%dma_start3A_122 : memref<10240x64xf32, #tpu.memory_space<hbm>>) target(%arg11 : memref<128x64xf32, #tpu.memory_space<vmem>>) offsets(%dma_start3A_115 : memref<128xi32, #tpu.memory_space<vmem>>) semaphore(%arg16 : memref<!tpu.dma_semaphore, #tpu.memory_space<semaphore_mem>>)
        %add3A_123 = arith.constant 2 : i32
        %add3A_124 = arith.addi %add3A_35, %add3A_123 : i32
        %sub3A_125 = arith.constant 1 : i32
        %sub3A_126 = arith.subi %add3A_124, %sub3A_125 : i32
        %dma_start3A_127 = arith.constant 0 : i32
        %dma_start3A_128 = tpu.memref_slice %arg9[%sub3A_126, %dma_start3A_127] : memref<160x128xi32, #tpu.memory_space<vmem>> -> memref<1x128xi32, #tpu.memory_space<vmem>>
        %dma_start3A_129 = tpu.memref_squeeze %dma_start3A_128 : memref<1x128xi32, #tpu.memory_space<vmem>> -> memref<128xi32, #tpu.memory_space<vmem>>
        %dma_start3A_130 = arith.constant 0 : i32
        %dma_start3A_131 = arith.constant 0 : i32
        %dma_start3A_132 = tpu.memref_slice %arg5[%arg0, %dma_start3A_130, %dma_start3A_131] : memref<2x10240x64xf32, #tpu.memory_space<hbm>> -> memref<1x10240x64xf32, #tpu.memory_space<hbm>>
        %dma_start3A_133 = tpu.memref_squeeze %dma_start3A_132 : memref<1x10240x64xf32, #tpu.memory_space<hbm>> -> memref<10240x64xf32, #tpu.memory_space<hbm>>
        %dma_start3A_134 = arith.constant 0 : i32
        %dma_start3A_135 = arith.constant 0 : i32
        %dma_start3A_136 = tpu.memref_slice %dma_start3A_133[%dma_start3A_134, %dma_start3A_135] : memref<10240x64xf32, #tpu.memory_space<hbm>> -> memref<10240x64xf32, #tpu.memory_space<hbm>>
        tpu.enqueue_indirect_dma source(%dma_start3A_136 : memref<10240x64xf32, #tpu.memory_space<hbm>>) target(%arg13 : memref<128x64xf32, #tpu.memory_space<vmem>>) offsets(%dma_start3A_129 : memref<128xi32, #tpu.memory_space<vmem>>) semaphore(%arg16 : memref<!tpu.dma_semaphore, #tpu.memory_space<semaphore_mem>>)
      } else {
      }
      %dma_wait3A = arith.constant 0 : i32
      %dma_wait3A_41 = arith.constant 0 : i32
      %dma_wait3A_42 = tpu.memref_slice %arg4[%arg0, %dma_wait3A, %dma_wait3A_41] : memref<2x10240x64xf32, #tpu.memory_space<hbm>> -> memref<1x10240x64xf32, #tpu.memory_space<hbm>>
      %dma_wait3A_43 = tpu.memref_squeeze %dma_wait3A_42 : memref<1x10240x64xf32, #tpu.memory_space<hbm>> -> memref<10240x64xf32, #tpu.memory_space<hbm>>
      %dma_wait3A_44 = arith.constant 0 : i32
      %dma_wait3A_45 = arith.constant 0 : i32
      %dma_wait3A_46 = tpu.memref_slice %dma_wait3A_43[%dma_wait3A_44, %dma_wait3A_45] : memref<10240x64xf32, #tpu.memory_space<hbm>> -> memref<128x64xf32, #tpu.memory_space<hbm>>
      %dma_wait3A_47 = arith.constant 0 : i32
      %dma_wait3A_48 = arith.constant 0 : i32
      %dma_wait3A_49 = tpu.memref_slice %arg4[%arg0, %dma_wait3A_47, %dma_wait3A_48] : memref<2x10240x64xf32, #tpu.memory_space<hbm>> -> memref<1x10240x64xf32, #tpu.memory_space<hbm>>
      %dma_wait3A_50 = tpu.memref_squeeze %dma_wait3A_49 : memref<1x10240x64xf32, #tpu.memory_space<hbm>> -> memref<10240x64xf32, #tpu.memory_space<hbm>>
      %dma_wait3A_51 = arith.constant 0 : i32
      %dma_wait3A_52 = arith.constant 0 : i32
      %dma_wait3A_53 = tpu.memref_slice %dma_wait3A_50[%dma_wait3A_51, %dma_wait3A_52] : memref<10240x64xf32, #tpu.memory_space<hbm>> -> memref<128x64xf32, #tpu.memory_space<hbm>>
      tpu.wait_dma2 semaphore(%arg15 : memref<!tpu.dma_semaphore, #tpu.memory_space<semaphore_mem>>) src(%dma_wait3A_53 : memref<128x64xf32, #tpu.memory_space<hbm>>) dst(%arg10 : memref<128x64xf32, #tpu.memory_space<vmem>>)
      %dma_wait3A_54 = arith.constant 0 : i32
      %dma_wait3A_55 = arith.constant 0 : i32
      %dma_wait3A_56 = tpu.memref_slice %arg4[%arg0, %dma_wait3A_54, %dma_wait3A_55] : memref<2x10240x64xf32, #tpu.memory_space<hbm>> -> memref<1x10240x64xf32, #tpu.memory_space<hbm>>
      %dma_wait3A_57 = tpu.memref_squeeze %dma_wait3A_56 : memref<1x10240x64xf32, #tpu.memory_space<hbm>> -> memref<10240x64xf32, #tpu.memory_space<hbm>>
      %dma_wait3A_58 = arith.constant 0 : i32
      %dma_wait3A_59 = arith.constant 0 : i32
      %dma_wait3A_60 = tpu.memref_slice %dma_wait3A_57[%dma_wait3A_58, %dma_wait3A_59] : memref<10240x64xf32, #tpu.memory_space<hbm>> -> memref<128x64xf32, #tpu.memory_space<hbm>>
      %dma_wait3A_61 = arith.constant 0 : i32
      %dma_wait3A_62 = arith.constant 0 : i32
      %dma_wait3A_63 = tpu.memref_slice %arg4[%arg0, %dma_wait3A_61, %dma_wait3A_62] : memref<2x10240x64xf32, #tpu.memory_space<hbm>> -> memref<1x10240x64xf32, #tpu.memory_space<hbm>>
      %dma_wait3A_64 = tpu.memref_squeeze %dma_wait3A_63 : memref<1x10240x64xf32, #tpu.memory_space<hbm>> -> memref<10240x64xf32, #tpu.memory_space<hbm>>
      %dma_wait3A_65 = arith.constant 0 : i32
      %dma_wait3A_66 = arith.constant 0 : i32
      %dma_wait3A_67 = tpu.memref_slice %dma_wait3A_64[%dma_wait3A_65, %dma_wait3A_66] : memref<10240x64xf32, #tpu.memory_space<hbm>> -> memref<128x64xf32, #tpu.memory_space<hbm>>
      tpu.wait_dma2 semaphore(%arg15 : memref<!tpu.dma_semaphore, #tpu.memory_space<semaphore_mem>>) src(%dma_wait3A_67 : memref<128x64xf32, #tpu.memory_space<hbm>>) dst(%arg12 : memref<128x64xf32, #tpu.memory_space<vmem>>)
      "tpu.region"() ({
        %run_scoped3A = tpu.sem_alloc : memref<!tpu.dma_semaphore, #tpu.memory_space<semaphore_mem>>
        %dma_start3A_109 = arith.constant 0 : i32
        %dma_start3A_110 = tpu.memref_slice %arg9[%add3A_35, %dma_start3A_109] : memref<160x128xi32, #tpu.memory_space<vmem>> -> memref<1x128xi32, #tpu.memory_space<vmem>>
        %dma_start3A_111 = tpu.memref_squeeze %dma_start3A_110 : memref<1x128xi32, #tpu.memory_space<vmem>> -> memref<128xi32, #tpu.memory_space<vmem>>
        %dma_start3A_112 = arith.constant 0 : i32
        %dma_start3A_113 = arith.constant 0 : i32
        %dma_start3A_114 = tpu.memref_slice %arg14[%dma_start3A_112, %dma_start3A_113] : memref<10240x64xf32, #tpu.memory_space<vmem_shared>> -> memref<10240x64xf32, #tpu.memory_space<vmem_shared>>
        tpu.enqueue_indirect_dma source(%arg10 : memref<128x64xf32, #tpu.memory_space<vmem>>) target(%dma_start3A_114 : memref<10240x64xf32, #tpu.memory_space<vmem_shared>>) offsets(%dma_start3A_111 : memref<128xi32, #tpu.memory_space<vmem>>) semaphore(%run_scoped3A : memref<!tpu.dma_semaphore, #tpu.memory_space<semaphore_mem>>) {add = true}
        %dma_wait3A_115 = arith.constant 0 : i32
        %dma_wait3A_116 = tpu.memref_slice %arg9[%add3A_35, %dma_wait3A_115] : memref<160x128xi32, #tpu.memory_space<vmem>> -> memref<1x128xi32, #tpu.memory_space<vmem>>
        %dma_wait3A_117 = tpu.memref_squeeze %dma_wait3A_116 : memref<1x128xi32, #tpu.memory_space<vmem>> -> memref<128xi32, #tpu.memory_space<vmem>>
        %dma_wait3A_118 = arith.constant 0 : i32
        %dma_wait3A_119 = arith.constant 0 : i32
        %dma_wait3A_120 = tpu.memref_slice %arg14[%dma_wait3A_118, %dma_wait3A_119] : memref<10240x64xf32, #tpu.memory_space<vmem_shared>> -> memref<10240x64xf32, #tpu.memory_space<vmem_shared>>
        tpu.wait_indirect_dma semaphore(%run_scoped3A : memref<!tpu.dma_semaphore, #tpu.memory_space<semaphore_mem>>) src(%arg10 : memref<128x64xf32, #tpu.memory_space<vmem>>) dst(%dma_wait3A_120 : memref<10240x64xf32, #tpu.memory_space<vmem_shared>>)
        tpu.yield
      }) : () -> ()
      "tpu.region"() ({
        %run_scoped3A = tpu.sem_alloc : memref<!tpu.dma_semaphore, #tpu.memory_space<semaphore_mem>>
        %dma_start3A_109 = arith.constant 0 : i32
        %dma_start3A_110 = tpu.memref_slice %arg8[%add3A_35, %dma_start3A_109] : memref<160x128xi32, #tpu.memory_space<vmem>> -> memref<1x128xi32, #tpu.memory_space<vmem>>
        %dma_start3A_111 = tpu.memref_squeeze %dma_start3A_110 : memref<1x128xi32, #tpu.memory_space<vmem>> -> memref<128xi32, #tpu.memory_space<vmem>>
        %dma_start3A_112 = arith.constant 0 : i32
        %dma_start3A_113 = arith.constant 0 : i32
        %dma_start3A_114 = tpu.memref_slice %arg14[%dma_start3A_112, %dma_start3A_113] : memref<10240x64xf32, #tpu.memory_space<vmem_shared>> -> memref<10240x64xf32, #tpu.memory_space<vmem_shared>>
        tpu.enqueue_indirect_dma source(%arg12 : memref<128x64xf32, #tpu.memory_space<vmem>>) target(%dma_start3A_114 : memref<10240x64xf32, #tpu.memory_space<vmem_shared>>) offsets(%dma_start3A_111 : memref<128xi32, #tpu.memory_space<vmem>>) semaphore(%run_scoped3A : memref<!tpu.dma_semaphore, #tpu.memory_space<semaphore_mem>>) {add = true}
        %dma_wait3A_115 = arith.constant 0 : i32
        %dma_wait3A_116 = tpu.memref_slice %arg8[%add3A_35, %dma_wait3A_115] : memref<160x128xi32, #tpu.memory_space<vmem>> -> memref<1x128xi32, #tpu.memory_space<vmem>>
        %dma_wait3A_117 = tpu.memref_squeeze %dma_wait3A_116 : memref<1x128xi32, #tpu.memory_space<vmem>> -> memref<128xi32, #tpu.memory_space<vmem>>
        %dma_wait3A_118 = arith.constant 0 : i32
        %dma_wait3A_119 = arith.constant 0 : i32
        %dma_wait3A_120 = tpu.memref_slice %arg14[%dma_wait3A_118, %dma_wait3A_119] : memref<10240x64xf32, #tpu.memory_space<vmem_shared>> -> memref<10240x64xf32, #tpu.memory_space<vmem_shared>>
        tpu.wait_indirect_dma semaphore(%run_scoped3A : memref<!tpu.dma_semaphore, #tpu.memory_space<semaphore_mem>>) src(%arg12 : memref<128x64xf32, #tpu.memory_space<vmem>>) dst(%dma_wait3A_120 : memref<10240x64xf32, #tpu.memory_space<vmem_shared>>)
        tpu.yield
      }) : () -> ()
      %mul3A_68 = arith.constant 2 : i32
      %mul3A_69 = arith.muli %mul3A_68, %scan3A_32 : i32
      %add3A_70 = arith.constant 1 : i32
      %add3A_71 = arith.addi %mul3A_69, %add3A_70 : i32
      %add3A_72 = arith.constant 2 : i32
      %add3A_73 = arith.addi %add3A_71, %add3A_72 : i32
      %sub3A_74 = arith.constant 1 : i32
      %sub3A_75 = arith.subi %add3A_73, %sub3A_74 : i32
      %lt3A_76 = arith.constant 160 : i32
      %lt3A_77 = arith.cmpi slt, %sub3A_75, %lt3A_76 : i32
      %convert_element_type3A_78 = arith.extui %lt3A_77 : i1 to i32
      %cond3A_79 = arith.constant 0 : i32
      %cond3A_80 = arith.cmpi ne, %convert_element_type3A_78, %cond3A_79 : i32
      scf.if %cond3A_80 {
        %add3A_109 = arith.constant 2 : i32
        %add3A_110 = arith.addi %add3A_71, %add3A_109 : i32
        %sub3A_111 = arith.constant 1 : i32
        %sub3A_112 = arith.subi %add3A_110, %sub3A_111 : i32
        %dma_start3A_113 = arith.constant 0 : i32
        %dma_start3A_114 = tpu.memref_slice %arg8[%sub3A_112, %dma_start3A_113] : memref<160x128xi32, #tpu.memory_space<vmem>> -> memref<1x128xi32, #tpu.memory_space<vmem>>
        %dma_start3A_115 = tpu.memref_squeeze %dma_start3A_114 : memref<1x128xi32, #tpu.memory_space<vmem>> -> memref<128xi32, #tpu.memory_space<vmem>>
        %dma_start3A_116 = arith.constant 0 : i32
        %dma_start3A_117 = arith.constant 0 : i32
        %dma_start3A_118 = tpu.memref_slice %arg4[%arg0, %dma_start3A_116, %dma_start3A_117] : memref<2x10240x64xf32, #tpu.memory_space<hbm>> -> memref<1x10240x64xf32, #tpu.memory_space<hbm>>
        %dma_start3A_119 = tpu.memref_squeeze %dma_start3A_118 : memref<1x10240x64xf32, #tpu.memory_space<hbm>> -> memref<10240x64xf32, #tpu.memory_space<hbm>>
        %dma_start3A_120 = arith.constant 0 : i32
        %dma_start3A_121 = arith.constant 0 : i32
        %dma_start3A_122 = tpu.memref_slice %dma_start3A_119[%dma_start3A_120, %dma_start3A_121] : memref<10240x64xf32, #tpu.memory_space<hbm>> -> memref<10240x64xf32, #tpu.memory_space<hbm>>
        tpu.enqueue_indirect_dma source(%dma_start3A_122 : memref<10240x64xf32, #tpu.memory_space<hbm>>) target(%arg10 : memref<128x64xf32, #tpu.memory_space<vmem>>) offsets(%dma_start3A_115 : memref<128xi32, #tpu.memory_space<vmem>>) semaphore(%arg15 : memref<!tpu.dma_semaphore, #tpu.memory_space<semaphore_mem>>)
        %add3A_123 = arith.constant 2 : i32
        %add3A_124 = arith.addi %add3A_71, %add3A_123 : i32
        %sub3A_125 = arith.constant 1 : i32
        %sub3A_126 = arith.subi %add3A_124, %sub3A_125 : i32
        %dma_start3A_127 = arith.constant 0 : i32
        %dma_start3A_128 = tpu.memref_slice %arg9[%sub3A_126, %dma_start3A_127] : memref<160x128xi32, #tpu.memory_space<vmem>> -> memref<1x128xi32, #tpu.memory_space<vmem>>
        %dma_start3A_129 = tpu.memref_squeeze %dma_start3A_128 : memref<1x128xi32, #tpu.memory_space<vmem>> -> memref<128xi32, #tpu.memory_space<vmem>>
        %dma_start3A_130 = arith.constant 0 : i32
        %dma_start3A_131 = arith.constant 0 : i32
        %dma_start3A_132 = tpu.memref_slice %arg5[%arg0, %dma_start3A_130, %dma_start3A_131] : memref<2x10240x64xf32, #tpu.memory_space<hbm>> -> memref<1x10240x64xf32, #tpu.memory_space<hbm>>
        %dma_start3A_133 = tpu.memref_squeeze %dma_start3A_132 : memref<1x10240x64xf32, #tpu.memory_space<hbm>> -> memref<10240x64xf32, #tpu.memory_space<hbm>>
        %dma_start3A_134 = arith.constant 0 : i32
        %dma_start3A_135 = arith.constant 0 : i32
        %dma_start3A_136 = tpu.memref_slice %dma_start3A_133[%dma_start3A_134, %dma_start3A_135] : memref<10240x64xf32, #tpu.memory_space<hbm>> -> memref<10240x64xf32, #tpu.memory_space<hbm>>
        tpu.enqueue_indirect_dma source(%dma_start3A_136 : memref<10240x64xf32, #tpu.memory_space<hbm>>) target(%arg12 : memref<128x64xf32, #tpu.memory_space<vmem>>) offsets(%dma_start3A_129 : memref<128xi32, #tpu.memory_space<vmem>>) semaphore(%arg15 : memref<!tpu.dma_semaphore, #tpu.memory_space<semaphore_mem>>)
      } else {
      }
      %dma_wait3A_81 = arith.constant 0 : i32
      %dma_wait3A_82 = arith.constant 0 : i32
      %dma_wait3A_83 = tpu.memref_slice %arg4[%arg0, %dma_wait3A_81, %dma_wait3A_82] : memref<2x10240x64xf32, #tpu.memory_space<hbm>> -> memref<1x10240x64xf32, #tpu.memory_space<hbm>>
      %dma_wait3A_84 = tpu.memref_squeeze %dma_wait3A_83 : memref<1x10240x64xf32, #tpu.memory_space<hbm>> -> memref<10240x64xf32, #tpu.memory_space<hbm>>
      %dma_wait3A_85 = arith.constant 0 : i32
      %dma_wait3A_86 = arith.constant 0 : i32
      %dma_wait3A_87 = tpu.memref_slice %dma_wait3A_84[%dma_wait3A_85, %dma_wait3A_86] : memref<10240x64xf32, #tpu.memory_space<hbm>> -> memref<128x64xf32, #tpu.memory_space<hbm>>
      %dma_wait3A_88 = arith.constant 0 : i32
      %dma_wait3A_89 = arith.constant 0 : i32
      %dma_wait3A_90 = tpu.memref_slice %arg4[%arg0, %dma_wait3A_88, %dma_wait3A_89] : memref<2x10240x64xf32, #tpu.memory_space<hbm>> -> memref<1x10240x64xf32, #tpu.memory_space<hbm>>
      %dma_wait3A_91 = tpu.memref_squeeze %dma_wait3A_90 : memref<1x10240x64xf32, #tpu.memory_space<hbm>> -> memref<10240x64xf32, #tpu.memory_space<hbm>>
      %dma_wait3A_92 = arith.constant 0 : i32
      %dma_wait3A_93 = arith.constant 0 : i32
      %dma_wait3A_94 = tpu.memref_slice %dma_wait3A_91[%dma_wait3A_92, %dma_wait3A_93] : memref<10240x64xf32, #tpu.memory_space<hbm>> -> memref<128x64xf32, #tpu.memory_space<hbm>>
      tpu.wait_dma2 semaphore(%arg16 : memref<!tpu.dma_semaphore, #tpu.memory_space<semaphore_mem>>) src(%dma_wait3A_94 : memref<128x64xf32, #tpu.memory_space<hbm>>) dst(%arg11 : memref<128x64xf32, #tpu.memory_space<vmem>>)
      %dma_wait3A_95 = arith.constant 0 : i32
      %dma_wait3A_96 = arith.constant 0 : i32
      %dma_wait3A_97 = tpu.memref_slice %arg4[%arg0, %dma_wait3A_95, %dma_wait3A_96] : memref<2x10240x64xf32, #tpu.memory_space<hbm>> -> memref<1x10240x64xf32, #tpu.memory_space<hbm>>
      %dma_wait3A_98 = tpu.memref_squeeze %dma_wait3A_97 : memref<1x10240x64xf32, #tpu.memory_space<hbm>> -> memref<10240x64xf32, #tpu.memory_space<hbm>>
      %dma_wait3A_99 = arith.constant 0 : i32
      %dma_wait3A_100 = arith.constant 0 : i32
      %dma_wait3A_101 = tpu.memref_slice %dma_wait3A_98[%dma_wait3A_99, %dma_wait3A_100] : memref<10240x64xf32, #tpu.memory_space<hbm>> -> memref<128x64xf32, #tpu.memory_space<hbm>>
      %dma_wait3A_102 = arith.constant 0 : i32
      %dma_wait3A_103 = arith.constant 0 : i32
      %dma_wait3A_104 = tpu.memref_slice %arg4[%arg0, %dma_wait3A_102, %dma_wait3A_103] : memref<2x10240x64xf32, #tpu.memory_space<hbm>> -> memref<1x10240x64xf32, #tpu.memory_space<hbm>>
      %dma_wait3A_105 = tpu.memref_squeeze %dma_wait3A_104 : memref<1x10240x64xf32, #tpu.memory_space<hbm>> -> memref<10240x64xf32, #tpu.memory_space<hbm>>
      %dma_wait3A_106 = arith.constant 0 : i32
      %dma_wait3A_107 = arith.constant 0 : i32
      %dma_wait3A_108 = tpu.memref_slice %dma_wait3A_105[%dma_wait3A_106, %dma_wait3A_107] : memref<10240x64xf32, #tpu.memory_space<hbm>> -> memref<128x64xf32, #tpu.memory_space<hbm>>
      tpu.wait_dma2 semaphore(%arg16 : memref<!tpu.dma_semaphore, #tpu.memory_space<semaphore_mem>>) src(%dma_wait3A_108 : memref<128x64xf32, #tpu.memory_space<hbm>>) dst(%arg13 : memref<128x64xf32, #tpu.memory_space<vmem>>)
      "tpu.region"() ({
        %run_scoped3A = tpu.sem_alloc : memref<!tpu.dma_semaphore, #tpu.memory_space<semaphore_mem>>
        %dma_start3A_109 = arith.constant 0 : i32
        %dma_start3A_110 = tpu.memref_slice %arg9[%add3A_71, %dma_start3A_109] : memref<160x128xi32, #tpu.memory_space<vmem>> -> memref<1x128xi32, #tpu.memory_space<vmem>>
        %dma_start3A_111 = tpu.memref_squeeze %dma_start3A_110 : memref<1x128xi32, #tpu.memory_space<vmem>> -> memref<128xi32, #tpu.memory_space<vmem>>
        %dma_start3A_112 = arith.constant 0 : i32
        %dma_start3A_113 = arith.constant 0 : i32
        %dma_start3A_114 = tpu.memref_slice %arg14[%dma_start3A_112, %dma_start3A_113] : memref<10240x64xf32, #tpu.memory_space<vmem_shared>> -> memref<10240x64xf32, #tpu.memory_space<vmem_shared>>
        tpu.enqueue_indirect_dma source(%arg11 : memref<128x64xf32, #tpu.memory_space<vmem>>) target(%dma_start3A_114 : memref<10240x64xf32, #tpu.memory_space<vmem_shared>>) offsets(%dma_start3A_111 : memref<128xi32, #tpu.memory_space<vmem>>) semaphore(%run_scoped3A : memref<!tpu.dma_semaphore, #tpu.memory_space<semaphore_mem>>) {add = true}
        %dma_wait3A_115 = arith.constant 0 : i32
        %dma_wait3A_116 = tpu.memref_slice %arg9[%add3A_71, %dma_wait3A_115] : memref<160x128xi32, #tpu.memory_space<vmem>> -> memref<1x128xi32, #tpu.memory_space<vmem>>
        %dma_wait3A_117 = tpu.memref_squeeze %dma_wait3A_116 : memref<1x128xi32, #tpu.memory_space<vmem>> -> memref<128xi32, #tpu.memory_space<vmem>>
        %dma_wait3A_118 = arith.constant 0 : i32
        %dma_wait3A_119 = arith.constant 0 : i32
        %dma_wait3A_120 = tpu.memref_slice %arg14[%dma_wait3A_118, %dma_wait3A_119] : memref<10240x64xf32, #tpu.memory_space<vmem_shared>> -> memref<10240x64xf32, #tpu.memory_space<vmem_shared>>
        tpu.wait_indirect_dma semaphore(%run_scoped3A : memref<!tpu.dma_semaphore, #tpu.memory_space<semaphore_mem>>) src(%arg11 : memref<128x64xf32, #tpu.memory_space<vmem>>) dst(%dma_wait3A_120 : memref<10240x64xf32, #tpu.memory_space<vmem_shared>>)
        tpu.yield
      }) : () -> ()
      "tpu.region"() ({
        %run_scoped3A = tpu.sem_alloc : memref<!tpu.dma_semaphore, #tpu.memory_space<semaphore_mem>>
        %dma_start3A_109 = arith.constant 0 : i32
        %dma_start3A_110 = tpu.memref_slice %arg8[%add3A_71, %dma_start3A_109] : memref<160x128xi32, #tpu.memory_space<vmem>> -> memref<1x128xi32, #tpu.memory_space<vmem>>
        %dma_start3A_111 = tpu.memref_squeeze %dma_start3A_110 : memref<1x128xi32, #tpu.memory_space<vmem>> -> memref<128xi32, #tpu.memory_space<vmem>>
        %dma_start3A_112 = arith.constant 0 : i32
        %dma_start3A_113 = arith.constant 0 : i32
        %dma_start3A_114 = tpu.memref_slice %arg14[%dma_start3A_112, %dma_start3A_113] : memref<10240x64xf32, #tpu.memory_space<vmem_shared>> -> memref<10240x64xf32, #tpu.memory_space<vmem_shared>>
        tpu.enqueue_indirect_dma source(%arg13 : memref<128x64xf32, #tpu.memory_space<vmem>>) target(%dma_start3A_114 : memref<10240x64xf32, #tpu.memory_space<vmem_shared>>) offsets(%dma_start3A_111 : memref<128xi32, #tpu.memory_space<vmem>>) semaphore(%run_scoped3A : memref<!tpu.dma_semaphore, #tpu.memory_space<semaphore_mem>>) {add = true}
        %dma_wait3A_115 = arith.constant 0 : i32
        %dma_wait3A_116 = tpu.memref_slice %arg8[%add3A_71, %dma_wait3A_115] : memref<160x128xi32, #tpu.memory_space<vmem>> -> memref<1x128xi32, #tpu.memory_space<vmem>>
        %dma_wait3A_117 = tpu.memref_squeeze %dma_wait3A_116 : memref<1x128xi32, #tpu.memory_space<vmem>> -> memref<128xi32, #tpu.memory_space<vmem>>
        %dma_wait3A_118 = arith.constant 0 : i32
        %dma_wait3A_119 = arith.constant 0 : i32
        %dma_wait3A_120 = tpu.memref_slice %arg14[%dma_wait3A_118, %dma_wait3A_119] : memref<10240x64xf32, #tpu.memory_space<vmem_shared>> -> memref<10240x64xf32, #tpu.memory_space<vmem_shared>>
        tpu.wait_indirect_dma semaphore(%run_scoped3A : memref<!tpu.dma_semaphore, #tpu.memory_space<semaphore_mem>>) src(%arg13 : memref<128x64xf32, #tpu.memory_space<vmem>>) dst(%dma_wait3A_120 : memref<10240x64xf32, #tpu.memory_space<vmem_shared>>)
        tpu.yield
      }) : () -> ()
    }
    %scan3A_26 = arith.constant 80 : i32
    %barrier3A_27 = arith.constant 0 : index
    tpu.barrier barrier_id(%barrier3A_27)
    %mul3A_28 = arith.constant 640 : i32
    %mul3A_29 = arith.muli %arg1, %mul3A_28 : i32
    %mul3A_30 = arith.constant 640 : i32
    %mul3A_31 = arith.muli %arg1, %mul3A_30 : i32
    "tpu.region"() ({
      %run_scoped3A = tpu.sem_alloc : memref<!tpu.dma_semaphore, #tpu.memory_space<semaphore_mem>>
      %dma_start3A_32 = arith.constant 0 : i32
      %dma_start3A_33 = tpu.memref_slice %arg7[%arg0, %mul3A_31, %dma_start3A_32] : memref<2x10240x64xf32, #tpu.memory_space<hbm>> -> memref<1x640x64xf32, #tpu.memory_space<hbm>>
      %dma_start3A_34 = tpu.memref_squeeze %dma_start3A_33 : memref<1x640x64xf32, #tpu.memory_space<hbm>> -> memref<640x64xf32, #tpu.memory_space<hbm>>
      %dma_start3A_35 = arith.constant 0 : i32
      %dma_start3A_36 = tpu.memref_slice %arg14[%mul3A_29, %dma_start3A_35] : memref<10240x64xf32, #tpu.memory_space<vmem_shared>> -> memref<640x64xf32, #tpu.memory_space<vmem_shared>>
      tpu.enqueue_dma source(%dma_start3A_36 : memref<640x64xf32, #tpu.memory_space<vmem_shared>>) target(%dma_start3A_34 : memref<640x64xf32, #tpu.memory_space<hbm>>) target_semaphore(%run_scoped3A : memref<!tpu.dma_semaphore, #tpu.memory_space<semaphore_mem>>)
      %dma_wait3A = arith.constant 0 : i32
      %dma_wait3A_37 = tpu.memref_slice %arg7[%arg0, %mul3A_31, %dma_wait3A] : memref<2x10240x64xf32, #tpu.memory_space<hbm>> -> memref<1x640x64xf32, #tpu.memory_space<hbm>>
      %dma_wait3A_38 = tpu.memref_squeeze %dma_wait3A_37 : memref<1x640x64xf32, #tpu.memory_space<hbm>> -> memref<640x64xf32, #tpu.memory_space<hbm>>
      %dma_wait3A_39 = arith.constant 0 : i32
      %dma_wait3A_40 = tpu.memref_slice %arg14[%mul3A_29, %dma_wait3A_39] : memref<10240x64xf32, #tpu.memory_space<vmem_shared>> -> memref<640x64xf32, #tpu.memory_space<vmem_shared>>
      tpu.wait_dma2 semaphore(%run_scoped3A : memref<!tpu.dma_semaphore, #tpu.memory_space<semaphore_mem>>) src(%dma_wait3A_40 : memref<640x64xf32, #tpu.memory_space<vmem_shared>>) dst(%dma_wait3A_38 : memref<640x64xf32, #tpu.memory_space<hbm>>)
      tpu.yield
    }) : () -> ()
    return
  }
}

module attributes {stable_mosaic.version = 14 : i64} {
  func.func @_pre_body(%arg0: i32, %arg1: memref<512x128xf32, #tpu.memory_space<vmem>>, %arg2: memref<128x128xf32, #tpu.memory_space<vmem>>, %arg3: memref<128x128xf32, #tpu.memory_space<vmem>>, %arg4: memref<128x128xf32, #tpu.memory_space<vmem>>, %arg5: memref<2x512x64xf32, #tpu.memory_space<vmem>>, %arg6: memref<2x512x64xf32, #tpu.memory_space<vmem>>, %arg7: memref<512x128xf32, #tpu.memory_space<vmem>>) attributes {dimension_semantics = [#tpu.dimension_semantics<arbitrary>], iteration_bounds = array<i64: 20>, scalar_prefetch = 0 : i64, scratch_operands = 0 : i64, tpu.core_type = #tpu.core_type<tc>, window_params = [{transform_indices = @transform_0, window_bounds = array<i64: 512, 128>}, {pipeline_mode = #tpu.pipeline_mode<synchronous>, transform_indices = @transform_1, window_bounds = array<i64: 128, 128>}, {pipeline_mode = #tpu.pipeline_mode<synchronous>, transform_indices = @transform_2, window_bounds = array<i64: 128, 128>}, {pipeline_mode = #tpu.pipeline_mode<synchronous>, transform_indices = @transform_3, window_bounds = array<i64: 128, 128>}, {transform_indices = @transform_4, window_bounds = array<i64: 2, 512, 64>}, {transform_indices = @transform_5, window_bounds = array<i64: 2, 512, 64>}, {transform_indices = @transform_6, window_bounds = array<i64: 512, 128>}]} {
    %get3A = arith.constant 0 : index
    %get3A_0 = arith.constant 0 : index
    %get3A_1 = vector.load %arg1[%get3A, %get3A_0] : memref<512x128xf32, #tpu.memory_space<vmem>>, vector<512x128xf32>
    %get3A_2 = arith.constant 0 : index
    %get3A_3 = arith.constant 0 : index
    %get3A_4 = vector.load %arg3[%get3A_2, %get3A_3] : memref<128x128xf32, #tpu.memory_space<vmem>>, vector<128x128xf32>
    %dot_general3A = arith.constant dense<0.000000e+00> : vector<512x128xf32>
    %dot_general3A_5 = tpu.matmul %get3A_1, %get3A_4, %dot_general3A {dimension_numbers = #tpu.dot_dimension_numbers<[1], [1], [0], [0], [0, 0, 1, 0], [], []>, transpose_lhs_hint = false} : vector<512x128xf32>, vector<128x128xf32>, vector<512x128xf32> -> vector<512x128xf32>
    %get3A_6 = arith.constant 0 : index
    %get3A_7 = arith.constant 0 : index
    %get3A_8 = vector.load %arg4[%get3A_6, %get3A_7] : memref<128x128xf32, #tpu.memory_space<vmem>>, vector<128x128xf32>
    %dot_general3A_9 = arith.constant dense<0.000000e+00> : vector<512x128xf32>
    %dot_general3A_10 = tpu.matmul %get3A_1, %get3A_8, %dot_general3A_9 {dimension_numbers = #tpu.dot_dimension_numbers<[1], [1], [0], [0], [0, 0, 1, 0], [], []>, transpose_lhs_hint = false} : vector<512x128xf32>, vector<128x128xf32>, vector<512x128xf32> -> vector<512x128xf32>
    %slice3A = vector.extract_strided_slice %dot_general3A_5 {offsets = [0, 0], sizes = [512, 64], strides = [1, 1]} : vector<512x128xf32> to vector<512x64xf32>
    %swap3A = arith.constant 0 : index
    %swap3A_11 = arith.constant 0 : index
    %swap3A_12 = arith.constant 0 : index
    %swap3A_13 = vector.load %arg5[%swap3A, %swap3A_11, %swap3A_12] : memref<2x512x64xf32, #tpu.memory_space<vmem>>, vector<1x512x64xf32>
    %swap3A_14 = vector.shape_cast %swap3A_13 : vector<1x512x64xf32> to vector<512x64xf32>
    %swap3A_15 = vector.shape_cast %slice3A : vector<512x64xf32> to vector<1x512x64xf32>
    tpu.vector_store %arg5[%swap3A, %swap3A_11, %swap3A_12], %swap3A_15 {strides = array<i32>} : memref<2x512x64xf32, #tpu.memory_space<vmem>>, vector<1x512x64xf32>,
    %slice3A_16 = vector.extract_strided_slice %dot_general3A_5 {offsets = [0, 64], sizes = [512, 64], strides = [1, 1]} : vector<512x128xf32> to vector<512x64xf32>
    %swap3A_17 = arith.constant 1 : index
    %swap3A_18 = arith.constant 0 : index
    %swap3A_19 = arith.constant 0 : index
    %swap3A_20 = vector.load %arg5[%swap3A_17, %swap3A_18, %swap3A_19] : memref<2x512x64xf32, #tpu.memory_space<vmem>>, vector<1x512x64xf32>
    %swap3A_21 = vector.shape_cast %swap3A_20 : vector<1x512x64xf32> to vector<512x64xf32>
    %swap3A_22 = vector.shape_cast %slice3A_16 : vector<512x64xf32> to vector<1x512x64xf32>
    tpu.vector_store %arg5[%swap3A_17, %swap3A_18, %swap3A_19], %swap3A_22 {strides = array<i32>} : memref<2x512x64xf32, #tpu.memory_space<vmem>>, vector<1x512x64xf32>,
    %slice3A_23 = vector.extract_strided_slice %dot_general3A_10 {offsets = [0, 0], sizes = [512, 64], strides = [1, 1]} : vector<512x128xf32> to vector<512x64xf32>
    %swap3A_24 = arith.constant 0 : index
    %swap3A_25 = arith.constant 0 : index
    %swap3A_26 = arith.constant 0 : index
    %swap3A_27 = vector.load %arg6[%swap3A_24, %swap3A_25, %swap3A_26] : memref<2x512x64xf32, #tpu.memory_space<vmem>>, vector<1x512x64xf32>
    %swap3A_28 = vector.shape_cast %swap3A_27 : vector<1x512x64xf32> to vector<512x64xf32>
    %swap3A_29 = vector.shape_cast %slice3A_23 : vector<512x64xf32> to vector<1x512x64xf32>
    tpu.vector_store %arg6[%swap3A_24, %swap3A_25, %swap3A_26], %swap3A_29 {strides = array<i32>} : memref<2x512x64xf32, #tpu.memory_space<vmem>>, vector<1x512x64xf32>,
    %slice3A_30 = vector.extract_strided_slice %dot_general3A_10 {offsets = [0, 64], sizes = [512, 64], strides = [1, 1]} : vector<512x128xf32> to vector<512x64xf32>
    %swap3A_31 = arith.constant 1 : index
    %swap3A_32 = arith.constant 0 : index
    %swap3A_33 = arith.constant 0 : index
    %swap3A_34 = vector.load %arg6[%swap3A_31, %swap3A_32, %swap3A_33] : memref<2x512x64xf32, #tpu.memory_space<vmem>>, vector<1x512x64xf32>
    %swap3A_35 = vector.shape_cast %swap3A_34 : vector<1x512x64xf32> to vector<512x64xf32>
    %swap3A_36 = vector.shape_cast %slice3A_30 : vector<512x64xf32> to vector<1x512x64xf32>
    tpu.vector_store %arg6[%swap3A_31, %swap3A_32, %swap3A_33], %swap3A_36 {strides = array<i32>} : memref<2x512x64xf32, #tpu.memory_space<vmem>>, vector<1x512x64xf32>,
    %get3A_37 = arith.constant 0 : index
    %get3A_38 = arith.constant 0 : index
    %get3A_39 = vector.load %arg2[%get3A_37, %get3A_38] : memref<128x128xf32, #tpu.memory_space<vmem>>, vector<128x128xf32>
    %dot_general3A_40 = arith.constant dense<0.000000e+00> : vector<512x128xf32>
    %dot_general3A_41 = tpu.matmul %get3A_1, %get3A_39, %dot_general3A_40 {dimension_numbers = #tpu.dot_dimension_numbers<[1], [1], [0], [0], [0, 0, 1, 0], [], []>, transpose_lhs_hint = false} : vector<512x128xf32>, vector<128x128xf32>, vector<512x128xf32> -> vector<512x128xf32>
    %swap3A_42 = arith.constant 0 : index
    %swap3A_43 = arith.constant 0 : index
    %swap3A_44 = vector.load %arg7[%swap3A_42, %swap3A_43] : memref<512x128xf32, #tpu.memory_space<vmem>>, vector<512x128xf32>
    tpu.vector_store %arg7[%swap3A_42, %swap3A_43], %dot_general3A_41 {strides = array<i32>} : memref<512x128xf32, #tpu.memory_space<vmem>>, vector<512x128xf32>,
    return
  }
  func.func @transform_0(%arg0: i32) -> (i32, i32) {
    %c0_i32 = arith.constant 0 : i32
    %c0_i32_0 = arith.constant 0 : i32
    return %arg0, %c0_i32 : i32, i32
  }
  func.func @transform_1(%arg0: i32) -> (i32, i32) {
    %c0_i32 = arith.constant 0 : i32
    %c0_i32_0 = arith.constant 0 : i32
    %c0_i32_1 = arith.constant 0 : i32
    return %c0_i32, %c0_i32_0 : i32, i32
  }
  func.func @transform_2(%arg0: i32) -> (i32, i32) {
    %c0_i32 = arith.constant 0 : i32
    %c0_i32_0 = arith.constant 0 : i32
    %c0_i32_1 = arith.constant 0 : i32
    return %c0_i32, %c0_i32_0 : i32, i32
  }
  func.func @transform_3(%arg0: i32) -> (i32, i32) {
    %c0_i32 = arith.constant 0 : i32
    %c0_i32_0 = arith.constant 0 : i32
    %c0_i32_1 = arith.constant 0 : i32
    return %c0_i32, %c0_i32_0 : i32, i32
  }
  func.func @transform_4(%arg0: i32) -> (i32, i32, i32) {
    %c0_i32 = arith.constant 0 : i32
    %c0_i32_0 = arith.constant 0 : i32
    %c0_i32_1 = arith.constant 0 : i32
    return %c0_i32, %arg0, %c0_i32_0 : i32, i32, i32
  }
  func.func @transform_5(%arg0: i32) -> (i32, i32, i32) {
    %c0_i32 = arith.constant 0 : i32
    %c0_i32_0 = arith.constant 0 : i32
    %c0_i32_1 = arith.constant 0 : i32
    return %c0_i32, %arg0, %c0_i32_0 : i32, i32, i32
  }
  func.func @transform_6(%arg0: i32) -> (i32, i32) {
    %c0_i32 = arith.constant 0 : i32
    %c0_i32_0 = arith.constant 0 : i32
    return %arg0, %c0_i32 : i32, i32
  }
}

module attributes {stable_mosaic.version = 14 : i64} {
  func.func @_combine_pre_body(%arg0: i32, %arg1: memref<512x128xf32, #tpu.memory_space<vmem>>, %arg2: memref<2x512x64xf32, #tpu.memory_space<vmem>>, %arg3: memref<2x10240x16xf32, #tpu.memory_space<vmem>>, %arg4: memref<128x128xf32, #tpu.memory_space<vmem>>, %arg5: memref<128x128xf32, #tpu.memory_space<vmem>>, %arg6: memref<128x128xf32, #tpu.memory_space<vmem>>, %arg7: memref<2x512x64xf32, #tpu.memory_space<vmem>>, %arg8: memref<2x512x64xf32, #tpu.memory_space<vmem>>, %arg9: memref<512x128xf32, #tpu.memory_space<vmem>>) attributes {dimension_semantics = [#tpu.dimension_semantics<arbitrary>], iteration_bounds = array<i64: 20>, scalar_prefetch = 0 : i64, scratch_operands = 0 : i64, tpu.core_type = #tpu.core_type<tc>, window_params = [{transform_indices = @transform_0, window_bounds = array<i64: 512, 128>}, {transform_indices = @transform_1, window_bounds = array<i64: 2, 512, 64>}, {pipeline_mode = #tpu.pipeline_mode<synchronous>, transform_indices = @transform_2, window_bounds = array<i64: 2, 10240, 16>}, {pipeline_mode = #tpu.pipeline_mode<synchronous>, transform_indices = @transform_3, window_bounds = array<i64: 128, 128>}, {pipeline_mode = #tpu.pipeline_mode<synchronous>, transform_indices = @transform_4, window_bounds = array<i64: 128, 128>}, {pipeline_mode = #tpu.pipeline_mode<synchronous>, transform_indices = @transform_5, window_bounds = array<i64: 128, 128>}, {transform_indices = @transform_6, window_bounds = array<i64: 2, 512, 64>}, {transform_indices = @transform_7, window_bounds = array<i64: 2, 512, 64>}, {transform_indices = @transform_8, window_bounds = array<i64: 512, 128>}]} {
    %get3A = arith.constant 0 : index
    %get3A_0 = arith.constant 0 : index
    %get3A_1 = arith.constant 0 : index
    %get3A_2 = vector.load %arg2[%get3A, %get3A_0, %get3A_1] : memref<2x512x64xf32, #tpu.memory_space<vmem>>, vector<1x512x64xf32>
    %get3A_3 = vector.shape_cast %get3A_2 : vector<1x512x64xf32> to vector<512x64xf32>
    %get3A_4 = arith.constant 1 : index
    %get3A_5 = arith.constant 0 : index
    %get3A_6 = arith.constant 0 : index
    %get3A_7 = vector.load %arg2[%get3A_4, %get3A_5, %get3A_6] : memref<2x512x64xf32, #tpu.memory_space<vmem>>, vector<1x512x64xf32>
    %get3A_8 = vector.shape_cast %get3A_7 : vector<1x512x64xf32> to vector<512x64xf32>
    %concatenate3A = tpu.concatenate %get3A_3, %get3A_8 in 1 : vector<512x64xf32>, vector<512x64xf32> -> vector<512x128xf32>
    %mul3A = arith.constant 512 : i32
    %mul3A_9 = arith.muli %arg0, %mul3A : i32
    %get3A_10 = arith.constant 0 : index
    %get3A_11 = arith.index_cast %mul3A_9 : i32 to index
    %get3A_12 = arith.constant 0 : index
    %get3A_13 = vector.load %arg3[%get3A_10, %get3A_11, %get3A_12] : memref<2x10240x16xf32, #tpu.memory_space<vmem>>, vector<1x512x1xf32>
    %get3A_14 = vector.shape_cast %get3A_13 : vector<1x512x1xf32> to vector<512x1xf32>
    %mul3A_15 = arith.constant 512 : i32
    %mul3A_16 = arith.muli %arg0, %mul3A_15 : i32
    %get3A_17 = arith.constant 1 : index
    %get3A_18 = arith.index_cast %mul3A_16 : i32 to index
    %get3A_19 = arith.constant 0 : index
    %get3A_20 = vector.load %arg3[%get3A_17, %get3A_18, %get3A_19] : memref<2x10240x16xf32, #tpu.memory_space<vmem>>, vector<1x512x1xf32>
    %get3A_21 = vector.shape_cast %get3A_20 : vector<1x512x1xf32> to vector<512x1xf32>
    %add3A = arith.addf %get3A_14, %get3A_21 : vector<512x1xf32>
    %max3A = arith.constant 1.000000e+00 : f32
    %max3A_22 = vector.broadcast %max3A : f32 to vector<512x1xf32>
    %max3A_23 = arith.maximumf %add3A, %max3A_22 : vector<512x1xf32>
    %div3A = vector.broadcast %max3A_23 : vector<512x1xf32> to vector<512x128xf32>
    %div3A_24 = arith.divf %concatenate3A, %div3A : vector<512x128xf32>
    %get3A_25 = arith.constant 0 : index
    %get3A_26 = arith.constant 0 : index
    %get3A_27 = vector.load %arg1[%get3A_25, %get3A_26] : memref<512x128xf32, #tpu.memory_space<vmem>>, vector<512x128xf32>
    %add3A_28 = arith.addf %get3A_27, %div3A_24 : vector<512x128xf32>
    %max3A_29 = arith.constant 0.000000e+00 : f32
    %max3A_30 = vector.broadcast %max3A_29 : f32 to vector<512x128xf32>
    %max3A_31 = arith.maximumf %add3A_28, %max3A_30 : vector<512x128xf32>
    %get3A_32 = arith.constant 0 : index
    %get3A_33 = arith.constant 0 : index
    %get3A_34 = vector.load %arg5[%get3A_32, %get3A_33] : memref<128x128xf32, #tpu.memory_space<vmem>>, vector<128x128xf32>
    %dot_general3A = arith.constant dense<0.000000e+00> : vector<512x128xf32>
    %dot_general3A_35 = tpu.matmul %max3A_31, %get3A_34, %dot_general3A {dimension_numbers = #tpu.dot_dimension_numbers<[1], [1], [0], [0], [0, 0, 1, 0], [], []>, transpose_lhs_hint = false} : vector<512x128xf32>, vector<128x128xf32>, vector<512x128xf32> -> vector<512x128xf32>
    %get3A_36 = arith.constant 0 : index
    %get3A_37 = arith.constant 0 : index
    %get3A_38 = vector.load %arg6[%get3A_36, %get3A_37] : memref<128x128xf32, #tpu.memory_space<vmem>>, vector<128x128xf32>
    %dot_general3A_39 = arith.constant dense<0.000000e+00> : vector<512x128xf32>
    %dot_general3A_40 = tpu.matmul %max3A_31, %get3A_38, %dot_general3A_39 {dimension_numbers = #tpu.dot_dimension_numbers<[1], [1], [0], [0], [0, 0, 1, 0], [], []>, transpose_lhs_hint = false} : vector<512x128xf32>, vector<128x128xf32>, vector<512x128xf32> -> vector<512x128xf32>
    %slice3A = vector.extract_strided_slice %dot_general3A_35 {offsets = [0, 0], sizes = [512, 64], strides = [1, 1]} : vector<512x128xf32> to vector<512x64xf32>
    %swap3A = arith.constant 0 : index
    %swap3A_41 = arith.constant 0 : index
    %swap3A_42 = arith.constant 0 : index
    %swap3A_43 = vector.load %arg7[%swap3A, %swap3A_41, %swap3A_42] : memref<2x512x64xf32, #tpu.memory_space<vmem>>, vector<1x512x64xf32>
    %swap3A_44 = vector.shape_cast %swap3A_43 : vector<1x512x64xf32> to vector<512x64xf32>
    %swap3A_45 = vector.shape_cast %slice3A : vector<512x64xf32> to vector<1x512x64xf32>
    tpu.vector_store %arg7[%swap3A, %swap3A_41, %swap3A_42], %swap3A_45 {strides = array<i32>} : memref<2x512x64xf32, #tpu.memory_space<vmem>>, vector<1x512x64xf32>,
    %slice3A_46 = vector.extract_strided_slice %dot_general3A_35 {offsets = [0, 64], sizes = [512, 64], strides = [1, 1]} : vector<512x128xf32> to vector<512x64xf32>
    %swap3A_47 = arith.constant 1 : index
    %swap3A_48 = arith.constant 0 : index
    %swap3A_49 = arith.constant 0 : index
    %swap3A_50 = vector.load %arg7[%swap3A_47, %swap3A_48, %swap3A_49] : memref<2x512x64xf32, #tpu.memory_space<vmem>>, vector<1x512x64xf32>
    %swap3A_51 = vector.shape_cast %swap3A_50 : vector<1x512x64xf32> to vector<512x64xf32>
    %swap3A_52 = vector.shape_cast %slice3A_46 : vector<512x64xf32> to vector<1x512x64xf32>
    tpu.vector_store %arg7[%swap3A_47, %swap3A_48, %swap3A_49], %swap3A_52 {strides = array<i32>} : memref<2x512x64xf32, #tpu.memory_space<vmem>>, vector<1x512x64xf32>,
    %slice3A_53 = vector.extract_strided_slice %dot_general3A_40 {offsets = [0, 0], sizes = [512, 64], strides = [1, 1]} : vector<512x128xf32> to vector<512x64xf32>
    %swap3A_54 = arith.constant 0 : index
    %swap3A_55 = arith.constant 0 : index
    %swap3A_56 = arith.constant 0 : index
    %swap3A_57 = vector.load %arg8[%swap3A_54, %swap3A_55, %swap3A_56] : memref<2x512x64xf32, #tpu.memory_space<vmem>>, vector<1x512x64xf32>
    %swap3A_58 = vector.shape_cast %swap3A_57 : vector<1x512x64xf32> to vector<512x64xf32>
    %swap3A_59 = vector.shape_cast %slice3A_53 : vector<512x64xf32> to vector<1x512x64xf32>
    tpu.vector_store %arg8[%swap3A_54, %swap3A_55, %swap3A_56], %swap3A_59 {strides = array<i32>} : memref<2x512x64xf32, #tpu.memory_space<vmem>>, vector<1x512x64xf32>,
    %slice3A_60 = vector.extract_strided_slice %dot_general3A_40 {offsets = [0, 64], sizes = [512, 64], strides = [1, 1]} : vector<512x128xf32> to vector<512x64xf32>
    %swap3A_61 = arith.constant 1 : index
    %swap3A_62 = arith.constant 0 : index
    %swap3A_63 = arith.constant 0 : index
    %swap3A_64 = vector.load %arg8[%swap3A_61, %swap3A_62, %swap3A_63] : memref<2x512x64xf32, #tpu.memory_space<vmem>>, vector<1x512x64xf32>
    %swap3A_65 = vector.shape_cast %swap3A_64 : vector<1x512x64xf32> to vector<512x64xf32>
    %swap3A_66 = vector.shape_cast %slice3A_60 : vector<512x64xf32> to vector<1x512x64xf32>
    tpu.vector_store %arg8[%swap3A_61, %swap3A_62, %swap3A_63], %swap3A_66 {strides = array<i32>} : memref<2x512x64xf32, #tpu.memory_space<vmem>>, vector<1x512x64xf32>,
    %get3A_67 = arith.constant 0 : index
    %get3A_68 = arith.constant 0 : index
    %get3A_69 = vector.load %arg4[%get3A_67, %get3A_68] : memref<128x128xf32, #tpu.memory_space<vmem>>, vector<128x128xf32>
    %dot_general3A_70 = arith.constant dense<0.000000e+00> : vector<512x128xf32>
    %dot_general3A_71 = tpu.matmul %max3A_31, %get3A_69, %dot_general3A_70 {dimension_numbers = #tpu.dot_dimension_numbers<[1], [1], [0], [0], [0, 0, 1, 0], [], []>, transpose_lhs_hint = false} : vector<512x128xf32>, vector<128x128xf32>, vector<512x128xf32> -> vector<512x128xf32>
    %swap3A_72 = arith.constant 0 : index
    %swap3A_73 = arith.constant 0 : index
    %swap3A_74 = vector.load %arg9[%swap3A_72, %swap3A_73] : memref<512x128xf32, #tpu.memory_space<vmem>>, vector<512x128xf32>
    tpu.vector_store %arg9[%swap3A_72, %swap3A_73], %dot_general3A_71 {strides = array<i32>} : memref<512x128xf32, #tpu.memory_space<vmem>>, vector<512x128xf32>,
    return
  }
  func.func @transform_0(%arg0: i32) -> (i32, i32) {
    %c0_i32 = arith.constant 0 : i32
    %c0_i32_0 = arith.constant 0 : i32
    return %arg0, %c0_i32 : i32, i32
  }
  func.func @transform_1(%arg0: i32) -> (i32, i32, i32) {
    %c0_i32 = arith.constant 0 : i32
    %c0_i32_0 = arith.constant 0 : i32
    %c0_i32_1 = arith.constant 0 : i32
    return %c0_i32, %arg0, %c0_i32_0 : i32, i32, i32
  }
  func.func @transform_2(%arg0: i32) -> (i32, i32, i32) {
    %c0_i32 = arith.constant 0 : i32
    %c0_i32_0 = arith.constant 0 : i32
    %c0_i32_1 = arith.constant 0 : i32
    %c0_i32_2 = arith.constant 0 : i32
    return %c0_i32, %c0_i32_0, %c0_i32_1 : i32, i32, i32
  }
  func.func @transform_3(%arg0: i32) -> (i32, i32) {
    %c0_i32 = arith.constant 0 : i32
    %c0_i32_0 = arith.constant 0 : i32
    %c0_i32_1 = arith.constant 0 : i32
    return %c0_i32, %c0_i32_0 : i32, i32
  }
  func.func @transform_4(%arg0: i32) -> (i32, i32) {
    %c0_i32 = arith.constant 0 : i32
    %c0_i32_0 = arith.constant 0 : i32
    %c0_i32_1 = arith.constant 0 : i32
    return %c0_i32, %c0_i32_0 : i32, i32
  }
  func.func @transform_5(%arg0: i32) -> (i32, i32) {
    %c0_i32 = arith.constant 0 : i32
    %c0_i32_0 = arith.constant 0 : i32
    %c0_i32_1 = arith.constant 0 : i32
    return %c0_i32, %c0_i32_0 : i32, i32
  }
  func.func @transform_6(%arg0: i32) -> (i32, i32, i32) {
    %c0_i32 = arith.constant 0 : i32
    %c0_i32_0 = arith.constant 0 : i32
    %c0_i32_1 = arith.constant 0 : i32
    return %c0_i32, %arg0, %c0_i32_0 : i32, i32, i32
  }
  func.func @transform_7(%arg0: i32) -> (i32, i32, i32) {
    %c0_i32 = arith.constant 0 : i32
    %c0_i32_0 = arith.constant 0 : i32
    %c0_i32_1 = arith.constant 0 : i32
    return %c0_i32, %arg0, %c0_i32_0 : i32, i32, i32
  }
  func.func @transform_8(%arg0: i32) -> (i32, i32) {
    %c0_i32 = arith.constant 0 : i32
    %c0_i32_0 = arith.constant 0 : i32
    return %arg0, %c0_i32 : i32, i32
  }
}

module attributes {stable_mosaic.version = 14 : i64} {
  func.func @_final_body(%arg0: i32, %arg1: memref<512x128xf32, #tpu.memory_space<vmem>>, %arg2: memref<2x512x64xf32, #tpu.memory_space<vmem>>, %arg3: memref<2x10240x16xf32, #tpu.memory_space<vmem>>, %arg4: memref<512x128xi32, #tpu.memory_space<vmem>>, %arg5: memref<128x256xf32, #tpu.memory_space<vmem>>, %arg6: memref<8x128xf32, #tpu.memory_space<vmem>>, %arg7: memref<64x128xf32, #tpu.memory_space<vmem>>, %arg8: memref<64x128xf32, #tpu.memory_space<vmem>>, %arg9: memref<64x128xf32, #tpu.memory_space<vmem>>, %arg10: memref<64x128xf32, #tpu.memory_space<vmem>>) attributes {dimension_semantics = [#tpu.dimension_semantics<arbitrary>], iteration_bounds = array<i64: 20>, scalar_prefetch = 0 : i64, scratch_operands = 3 : i64, tpu.core_type = #tpu.core_type<tc>, window_params = [{transform_indices = @transform_0, window_bounds = array<i64: 512, 128>}, {transform_indices = @transform_1, window_bounds = array<i64: 2, 512, 64>}, {pipeline_mode = #tpu.pipeline_mode<synchronous>, transform_indices = @transform_2, window_bounds = array<i64: 2, 10240, 16>}, {transform_indices = @transform_3, window_bounds = array<i64: 512, 128>}, {pipeline_mode = #tpu.pipeline_mode<synchronous>, transform_indices = @transform_4, window_bounds = array<i64: 128, 256>}, {pipeline_mode = #tpu.pipeline_mode<synchronous>, transform_indices = @transform_5, window_bounds = array<i64: 8, 128>}, {pipeline_mode = #tpu.pipeline_mode<synchronous>, transform_indices = @transform_6, window_bounds = array<i64: 64, 128>}]} {
    %eq3A = arith.constant 0 : i32
    %eq3A_0 = arith.cmpi eq, %arg0, %eq3A : i32
    %convert_element_type3A = arith.extui %eq3A_0 : i1 to i32
    %cond3A = arith.constant 0 : i32
    %cond3A_1 = arith.cmpi ne, %convert_element_type3A, %cond3A : i32
    scf.if %cond3A_1 {
      %broadcast_in_dim3A_79 = arith.constant 0.000000e+00 : f32
      %broadcast_in_dim3A_80 = vector.broadcast %broadcast_in_dim3A_79 : f32 to vector<64x128xf32>
      %swap3A_81 = arith.constant 0 : index
      %swap3A_82 = arith.constant 0 : index
      %swap3A_83 = vector.load %arg8[%swap3A_81, %swap3A_82] : memref<64x128xf32, #tpu.memory_space<vmem>>, vector<64x128xf32>
      tpu.vector_store %arg8[%swap3A_81, %swap3A_82], %broadcast_in_dim3A_80 {strides = array<i32>} : memref<64x128xf32, #tpu.memory_space<vmem>>, vector<64x128xf32>,
      %broadcast_in_dim3A_84 = arith.constant -1.000000e+30 : f32
      %broadcast_in_dim3A_85 = vector.broadcast %broadcast_in_dim3A_84 : f32 to vector<64x128xf32>
      %swap3A_86 = arith.constant 0 : index
      %swap3A_87 = arith.constant 0 : index
      %swap3A_88 = vector.load %arg9[%swap3A_86, %swap3A_87] : memref<64x128xf32, #tpu.memory_space<vmem>>, vector<64x128xf32>
      tpu.vector_store %arg9[%swap3A_86, %swap3A_87], %broadcast_in_dim3A_85 {strides = array<i32>} : memref<64x128xf32, #tpu.memory_space<vmem>>, vector<64x128xf32>,
      %broadcast_in_dim3A_89 = arith.constant 0.000000e+00 : f32
      %broadcast_in_dim3A_90 = vector.broadcast %broadcast_in_dim3A_89 : f32 to vector<64x128xf32>
      %swap3A_91 = arith.constant 0 : index
      %swap3A_92 = arith.constant 0 : index
      %swap3A_93 = vector.load %arg10[%swap3A_91, %swap3A_92] : memref<64x128xf32, #tpu.memory_space<vmem>>, vector<64x128xf32>
      tpu.vector_store %arg10[%swap3A_91, %swap3A_92], %broadcast_in_dim3A_90 {strides = array<i32>} : memref<64x128xf32, #tpu.memory_space<vmem>>, vector<64x128xf32>,
    } else {
    }
    %get3A = arith.constant 0 : index
    %get3A_2 = arith.constant 0 : index
    %get3A_3 = vector.load %arg4[%get3A, %get3A_2] : memref<512x128xi32, #tpu.memory_space<vmem>>, vector<512x128xi32>
    %get3A_4 = arith.constant 0 : index
    %get3A_5 = arith.constant 0 : index
    %get3A_6 = arith.constant 0 : index
    %get3A_7 = vector.load %arg2[%get3A_4, %get3A_5, %get3A_6] : memref<2x512x64xf32, #tpu.memory_space<vmem>>, vector<1x512x64xf32>
    %get3A_8 = vector.shape_cast %get3A_7 : vector<1x512x64xf32> to vector<512x64xf32>
    %get3A_9 = arith.constant 1 : index
    %get3A_10 = arith.constant 0 : index
    %get3A_11 = arith.constant 0 : index
    %get3A_12 = vector.load %arg2[%get3A_9, %get3A_10, %get3A_11] : memref<2x512x64xf32, #tpu.memory_space<vmem>>, vector<1x512x64xf32>
    %get3A_13 = vector.shape_cast %get3A_12 : vector<1x512x64xf32> to vector<512x64xf32>
    %concatenate3A = tpu.concatenate %get3A_8, %get3A_13 in 1 : vector<512x64xf32>, vector<512x64xf32> -> vector<512x128xf32>
    %mul3A = arith.constant 512 : i32
    %mul3A_14 = arith.muli %arg0, %mul3A : i32
    %get3A_15 = arith.constant 0 : index
    %get3A_16 = arith.index_cast %mul3A_14 : i32 to index
    %get3A_17 = arith.constant 0 : index
    %get3A_18 = vector.load %arg3[%get3A_15, %get3A_16, %get3A_17] : memref<2x10240x16xf32, #tpu.memory_space<vmem>>, vector<1x512x1xf32>
    %get3A_19 = vector.shape_cast %get3A_18 : vector<1x512x1xf32> to vector<512x1xf32>
    %mul3A_20 = arith.constant 512 : i32
    %mul3A_21 = arith.muli %arg0, %mul3A_20 : i32
    %get3A_22 = arith.constant 1 : index
    %get3A_23 = arith.index_cast %mul3A_21 : i32 to index
    %get3A_24 = arith.constant 0 : index
    %get3A_25 = vector.load %arg3[%get3A_22, %get3A_23, %get3A_24] : memref<2x10240x16xf32, #tpu.memory_space<vmem>>, vector<1x512x1xf32>
    %get3A_26 = vector.shape_cast %get3A_25 : vector<1x512x1xf32> to vector<512x1xf32>
    %add3A = arith.addf %get3A_19, %get3A_26 : vector<512x1xf32>
    %max3A = arith.constant 1.000000e+00 : f32
    %max3A_27 = vector.broadcast %max3A : f32 to vector<512x1xf32>
    %max3A_28 = arith.maximumf %add3A, %max3A_27 : vector<512x1xf32>
    %div3A = vector.broadcast %max3A_28 : vector<512x1xf32> to vector<512x128xf32>
    %div3A_29 = arith.divf %concatenate3A, %div3A : vector<512x128xf32>
    %get3A_30 = arith.constant 0 : index
    %get3A_31 = arith.constant 0 : index
    %get3A_32 = vector.load %arg1[%get3A_30, %get3A_31] : memref<512x128xf32, #tpu.memory_space<vmem>>, vector<512x128xf32>
    %add3A_33 = arith.addf %get3A_32, %div3A_29 : vector<512x128xf32>
    %max3A_34 = arith.constant 0.000000e+00 : f32
    %max3A_35 = vector.broadcast %max3A_34 : f32 to vector<512x128xf32>
    %max3A_36 = arith.maximumf %add3A_33, %max3A_35 : vector<512x128xf32>
    %slice3A = vector.extract_strided_slice %get3A_3 {offsets = [0, 0], sizes = [512, 1], strides = [1, 1]} : vector<512x128xi32> to vector<512x1xi32>
    %iota3A = tpu.iota {dimensions = array<i32: 0>} : vector<64x512xi32>
    %reshape3A = vector.shape_cast %slice3A : vector<512x1xi32> to vector<1x512xi32>
    %eq3A_37 = vector.broadcast %reshape3A : vector<1x512xi32> to vector<64x512xi32>
    %eq3A_38 = arith.cmpi eq, %eq3A_37, %iota3A : vector<64x512xi32>
    %convert_element_type3A_39 = arith.extui %eq3A_38 : vector<64x512xi1> to vector<64x512xi32>
    %convert_element_type3A_40 = arith.sitofp %convert_element_type3A_39 : vector<64x512xi32> to vector<64x512xf32>
    %get3A_41 = arith.constant 0 : index
    %get3A_42 = arith.constant 0 : index
    %get3A_43 = vector.load %arg8[%get3A_41, %get3A_42] : memref<64x128xf32, #tpu.memory_space<vmem>>, vector<64x128xf32>
    %dot_general3A = arith.constant dense<0.000000e+00> : vector<64x128xf32>
    %dot_general3A_44 = tpu.matmul %convert_element_type3A_40, %max3A_36, %dot_general3A {dimension_numbers = #tpu.dot_dimension_numbers<[1], [0], [0], [1], [0, 0, 1, 1], [], []>, transpose_lhs_hint = false} : vector<64x512xf32>, vector<512x128xf32>, vector<64x128xf32> -> vector<64x128xf32>
    %add3A_45 = arith.addf %get3A_43, %dot_general3A_44 : vector<64x128xf32>
    %swap3A = arith.constant 0 : index
    %swap3A_46 = arith.constant 0 : index
    %swap3A_47 = vector.load %arg8[%swap3A, %swap3A_46] : memref<64x128xf32, #tpu.memory_space<vmem>>, vector<64x128xf32>
    tpu.vector_store %arg8[%swap3A, %swap3A_46], %add3A_45 {strides = array<i32>} : memref<64x128xf32, #tpu.memory_space<vmem>>, vector<64x128xf32>,
    %get3A_48 = arith.constant 0 : index
    %get3A_49 = arith.constant 0 : index
    %get3A_50 = vector.load %arg10[%get3A_48, %get3A_49] : memref<64x128xf32, #tpu.memory_space<vmem>>, vector<64x128xf32>
    %broadcast_in_dim3A = arith.constant 1.000000e+00 : f32
    %broadcast_in_dim3A_51 = vector.broadcast %broadcast_in_dim3A : f32 to vector<512x128xf32>
    %dot_general3A_52 = arith.constant dense<0.000000e+00> : vector<64x128xf32>
    %dot_general3A_53 = tpu.matmul %convert_element_type3A_40, %broadcast_in_dim3A_51, %dot_general3A_52 {dimension_numbers = #tpu.dot_dimension_numbers<[1], [0], [0], [1], [0, 0, 1, 1], [], []>, transpose_lhs_hint = false} : vector<64x512xf32>, vector<512x128xf32>, vector<64x128xf32> -> vector<64x128xf32>
    %add3A_54 = arith.addf %get3A_50, %dot_general3A_53 : vector<64x128xf32>
    %swap3A_55 = arith.constant 0 : index
    %swap3A_56 = arith.constant 0 : index
    %swap3A_57 = vector.load %arg10[%swap3A_55, %swap3A_56] : memref<64x128xf32, #tpu.memory_space<vmem>>, vector<64x128xf32>
    tpu.vector_store %arg10[%swap3A_55, %swap3A_56], %add3A_54 {strides = array<i32>} : memref<64x128xf32, #tpu.memory_space<vmem>>, vector<64x128xf32>,
    %slice3A_58 = vector.extract_strided_slice %get3A_3 {offsets = [0, 0], sizes = [1, 1], strides = [1, 1]} : vector<512x128xi32> to vector<1x1xi32>
    %squeeze3A = vector.extract %slice3A_58[0, 0] : i32 from vector<1x1xi32>
    %slice3A_59 = vector.extract_strided_slice %get3A_3 {offsets = [511, 0], sizes = [1, 1], strides = [1, 1]} : vector<512x128xi32> to vector<1x1xi32>
    %squeeze3A_60 = vector.extract %slice3A_59[0, 0] : i32 from vector<1x1xi32>
    %min3A = arith.constant 63 : i32
    %min3A_61 = arith.minsi %squeeze3A_60, %min3A : i32
    %add3A_62 = arith.constant 1 : i32
    %add3A_63 = arith.addi %min3A_61, %add3A_62 : i32
    %min3A_64 = arith.constant 64 : i32
    %min3A_65 = arith.minsi %add3A_63, %min3A_64 : i32
    %while3A = arith.constant 0 : i32
    %while3A_66 = arith.subi %min3A_65, %squeeze3A : i32
    %while3A_67 = arith.addi %squeeze3A, %while3A_66 : i32
    %while3A_68 = arith.constant 1 : i32
    %while3A_69 = arith.divsi %while3A_66, %while3A_68 : i32
    %while3A_70 = arith.muli %while3A_69, %while3A_68 : i32
    %while3A_71 = arith.addi %squeeze3A, %while3A_70 : i32
    %while3A_72 = arith.constant 1 : i32
    scf.for %while3A_79 = %squeeze3A to %while3A_71 step %while3A_72  : i32 {
      %eq3A_80 = vector.broadcast %while3A_79 : i32 to vector<512x128xi32>
      %eq3A_81 = arith.cmpi eq, %get3A_3, %eq3A_80 : vector<512x128xi32>
      %jit3A = arith.constant -1.000000e+30 : f32
      %broadcast_in_dim3A_82 = vector.broadcast %jit3A : f32 to vector<512x128xf32>
      %select_n3A = arith.select %eq3A_81, %max3A_36, %broadcast_in_dim3A_82 : vector<512x128xi1>, vector<512x128xf32>
      %reduce_max3A = arith.constant dense<0xFF800000> : vector<128xf32>
      %reduce_max3A_83 = vector.multi_reduction <maximumf>, %select_n3A, %reduce_max3A [0] : vector<512x128xf32> to vector<128xf32>
      %broadcast_in_dim3A_84 = vector.shape_cast %reduce_max3A_83 : vector<128xf32> to vector<1x128xf32>
      %get3A_85 = arith.index_cast %while3A_79 : i32 to index
      %get3A_86 = arith.constant 0 : index
      %get3A_87 = vector.load %arg9[%get3A_85, %get3A_86] : memref<64x128xf32, #tpu.memory_space<vmem>>, vector<1x128xf32>
      %max3A_88 = arith.maximumf %get3A_87, %broadcast_in_dim3A_84 : vector<1x128xf32>
      %swap3A_89 = arith.index_cast %while3A_79 : i32 to index
      %swap3A_90 = arith.constant 0 : index
      %swap3A_91 = vector.load %arg9[%swap3A_89, %swap3A_90] : memref<64x128xf32, #tpu.memory_space<vmem>>, vector<1x128xf32>
      tpu.vector_store %arg9[%swap3A_89, %swap3A_90], %max3A_88 {strides = array<i32>} : memref<64x128xf32, #tpu.memory_space<vmem>>, vector<1x128xf32>,
    }
    %while3A_73 = arith.constant 1 : i32
    scf.for %while3A_79 = %while3A_71 to %while3A_67 step %while3A_73  : i32 {
      %eq3A_80 = vector.broadcast %while3A_79 : i32 to vector<512x128xi32>
      %eq3A_81 = arith.cmpi eq, %get3A_3, %eq3A_80 : vector<512x128xi32>
      %jit3A = arith.constant -1.000000e+30 : f32
      %broadcast_in_dim3A_82 = vector.broadcast %jit3A : f32 to vector<512x128xf32>
      %select_n3A = arith.select %eq3A_81, %max3A_36, %broadcast_in_dim3A_82 : vector<512x128xi1>, vector<512x128xf32>
      %reduce_max3A = arith.constant dense<0xFF800000> : vector<128xf32>
      %reduce_max3A_83 = vector.multi_reduction <maximumf>, %select_n3A, %reduce_max3A [0] : vector<512x128xf32> to vector<128xf32>
      %broadcast_in_dim3A_84 = vector.shape_cast %reduce_max3A_83 : vector<128xf32> to vector<1x128xf32>
      %get3A_85 = arith.index_cast %while3A_79 : i32 to index
      %get3A_86 = arith.constant 0 : index
      %get3A_87 = vector.load %arg9[%get3A_85, %get3A_86] : memref<64x128xf32, #tpu.memory_space<vmem>>, vector<1x128xf32>
      %max3A_88 = arith.maximumf %get3A_87, %broadcast_in_dim3A_84 : vector<1x128xf32>
      %swap3A_89 = arith.index_cast %while3A_79 : i32 to index
      %swap3A_90 = arith.constant 0 : index
      %swap3A_91 = vector.load %arg9[%swap3A_89, %swap3A_90] : memref<64x128xf32, #tpu.memory_space<vmem>>, vector<1x128xf32>
      tpu.vector_store %arg9[%swap3A_89, %swap3A_90], %max3A_88 {strides = array<i32>} : memref<64x128xf32, #tpu.memory_space<vmem>>, vector<1x128xf32>,
    }
    %eq3A_74 = arith.constant 19 : i32
    %eq3A_75 = arith.cmpi eq, %arg0, %eq3A_74 : i32
    %convert_element_type3A_76 = arith.extui %eq3A_75 : i1 to i32
    %cond3A_77 = arith.constant 0 : i32
    %cond3A_78 = arith.cmpi ne, %convert_element_type3A_76, %cond3A_77 : i32
    scf.if %cond3A_78 {
      %get3A_79 = arith.constant 0 : index
      %get3A_80 = arith.constant 0 : index
      %get3A_81 = vector.load %arg10[%get3A_79, %get3A_80] : memref<64x128xf32, #tpu.memory_space<vmem>>, vector<64x128xf32>
      %get3A_82 = arith.constant 0 : index
      %get3A_83 = arith.constant 0 : index
      %get3A_84 = vector.load %arg8[%get3A_82, %get3A_83] : memref<64x128xf32, #tpu.memory_space<vmem>>, vector<64x128xf32>
      %max3A_85 = arith.constant 1.000000e+00 : f32
      %max3A_86 = vector.broadcast %max3A_85 : f32 to vector<64x128xf32>
      %max3A_87 = arith.maximumf %get3A_81, %max3A_86 : vector<64x128xf32>
      %div3A_88 = arith.divf %get3A_84, %max3A_87 : vector<64x128xf32>
      %gt3A = arith.constant 0.000000e+00 : f32
      %gt3A_89 = vector.broadcast %gt3A : f32 to vector<64x128xf32>
      %gt3A_90 = arith.cmpf ogt, %get3A_81, %gt3A_89 : vector<64x128xf32>
      %get3A_91 = arith.constant 0 : index
      %get3A_92 = arith.constant 0 : index
      %get3A_93 = vector.load %arg9[%get3A_91, %get3A_92] : memref<64x128xf32, #tpu.memory_space<vmem>>, vector<64x128xf32>
      %jit3A = arith.constant 0.000000e+00 : f32
      %broadcast_in_dim3A_94 = vector.broadcast %jit3A : f32 to vector<64x128xf32>
      %select_n3A = arith.select %gt3A_90, %get3A_93, %broadcast_in_dim3A_94 : vector<64x128xi1>, vector<64x128xf32>
      %concatenate3A_95 = tpu.concatenate %div3A_88, %select_n3A in 1 : vector<64x128xf32>, vector<64x128xf32> -> vector<64x256xf32>
      %get3A_96 = arith.constant 0 : index
      %get3A_97 = arith.constant 0 : index
      %get3A_98 = vector.load %arg5[%get3A_96, %get3A_97] : memref<128x256xf32, #tpu.memory_space<vmem>>, vector<128x256xf32>
      %dot_general3A_99 = arith.constant dense<0.000000e+00> : vector<64x128xf32>
      %dot_general3A_100 = tpu.matmul %concatenate3A_95, %get3A_98, %dot_general3A_99 {dimension_numbers = #tpu.dot_dimension_numbers<[1], [1], [0], [0], [0, 0, 1, 0], [], []>, transpose_lhs_hint = false} : vector<64x256xf32>, vector<128x256xf32>, vector<64x128xf32> -> vector<64x128xf32>
      %get3A_101 = arith.constant 0 : index
      %get3A_102 = arith.constant 0 : index
      %get3A_103 = vector.load %arg6[%get3A_101, %get3A_102] : memref<8x128xf32, #tpu.memory_space<vmem>>, vector<1x128xf32>
      %add3A_104 = vector.broadcast %get3A_103 : vector<1x128xf32> to vector<64x128xf32>
      %add3A_105 = arith.addf %dot_general3A_100, %add3A_104 : vector<64x128xf32>
      %swap3A_106 = arith.constant 0 : index
      %swap3A_107 = arith.constant 0 : index
      %swap3A_108 = vector.load %arg7[%swap3A_106, %swap3A_107] : memref<64x128xf32, #tpu.memory_space<vmem>>, vector<64x128xf32>
      tpu.vector_store %arg7[%swap3A_106, %swap3A_107], %add3A_105 {strides = array<i32>} : memref<64x128xf32, #tpu.memory_space<vmem>>, vector<64x128xf32>,
    } else {
    }
    return
  }
  func.func @transform_0(%arg0: i32) -> (i32, i32) {
    %c0_i32 = arith.constant 0 : i32
    %c0_i32_0 = arith.constant 0 : i32
    return %arg0, %c0_i32 : i32, i32
  }
  func.func @transform_1(%arg0: i32) -> (i32, i32, i32) {
    %c0_i32 = arith.constant 0 : i32
    %c0_i32_0 = arith.constant 0 : i32
    %c0_i32_1 = arith.constant 0 : i32
    return %c0_i32, %arg0, %c0_i32_0 : i32, i32, i32
  }
  func.func @transform_2(%arg0: i32) -> (i32, i32, i32) {
    %c0_i32 = arith.constant 0 : i32
    %c0_i32_0 = arith.constant 0 : i32
    %c0_i32_1 = arith.constant 0 : i32
    %c0_i32_2 = arith.constant 0 : i32
    return %c0_i32, %c0_i32_0, %c0_i32_1 : i32, i32, i32
  }
  func.func @transform_3(%arg0: i32) -> (i32, i32) {
    %c0_i32 = arith.constant 0 : i32
    %c0_i32_0 = arith.constant 0 : i32
    return %arg0, %c0_i32 : i32, i32
  }
  func.func @transform_4(%arg0: i32) -> (i32, i32) {
    %c0_i32 = arith.constant 0 : i32
    %c0_i32_0 = arith.constant 0 : i32
    %c0_i32_1 = arith.constant 0 : i32
    return %c0_i32, %c0_i32_0 : i32, i32
  }
  func.func @transform_5(%arg0: i32) -> (i32, i32) {
    %c0_i32 = arith.constant 0 : i32
    %c0_i32_0 = arith.constant 0 : i32
    %c0_i32_1 = arith.constant 0 : i32
    return %c0_i32, %c0_i32_0 : i32, i32
  }
  func.func @transform_6(%arg0: i32) -> (i32, i32) {
    %c0_i32 = arith.constant 0 : i32
    %c0_i32_0 = arith.constant 0 : i32
    %c0_i32_1 = arith.constant 0 : i32
    return %c0_i32, %c0_i32_0 : i32, i32
  }
}

</mosaic_0001>

<sc_bundles>
// kernel: kernel.11.cloned.1.call-start
scs
__scs_entry_jumppad:
0x0: {  	(pc) =	sbr.rel $0x88, $3  }
0x1: {  	(tag) =	ssettag $0x0;
	lr =	simm.s32 $0x1  }
0x2: {  	[smem:$0x3F95] =	sst lr;
	_ =	strace $0xD0000000  }
0x3: {  	_ = 	snop  }
0x4: {  	_ = 	snop  }
0x5: {  	_ = 	snop  }
0x6: {  	_ = 	snop  }
0x7: {  	_ = 	snop  }
__scs_overlays_trampoline_lowered:
0x8: {  	[smem:$0x3FA4] =	sst s0  }
0x9: {  	[smem:$0x3FA5] =	sst s1  }
0xa: {  	[smem:$0x3FA6] =	sst s2  }
0xb: {  	[smem:$0x3FA7] =	sst s3  }
0xc: {  	[smem:$0x3FA8] =	sst s4  }
0xd: {  	[smem:$0x3FA9] =	sst s5  }
0xe: {  	[smem:$0x3FAA] =	sst s6  }
0xf: {  	[smem:$0x3FAB] =	sst s7  }
0x10: {  	[smem:$0x3FAC] =	sst s8  }
0x11: {  	[smem:$0x3FAD] =	sst s9;
	s0 =	simm.s32 @!p0 $0x0  }
0x12: {  	s1 =	sld [smem:$0x3F93];
	s0 =	simm.s32 @p0 $0x1  }
0x13: {  	[smem:$0x3FAE] =	sst s0;
	s0 =	simm.s32 @!p1 $0x0  }
0x14: {  	s2 =	sld [smem:$0x3F92];
	s0 =	simm.s32 @p1 $0x1  }
0x15: {  	[smem:$0x3FAF] =	sst s0;
	s0 =	simm.s32 @!p2 $0x0  }
0x16: {  	s3 =	sld [smem:$0x3FDB];
	s0 =	simm.s32 @p2 $0x1  }
0x17: {  	s4 =	simm.s32 $0x1BF5;
	[smem:$0x3FB1] =	sst s0  }
0x18: {  	s0 =	sld [smem:$0x3F94];
	_ =	swait.ge [sflag:s4], $0x0  }
0x19: {  	s7 =	sld [smem:$0x3F95]  }
0x1a: {  	s8 =	sadd.s32 $0xFFFFE003, lr  }
0x1b: {  	s9 =	sadd.s32 $0xFFFFFEF7, lr;
	s5 =	simm.s32 $0xFFFFFFFF;
	p2 =	slt.u32 s8, $0xFFFFF086  }
0x1c: {  	p1 =	slt.u32 s9, $0xF7A;
	s5 =	simm.s32 @!p2 $0x0  }
0x1d: {  	s5 =	simm.s32 @p1 $0x1;
	p0 =	seq.s32 s7, s2  }
0x1e: {  	s7 =	smul.u32 @!p0 $0xF7A, s2;
	p2 =	seq.s32 @!p0 s5, $0x0  }
0x1f: {  	s9 =	smul.u32 $0xF7A, s1;
	s8 =	simm.s32 @!p0 $0x1BF5;
	p2 =	por !p2, p0  }
0x20: {  	[sflag:s8] =	ssyncset.s32 @!p0 $0xFFFFF086;
	s6 =	sadd.s32 @!p0 s3, s7;
	s7 =	simm.s32 @!p0 $0x108  }
0x21: {  	s3 =	sadd.s32 s3, s9;
	s6 =	sadd.s32 @!p0 $0x88, s6;
	s7 =	simm.s32 @p2 $0x1082  }
0x22: {  	[simem:s7], [sflag:s8] =	dma.local @!p0 [hbm:s6], $0xF7A  }
0x23: {  	s9 =	sor.u32 $0xD0000000, s2;
	s6 =	simm.s32 $0x108;
	_ =	swait.ge @!p0 [sflag:s8], $0x0  }
0x24: {  	s3 =	sadd.s32 $0x88, s3;
	s6 =	simm.s32 @!p1 $0x1082;
	[sflag:s4] =	ssyncset.s32 $0xFFFFF086  }
0x25: {  	[simem:s6], [sflag:s4] =	dma.local [hbm:s3], $0xF7A  }
0x26: {  	[smem:$0x3F95] =	sst s1;
	(tag) =	ssettag s2;
	_ =	strace s9  }
0x27: {  	s1 =	sld [smem:$0x3FA5]  }
0x28: {  	s2 =	sld [smem:$0x3FA6]  }
0x29: {  	s4 =	sld [smem:$0x3FA8]  }
0x2a: {  	p0 =	seq.s32 s5, $0x0;
	s5 =	sld [smem:$0x3FA9]  }
0x2b: {  	s6 =	sld [smem:$0x3FAA]  }
0x2c: {  	s7 =	sld [smem:$0x3FAB]  }
0x2d: {  	s3 =	simm.s32 $0x108;
	s8 =	sld [smem:$0x3FAC]  }
0x2e: {  	s3 =	simm.s32 @!p0 $0x1082;
	s9 =	sld [smem:$0x3FAD]  }
0x2f: {  	lr =	sadd.s32 s0, s3;
	s0 =	sld [smem:$0x3FA4]  }
0x30: {  	s3 =	sld [smem:$0x3FA7]  }
0x31: {  	[smem:$0x3FB0] =	sst s10  }
0x32: {  	s10 =	sld [smem:$0x3FAE];
	_ =	sdelay $0x3  }
0x33: {  	p0 =	seq.s32 s10, $0x1;
	s10 =	sld [smem:$0x3FB0];
	_ =	sdelay $0x3  }
0x34: {  	[smem:$0x3FB0] =	sst s10  }
0x35: {  	s10 =	sld [smem:$0x3FAF];
	_ =	sdelay $0x3  }
0x36: {  	p1 =	seq.s32 s10, $0x1;
	s10 =	sld [smem:$0x3FB0];
	_ =	sdelay $0x3  }
0x37: {  	[smem:$0x3FB0] =	sst s10  }
0x38: {  	s10 =	sld [smem:$0x3FB1]  }
0x39: {  	_ = 	snop;
	(pc) =	sbr.ind lr, $3  }
0x3a: {  	_ = 	snop  }
0x3b: {  	_ = 	snop  }
0x3c: {  	p2 =	seq.s32 s10, $0x1;
	s10 =	sld [smem:$0x3FB0]  }
0x3d: {  	_ =	shalt  }
0x3e: {  	_ =	shalt  }
0x3f: {  	_ =	shalt  }
0x40: {  	_ =	shalt  }
0x41: {  	_ =	shalt  }
0x42: {  	_ =	shalt  }
0x43: {  	_ =	shalt  }
0x44: {  	_ =	shalt  }
0x45: {  	_ =	shalt  }
0x46: {  	_ =	shalt  }
0x47: {  	_ =	shalt  }
0x48: {  	_ =	shalt  }
0x49: {  	_ =	shalt  }
0x4a: {  	_ =	shalt  }
0x4b: {  	_ =	shalt  }
0x4c: {  	_ =	shalt  }
0x4d: {  	_ =	shalt  }
0x4e: {  	_ =	shalt  }
0x4f: {  	_ =	shalt  }
0x50: {  	_ =	shalt  }
0x51: {  	_ =	shalt  }
0x52: {  	_ =	shalt  }
0x53: {  	_ =	shalt  }
0x54: {  	_ =	shalt  }
0x55: {  	_ =	shalt  }
0x56: {  	_ =	shalt  }
0x57: {  	_ =	shalt  }
0x58: {  	_ =	shalt  }
0x59: {  	_ =	shalt  }
0x5a: {  	_ =	shalt  }
0x5b: {  	_ =	shalt  }
0x5c: {  	_ =	shalt  }
0x5d: {  	_ =	shalt  }
0x5e: {  	_ =	shalt  }
0x5f: {  	_ =	shalt  }
0x60: {  	_ =	shalt  }
0x61: {  	_ =	shalt  }
0x62: {  	_ =	shalt  }
0x63: {  	_ =	shalt  }
0x64: {  	_ =	shalt  }
0x65: {  	_ =	shalt  }
0x66: {  	_ =	shalt  }
0x67: {  	_ =	shalt  }
0x68: {  	_ =	shalt  }
0x69: {  	_ =	shalt  }
0x6a: {  	_ =	shalt  }
0x6b: {  	_ =	shalt  }
0x6c: {  	_ =	shalt  }
0x6d: {  	_ =	shalt  }
0x6e: {  	_ =	shalt  }
0x6f: {  	_ =	shalt  }
0x70: {  	_ =	shalt  }
0x71: {  	_ =	shalt  }
0x72: {  	_ =	shalt  }
0x73: {  	_ =	shalt  }
0x74: {  	_ =	shalt  }
0x75: {  	_ =	shalt  }
0x76: {  	_ =	shalt  }
0x77: {  	_ =	shalt  }
0x78: {  	_ =	shalt  }
0x79: {  	_ =	shalt  }
0x7a: {  	_ =	shalt  }
0x7b: {  	_ =	shalt  }
0x7c: {  	_ =	shalt  }
0x7d: {  	_ =	shalt  }
0x7e: {  	_ =	shalt  }
0x7f: {  	_ =	shalt  }
0x80: {  	_ =	shalt  }
0x81: {  	_ =	shalt  }
0x82: {  	_ =	shalt  }
0x83: {  	_ =	shalt  }
0x84: {  	_ =	shalt  }
0x85: {  	_ =	shalt  }
0x86: {  	_ =	shalt  }
0x87: {  	_ =	shalt  }
.Lfunc_end0:
.L_simem_size_0:
called_computation.1_lowered:
.L_overlay_start_0:
0x88: {  	s2 =	sld [smem:$0x3FD9]  }
0x89: {  	s3 =	sld [smem:$0x3FFE];
	_ =	sdelay $0x1  }
0x8a: {  	s1 =	srdreg.scid  }
0x8b: {  	s0 =	sand.u32 $0x1, s1  }
0x8c: {  	s17 =	sshll.u32 s0, $0xA;
	s2 =	sadd.s32 s3, s2  }
0x8d: {  	s2 =	sadd.s32 s2, s17  }
0x8e: {  	[smem:$0x3FBC] =	sst s2  }
0x8f: {  	_ = 	snop  }
0x90: {  	s2 =	sld [smem:$0x3FD0];
	(tm) =	ssettm $0x1  }
0x91: {  	s18 =	sld [smem:$0x3FFB];
	_ =	sdelay $0x3  }
0x92: {  	_ =	strace s18  }
0x93: {  	s3 =	sld [smem:$0x3FFC];
	_ =	sdelay $0x3  }
0x94: {  	_ =	strace s3  }
0x95: {  	s3 =	sld [smem:$0x3FFD];
	_ =	sdelay $0x3  }
0x96: {  	_ =	strace s3  }
0x97: {  	_ =	strace $0x8FFFFFFF  }
0x98: {  	s19 =	sld [smem:$0x3FDB];
	_ =	sdelay $0x1  }
0x99: {  	s4 =	simm.s32 $_scs_section_size  }
0x9a: {  	s5 =	simm.s32 $_size__tile_overlayer_lowered;
	s6 =	simm.s32 $_tile_overlayer_lowered  }
0x9b: {  	s22 =	simm.s32 $0x1BFF;
	s21 =	sshll.u32 s6, $0x1;
	s3 =	sadd.s32 s4, s19  }
0x9c: {  	s7 =	simm.s32 $0x0;
	s20 =	sshll.u32 s5, $0x1;
	s5 =	sadd.s32 s21, s3  }
0x9d: {  	[timem:s7], [sflag:s22] =	dma.local [hbm:s5], s20  }
0x9e: {  	_ =	swait.ge [sflag:s22], s20  }
0x9f: {  	s4 =	ssub.s32 $0x0, s20;
	[sflag:s22] =	ssyncset.done $0x0  }
0xa0: {  	[sflag:s22] =	ssyncadd.s32 s4;
	_ =	sdelay $0x1  }
0xa1: {  	s23 =	simm.s32 $0x1B8B  }
0xa2: {  	_ =	swait.ge [sflag:s23], $0x1  }
0xa3: {  	[sflag:s23] =	ssyncset.done $0x0  }
0xa4: {  	s25 =	simm.s32 $0x1B8E;
	s24 =	sld [smem:$0x3FFE];
	[sflag:s23] =	ssyncadd.s32 $0xFFFFFFFF  }
0xa5: {  	s26 =	simm.s32 $execute0_lowered;
	[smem:$0x3FD2] =	sst s25  }
0xa6: {  	s5 =	sshll.u32 s26, $0x1;
	_ =	strace $0x80000049;
	[dreg:$0x1] =	wrdreg $0xFFFFFFFF  }
0xa7: {  	s28 =	simm.s32 $_size_execute0_lowered;
	s3 =	sadd.s32 s3, s5;
	[dreg:$0x0] =	wrdreg $0x0  }
0xa8: {  	s5 =	sshll.u32 s28, $0x1;
	[dreg:$0x2] =	wrdreg s3  }
0xa9: {  	[dreg:$0x3] =	wrdreg s5  }
0xaa: {  	[dreg:$0x4] =	wrdreg $0xC0  }
0xab: {  	_ =	task [dreg:s7], $0x5FFFF  }
0xac: {  	[dreg:$0x1] =	wrdreg $0xFFFFFFFF  }
0xad: {  	[dreg:$0x0] =	wrdreg $0x60  }
0xae: {  	[dreg:$0x2] =	wrdreg s24  }
0xaf: {  	[dreg:$0x3] =	wrdreg s2  }
0xb0: {  	[dreg:$0x4] =	wrdreg $0x128000  }
0xb1: {  	[dreg:$0x5] =	wrdreg $0x1C8000  }
0xb2: {  	[dreg:$0x6] =	wrdreg $0x9  }
0xb3: {  	_ =	task.clear_ibuf [dreg:s7], $0x7FFFF;
	_ =	strace $0x90000049  }
0xb4: {  	s29 =	simm.s32 $0x9;
	_ =	strace $0x8000004B  }
0xb5: {  	_ =	swait.ge [sflag:s29], $0x1  }
0xb6: {  	[sflag:s29] =	ssyncadd.s32 $0xFFFFFFFF  }
0xb7: {  	_ =	strace $0x9000004B  }
0xb8: {  	_ =	sfence  }
0xb9: {  	s30 =	sld [smem:$0x0];
	_ =	sdelay $0x2  }
0xba: {  	s31 =	sshll.u32 s1, $0xD;
	s1 =	sshrl.u32 s1, $0x2  }
0xbb: {  	s3 =	sand.u32 $0x4000, s31;
	s1 =	sadd.s32 s1, s30  }
0xbc: {  	s0 =	sor.u32 s3, s0;
	s1 =	sshll.u32 s1, $0x11  }
0xbd: {  	s0 =	sor.u32 s1, s0  }
0xbe: {  	s0 =	sadd.s32 $0x8F2B, s0  }
0xbf: {  	[sflag:s0] =	ssyncadd.remote.s32 $0x1  }
0xc0: {  	_ =	sfence.sel $0xFFFF  }
0xc1: {  	[dreg:$0x0] =	wrdreg $0xFFFFFFFF;
	(pc) =	sbr.abs _section_cstart, $3  }
0xc2: {  	[dreg:$0x1] =	wrdreg $0xFFFFFFFF  }
0xc3: {  	_ =	task.clear_ibuf [dreg:s7], $0x2FFFF;
	_ =	strace $0x9FFFFFFF  }
0xc4: {  	(tm) =	ssettm $0x7FFFFFFF  }
0xc5: {  	_ =	shalt  }
tec
execute0_lowered:
.L_overlay_start_1:
0x0: {  	(tag) =	ssettag $0x1  }
0x1: {  	s0 =	rddreg [dreg:$0x0];
	s15 =	stileid.u32  }
0x2: {  	s1 =	srdreg.scid;
	s3 =	rddreg [dreg:$0x2]  }
0x3: {  	s4 =	rddreg [dreg:$0x3];
	s5 =	simm.s32 $0x0;
	s17 =	simm.s32 $0x4  }
0x4: {  	s18 =	simm.s32 $0x5000;
	s19 =	simm.s32 $0x80;
	s20 =	simm.s32 $0xA000  }
0x5: {  	s30 =	simm.s32 $0x2;
	s31 =	simm.s32 $0x3;
	s2 =	smul.u32 $0xA00, s15  }
0x6: {  	s1 =	sand.u32 $0x1, s1;
	s7 =	smul.u32 $0xA000, s15;
	[smem:$0x7FF] =	sst s5  }
0x7: {  	s8 =	smul.u32 $0x2800, s15;
	s11 =	sadd.s32 $0x66C00, s0;
	s21 =	sadd.s32 $0x2A400, s0  }
0x8: {  	s6 =	smul.u32 $0xA0000, s1;
	_ =	strace $0x8000004A;
	[dreg:$0x5] =	wrdreg s11  }
0x9: {  	s16 =	simm.s32 $0x9F00;
	s10 =	smul.u32 $0x28000, s1;
	[dreg:$0x6] =	wrdreg s21  }
0xa: {  	s22 =	ssub.s32 $0x2, s1;
	p0 =	seq.s32 s1, $0x1;
	s21 =	simm.s32 $0xE000  }
0xb: {  	s1 =	simm.s32 $0x9F80;
	s2 =	sadd.s32 s2, s0;
	s23 =	sshrl.u32 s22, $0x1  }
0xc: {  	s25 =	sadd.s32 s7, s3;
	s26 =	sadd.s32 s8, s4;
	s9 =	sshrl.u32 s6, $0x3  }
0xd: {  	s6 =	sadd.s32 s7, s6;
	s10 =	sadd.s32 s8, s10;
	s12 =	ssub.s32 s22, s23  }
0xe: {  	s24 =	sadd.s32 $0x34C00, s2;
	s2 =	sadd.s32 $0x2AC00, s2;
	[dreg:$0x9] =	wrdreg s25  }
0xf: {  	[dreg:$0xa] =	wrdreg s26;
	s22 =	simm.s32 $0x12000;
	s23 =	simm.s32 $0xC000  }
0x10: {  	s25 =	simm.s32 $0x10000;
	s26 =	simm.s32 $0x1;
	s9 =	sadd.s32 s9, s0  }
0x11: {  	s6 =	sshrl.u32 s6, $0x3;
	s10 =	sshrl.u32 s10, $0x3;
	[dreg:$0x7] =	wrdreg s24  }
.Ltmp0:
0x12: {  	[dreg:$0x8] =	wrdreg s2;
	s29 =	smax.u32 s12, $0x1;
	(pc) =	sbr.rel .LBB2_1-.Ltmp0, $4  }
0x13: {  	s2 =	simm.s32 $0x4F80;
	s24 =	simm.s32 $0x4F00;
	s6 =	sadd.s32 s6, s0  }
0x14: {  	s0 =	sadd.s32 s10, s0;
	[dreg:$0xd] =	wrdreg s29;
	s28 =	sadd.s32 $0x72000, s6  }
0x15: {  	s10 =	sadd.s32 $0x3EC00, s9;
	s0 =	sadd.s32 $0x68000, s0;
	[dreg:$0xb] =	wrdreg s28  }
0x16: {  	s11 =	sadd.s32 $0x2400, s9;
	[dreg:$0xc] =	wrdreg s0;
	s0 =	simm.s32 $0x0  }
.LBB2_7:
0x17: {  	[spmem:s4] =	stream.indirect.scatter.add.f32 [tilespmem:s22], [sflag:$0x3], $0x10, s7, s19, $0xb8;
	[tilespmem:$0x1F000] =	vst v63  }
0x18: {  	s7 =	sadd.s32 $0x180, s8  }
0x19: {  	[tilespmem:s23], [sflag:$0x2] =	stream.indirect.gather [hbm4b:s10+s19], $0x40, s7, s19, $0xb8;
	[tilespmem:$0x1F000] =	vst v63  }
0x1a: {  	s9 =	sadd.s32 $0x5180, s8  }
0x1b: {  	[tilespmem:s25], [sflag:$0x2] =	stream.indirect.gather [hbm4b:s11+s19], $0x40, s9, s19, $0xb8;
	[tilespmem:$0x1F000] =	vst v63  }
0x1c: {  	_ =	swait.ge [sflag:s26], $0x2000  }
0x1d: {  	[sflag:s26] =	ssyncset.done $0x0  }
0x1e: {  	[sflag:s26] =	ssyncadd.s32 $0xFFFFE000  }
0x1f: {  	_ =	swait.ge [sflag:s26], $0x2000  }
0x20: {  	[sflag:s26] =	ssyncset.done $0x0  }
0x21: {  	s12 =	sadd.s32 $0x5100, s8;
	[sflag:s26] =	ssyncadd.s32 $0xFFFFE000  }
0x22: {  	[spmem:s3] =	stream.indirect.scatter.add.f32 [tilespmem:s20], [sflag:$0x4], $0x40, s12, s19, $0xb8;
	[tilespmem:$0x1F000] =	vst v63  }
0x23: {  	_ =	swait.ge [sflag:s17], $0x2000  }
0x24: {  	[sflag:s17] =	ssyncset.done $0x0  }
0x25: {  	s14 =	sadd.s32 $0x100, s8;
	[sflag:s17] =	ssyncadd.s32 $0xFFFFE000  }
0x26: {  	[spmem:s3] =	stream.indirect.scatter.add.f32 [tilespmem:s21], [sflag:$0x4], $0x40, s14, s19, $0xb8;
	[tilespmem:$0x1F000] =	vst v63  }
0x27: {  	_ =	swait.ge [sflag:s17], $0x2000  }
0x28: {  	[sflag:s17] =	ssyncset.done $0x0  }
0x29: {  	[sflag:s17] =	ssyncadd.s32 $0xFFFFE000  }
0x2a: {  	_ =	swait.ge [sflag:s31], $0x800  }
0x2b: {  	[sflag:s31] =	ssyncset.done $0x0  }
0x2c: {  	[sflag:s31] =	ssyncadd.s32 $0xFFFFF800  }
0x2d: {  	[spmem:s4] =	stream.indirect.scatter.add.f32 [tilespmem:s22], [sflag:$0x3], $0x10, s14, s19, $0xb8;
	[tilespmem:$0x1F000] =	vst v63  }
0x2e: {  	s24 =	sadd.s32 $0x200, s8  }
0x2f: {  	[tilespmem:s20], [sflag:$0x1] =	stream.indirect.gather [hbm4b:s10+s19], $0x40, s24, s19, $0xb8;
	[tilespmem:$0x1F000] =	vst v63  }
0x30: {  	s13 =	sadd.s32 $0x5200, s8  }
0x31: {  	[tilespmem:s21], [sflag:$0x1] =	stream.indirect.gather [hbm4b:s11+s19], $0x40, s13, s19, $0xb8;
	[tilespmem:$0x1F000] =	vst v63  }
0x32: {  	_ =	swait.ge [sflag:s30], $0x2000  }
0x33: {  	[sflag:s30] =	ssyncset.done $0x0  }
0x34: {  	[sflag:s30] =	ssyncadd.s32 $0xFFFFE000  }
0x35: {  	_ =	swait.ge [sflag:s30], $0x2000  }
0x36: {  	[sflag:s30] =	ssyncset.done $0x0  }
0x37: {  	[sflag:s30] =	ssyncadd.s32 $0xFFFFE000  }
0x38: {  	[spmem:s3] =	stream.indirect.scatter.add.f32 [tilespmem:s23], [sflag:$0x4], $0x40, s9, s19, $0xb8;
	[tilespmem:$0x1F000] =	vst v63  }
0x39: {  	_ =	swait.ge [sflag:s17], $0x2000  }
0x3a: {  	[sflag:s17] =	ssyncset.done $0x0  }
0x3b: {  	[sflag:s17] =	ssyncadd.s32 $0xFFFFE000  }
0x3c: {  	[spmem:s3] =	stream.indirect.scatter.add.f32 [tilespmem:s25], [sflag:$0x4], $0x40, s7, s19, $0xb8;
	[tilespmem:$0x1F000] =	vst v63  }
0x3d: {  	_ =	swait.ge [sflag:s17], $0x2000  }
0x3e: {  	[sflag:s17] =	ssyncset.done $0x0  }
0x3f: {  	[sflag:s17] =	ssyncadd.s32 $0xFFFFE000  }
0x40: {  	_ =	swait.ge [sflag:s31], $0x800  }
0x41: {  	[sflag:s31] =	ssyncset.done $0x0  }
0x42: {  	[sflag:s31] =	ssyncadd.s32 $0xFFFFF800  }
0x43: {  	[spmem:s4] =	stream.indirect.scatter.add.f32 [tilespmem:s22], [sflag:$0x3], $0x10, s7, s19, $0xb8;
	[tilespmem:$0x1F000] =	vst v63  }
0x44: {  	_ = 	snop  }
0x45: {  	[tilespmem:s23], [sflag:$0x2] =	stream.indirect.gather [hbm4b:s10+s19], $0x40, s2, s19, $0xb8;
	[tilespmem:$0x1F000] =	vst v63  }
0x46: {  	_ = 	snop  }
0x47: {  	[tilespmem:s25], [sflag:$0x2] =	stream.indirect.gather [hbm4b:s11+s19], $0x40, s1, s19, $0xb8;
	[tilespmem:$0x1F000] =	vst v63  }
0x48: {  	_ =	swait.ge [sflag:s26], $0x2000  }
0x49: {  	[sflag:s26] =	ssyncset.done $0x0  }
0x4a: {  	[sflag:s26] =	ssyncadd.s32 $0xFFFFE000  }
0x4b: {  	_ =	swait.ge [sflag:s26], $0x2000  }
0x4c: {  	[sflag:s26] =	ssyncset.done $0x0  }
0x4d: {  	[sflag:s26] =	ssyncadd.s32 $0xFFFFE000  }
0x4e: {  	[spmem:s3] =	stream.indirect.scatter.add.f32 [tilespmem:s20], [sflag:$0x4], $0x40, s16, s19, $0xb8;
	[tilespmem:$0x1F000] =	vst v63  }
0x4f: {  	_ =	swait.ge [sflag:s17], $0x2000  }
0x50: {  	[sflag:s17] =	ssyncset.done $0x0  }
0x51: {  	s14 =	simm.s32 $0x4F00;
	[sflag:s17] =	ssyncadd.s32 $0xFFFFE000  }
0x52: {  	[spmem:s3] =	stream.indirect.scatter.add.f32 [tilespmem:s21], [sflag:$0x4], $0x40, s14, s19, $0xb8;
	[tilespmem:$0x1F000] =	vst v63  }
0x53: {  	_ =	swait.ge [sflag:s17], $0x2000  }
0x54: {  	[sflag:s17] =	ssyncset.done $0x0  }
0x55: {  	[sflag:s17] =	ssyncadd.s32 $0xFFFFE000  }
0x56: {  	_ =	swait.ge [sflag:s31], $0x800  }
0x57: {  	[sflag:s31] =	ssyncset.done $0x0  }
0x58: {  	[sflag:s31] =	ssyncadd.s32 $0xFFFFF800  }
0x59: {  	[spmem:s4] =	stream.indirect.scatter.add.f32 [tilespmem:s22], [sflag:$0x3], $0x10, s14, s19, $0xb8;
	[tilespmem:$0x1F000] =	vst v63  }
0x5a: {  	_ =	swait.ge [sflag:s30], $0x2000  }
0x5b: {  	[sflag:s30] =	ssyncset.done $0x0  }
0x5c: {  	[sflag:s30] =	ssyncadd.s32 $0xFFFFE000  }
0x5d: {  	_ =	swait.ge [sflag:s30], $0x2000  }
0x5e: {  	[sflag:s30] =	ssyncset.done $0x0  }
0x5f: {  	[sflag:s30] =	ssyncadd.s32 $0xFFFFE000  }
0x60: {  	[spmem:s3] =	stream.indirect.scatter.add.f32 [tilespmem:s23], [sflag:$0x4], $0x40, s1, s19, $0xb8;
	[tilespmem:$0x1F000] =	vst v63  }
0x61: {  	_ =	swait.ge [sflag:s17], $0x2000  }
0x62: {  	[sflag:s17] =	ssyncset.done $0x0  }
0x63: {  	[sflag:s17] =	ssyncadd.s32 $0xFFFFE000  }
0x64: {  	[spmem:s3] =	stream.indirect.scatter.add.f32 [tilespmem:s25], [sflag:$0x4], $0x40, s2, s19, $0xb8;
	[tilespmem:$0x1F000] =	vst v63  }
0x65: {  	_ =	swait.ge [sflag:s17], $0x2000  }
0x66: {  	[sflag:s17] =	ssyncset.done $0x0  }
0x67: {  	[sflag:s17] =	ssyncadd.s32 $0xFFFFE000  }
0x68: {  	_ =	swait.ge [sflag:s31], $0x800  }
0x69: {  	[sflag:s31] =	ssyncset.done $0x0  }
0x6a: {  	s24 =	simm.s32 $0x4F00;
	[sflag:s31] =	ssyncadd.s32 $0xFFFFF800  }
0x6b: {  	[spmem:s4] =	stream.indirect.scatter.add.f32 [tilespmem:s22], [sflag:$0x3], $0x10, s2, s19, $0xb8;
	[tilespmem:$0x1F000] =	vst v63  }
.LBB2_8:
0x6c: {  	_ =	swait.ge [sflag:s31], $0x800  }
0x6d: {  	[sflag:s31] =	ssyncset.done $0x0  }
0x6e: {  	[sflag:s31] =	ssyncadd.s32 $0xFFFFF800  }
0x6f: {  	[bflag:$0x0] =	sbarrier.arrive $0xFFFF  }
0x70: {  	s7 =	rddreg [dreg:$0xb]  }
0x71: {  	[hbm:s7], [sflag:s28] =	dma.local [spmem:s29], $0x1400  }
0x72: {  	_ =	swait.ge [sflag:s17], $0x1400  }
0x73: {  	[sflag:s17] =	ssyncset.done $0x0  }
0x74: {  	s14 =	rddreg [dreg:$0xc];
	[sflag:s17] =	ssyncadd.s32 $0xFFFFEC00  }
0x75: {  	[hbm:s14], [sflag:s28] =	dma.local [spmem:s6], $0x500  }
0x76: {  	_ =	swait.ge [sflag:s17], $0x500  }
0x77: {  	s0 =	sadd.s32 $0x1, s0;
	s29 =	rddreg [dreg:$0xd]  }
0x78: {  	p1 =	sne.s32 s0, s29  }
.Ltmp1:
0x79: {  	_ = 	snop;
	(pc) =	sbr.rel @!p1 .LBB2_9-.Ltmp1, $3  }
0x7a: {  	_ =	sdelay $0x1  }
0x7b: {  	[sflag:s17] =	ssyncset.done $0x0  }
0x7c: {  	[sflag:s17] =	ssyncadd.s32 $0xFFFFFB00  }
.LBB2_1:
0x7d: {  	s6 =	rddreg [dreg:$0x7]  }
0x7e: {  	[tilespmem:s5], [sflag:$0x4] =	stream.linear.gather [hbm4b:s6+s5], $0x5000, $0x38;
	[tilespmem:$0x1F000] =	vst v63  }
0x7f: {  	_ =	swait.ge [sflag:s17], $0x5000  }
0x80: {  	[sflag:s17] =	ssyncset.done $0x0  }
0x81: {  	s7 =	rddreg [dreg:$0x8];
	[sflag:s17] =	ssyncadd.s32 $0xFFFFB000  }
0x82: {  	[tilespmem:s18], [sflag:$0x4] =	stream.linear.gather [hbm4b:s7+s5], $0x5000, $0x38;
	[tilespmem:$0x1F000] =	vst v63  }
0x83: {  	_ =	swait.ge [sflag:s17], $0x5000  }
0x84: {  	[sflag:s17] =	ssyncset.done $0x0  }
0x85: {  	s8 =	sshll.u32 s15, $0x6;
	s9 =	rddreg [dreg:$0x9];
	[sflag:s17] =	ssyncadd.s32 $0xFFFFB000  }
0x86: {  	[tilespmem:s20], [sflag:$0x1] =	stream.indirect.gather [hbm4b:s10+s19], $0x40, s5, s19, $0xb8;
	[tilespmem:$0x1F000] =	vst v63  }
0x87: {  	s28 =	sor.u32 $0x1C04, s8;
	s12 =	rddreg [dreg:$0x5];
	s29 =	sshrl.u32 s9, $0x3  }
0x88: {  	[tilespmem:s21], [sflag:$0x1] =	stream.indirect.gather [hbm4b:s11+s19], $0x40, s18, s19, $0xb8;
	[tilespmem:$0x1F000] =	vst v63  }
0x89: {  	[spmem:s29], [sflag:s28] =	dma.local [hbm:s12], $0x1400  }
0x8a: {  	_ =	swait.ge [sflag:s17], $0x1400  }
0x8b: {  	[sflag:s17] =	ssyncset.done $0x0  }
0x8c: {  	[sflag:s17] =	ssyncadd.s32 $0xFFFFEC00  }
0x8d: {  	s13 =	rddreg [dreg:$0x1]  }
0x8e: {  	[tilespmem:s22], [sflag:$0x4] =	stream.linear.gather [hbm4b:s13+s5], $0x800, $0x38;
	[tilespmem:$0x1F000] =	vst v63  }
0x8f: {  	_ =	swait.ge [sflag:s17], $0x800  }
0x90: {  	[sflag:s17] =	ssyncset.done $0x0;
	s14 =	rddreg [dreg:$0xa]  }
0x91: {  	s7 =	rddreg [dreg:$0x6];
	[sflag:s17] =	ssyncadd.s32 $0xFFFFF800;
	s6 =	sshrl.u32 s14, $0x3  }
0x92: {  	[spmem:s6], [sflag:s28] =	dma.local [hbm:s7], $0x500  }
.Ltmp2:
0x93: {  	_ =	swait.ge [sflag:s17], $0x500;
	(pc) =	sbr.rel @!p0 .LBB2_2-.Ltmp2, $3  }
0x94: {  	[sflag:s17] =	ssyncset.done $0x0  }
0x95: {  	[sflag:s17] =	ssyncadd.s32 $0xFFFFFB00  }
0x96: {  	[bflag:$0x0] =	sbarrier.arrive $0xFFFF;
	_ =	sdelay $0x1  }
0x97: {  	[tilespmem:s23], [sflag:$0x2] =	stream.indirect.gather [hbm4b:s10+s19], $0x40, s19, s19, $0xb8;
	[tilespmem:$0x1F000] =	vst v63  }
0x98: {  	s8 =	simm.s32 $0x5080  }
0x99: {  	[tilespmem:s25], [sflag:$0x2] =	stream.indirect.gather [hbm4b:s11+s19], $0x40, s8, s19, $0xb8;
	[tilespmem:$0x1F000] =	vst v63  }
0x9a: {  	_ =	swait.ge [sflag:s26], $0x2000  }
0x9b: {  	[sflag:s26] =	ssyncset.done $0x0  }
0x9c: {  	[sflag:s26] =	ssyncadd.s32 $0xFFFFE000  }
0x9d: {  	_ =	swait.ge [sflag:s26], $0x2000  }
0x9e: {  	[sflag:s26] =	ssyncset.done $0x0  }
0x9f: {  	[sflag:s26] =	ssyncadd.s32 $0xFFFFE000  }
0xa0: {  	[spmem:s3] =	stream.indirect.scatter.add.f32 [tilespmem:s20], [sflag:$0x4], $0x40, s18, s19, $0xb8;
	[tilespmem:$0x1F000] =	vst v63  }
0xa1: {  	_ =	swait.ge [sflag:s17], $0x2000  }
0xa2: {  	[sflag:s17] =	ssyncset.done $0x0  }
0xa3: {  	s7 =	simm.s32 $0x0;
	[sflag:s17] =	ssyncadd.s32 $0xFFFFE000  }
0xa4: {  	[spmem:s3] =	stream.indirect.scatter.add.f32 [tilespmem:s21], [sflag:$0x4], $0x40, s7, s19, $0xb8;
	[tilespmem:$0x1F000] =	vst v63  }
0xa5: {  	_ =	swait.ge [sflag:s17], $0x2000  }
0xa6: {  	[sflag:s17] =	ssyncset.done $0x0  }
0xa7: {  	[sflag:s17] =	ssyncadd.s32 $0xFFFFE000  }
0xa8: {  	[spmem:s4] =	stream.indirect.scatter.add.f32 [tilespmem:s22], [sflag:$0x3], $0x10, s7, s19, $0xb8;
	[tilespmem:$0x1F000] =	vst v63  }
0xa9: {  	s24 =	simm.s32 $0x100  }
0xaa: {  	[tilespmem:s20], [sflag:$0x1] =	stream.indirect.gather [hbm4b:s10+s19], $0x40, s24, s19, $0xb8;
	[tilespmem:$0x1F000] =	vst v63  }
0xab: {  	s9 =	simm.s32 $0x5100  }
0xac: {  	[tilespmem:s21], [sflag:$0x1] =	stream.indirect.gather [hbm4b:s11+s19], $0x40, s9, s19, $0xb8;
	[tilespmem:$0x1F000] =	vst v63  }
0xad: {  	_ =	swait.ge [sflag:s30], $0x2000  }
0xae: {  	[sflag:s30] =	ssyncset.done $0x0  }
0xaf: {  	[sflag:s30] =	ssyncadd.s32 $0xFFFFE000  }
0xb0: {  	_ =	swait.ge [sflag:s30], $0x2000  }
0xb1: {  	[sflag:s30] =	ssyncset.done $0x0  }
0xb2: {  	[sflag:s30] =	ssyncadd.s32 $0xFFFFE000  }
0xb3: {  	[spmem:s3] =	stream.indirect.scatter.add.f32 [tilespmem:s23], [sflag:$0x4], $0x40, s8, s19, $0xb8;
	[tilespmem:$0x1F000] =	vst v63  }
0xb4: {  	_ =	swait.ge [sflag:s17], $0x2000  }
0xb5: {  	[sflag:s17] =	ssyncset.done $0x0  }
0xb6: {  	[sflag:s17] =	ssyncadd.s32 $0xFFFFE000  }
0xb7: {  	[spmem:s3] =	stream.indirect.scatter.add.f32 [tilespmem:s25], [sflag:$0x4], $0x40, s19, s19, $0xb8;
	[tilespmem:$0x1F000] =	vst v63  }
0xb8: {  	_ =	swait.ge [sflag:s17], $0x2000  }
0xb9: {  	[sflag:s17] =	ssyncset.done $0x0  }
0xba: {  	[sflag:s17] =	ssyncadd.s32 $0xFFFFE000  }
0xbb: {  	_ =	swait.ge [sflag:s31], $0x800  }
0xbc: {  	[sflag:s31] =	ssyncset.done $0x0  }
0xbd: {  	[sflag:s31] =	ssyncadd.s32 $0xFFFFF800  }
0xbe: {  	[spmem:s4] =	stream.indirect.scatter.add.f32 [tilespmem:s22], [sflag:$0x3], $0x10, s19, s19, $0xb8;
	[tilespmem:$0x1F000] =	vst v63  }
0xbf: {  	s7 =	simm.s32 $0x180  }
0xc0: {  	[tilespmem:s23], [sflag:$0x2] =	stream.indirect.gather [hbm4b:s10+s19], $0x40, s7, s19, $0xb8;
	[tilespmem:$0x1F000] =	vst v63  }
0xc1: {  	s12 =	simm.s32 $0x5180  }
0xc2: {  	[tilespmem:s25], [sflag:$0x2] =	stream.indirect.gather [hbm4b:s11+s19], $0x40, s12, s19, $0xb8;
	[tilespmem:$0x1F000] =	vst v63  }
0xc3: {  	_ =	swait.ge [sflag:s26], $0x2000  }
0xc4: {  	[sflag:s26] =	ssyncset.done $0x0  }
0xc5: {  	[sflag:s26] =	ssyncadd.s32 $0xFFFFE000  }
0xc6: {  	_ =	swait.ge [sflag:s26], $0x2000  }
0xc7: {  	[sflag:s26] =	ssyncset.done $0x0  }
0xc8: {  	s9 =	simm.s32 $0x5100;
	[sflag:s26] =	ssyncadd.s32 $0xFFFFE000  }
0xc9: {  	[spmem:s3] =	stream.indirect.scatter.add.f32 [tilespmem:s20], [sflag:$0x4], $0x40, s9, s19, $0xb8;
	[tilespmem:$0x1F000] =	vst v63  }
0xca: {  	_ =	swait.ge [sflag:s17], $0x2000  }
0xcb: {  	[sflag:s17] =	ssyncset.done $0x0  }
0xcc: {  	s13 =	simm.s32 $0x100;
	[sflag:s17] =	ssyncadd.s32 $0xFFFFE000  }
0xcd: {  	[spmem:s3] =	stream.indirect.scatter.add.f32 [tilespmem:s21], [sflag:$0x4], $0x40, s13, s19, $0xb8;
	[tilespmem:$0x1F000] =	vst v63  }
0xce: {  	_ =	swait.ge [sflag:s17], $0x2000  }
0xcf: {  	[sflag:s17] =	ssyncset.done $0x0  }
0xd0: {  	[sflag:s17] =	ssyncadd.s32 $0xFFFFE000  }
0xd1: {  	_ =	swait.ge [sflag:s31], $0x800  }
0xd2: {  	[sflag:s31] =	ssyncset.done $0x0  }
0xd3: {  	[sflag:s31] =	ssyncadd.s32 $0xFFFFF800  }
0xd4: {  	[spmem:s4] =	stream.indirect.scatter.add.f32 [tilespmem:s22], [sflag:$0x3], $0x10, s13, s19, $0xb8;
	[tilespmem:$0x1F000] =	vst v63  }
0xd5: {  	s14 =	simm.s32 $0x200  }
0xd6: {  	[tilespmem:s20], [sflag:$0x1] =	stream.indirect.gather [hbm4b:s10+s19], $0x40, s14, s19, $0xb8;
	[tilespmem:$0x1F000] =	vst v63  }
0xd7: {  	s24 =	simm.s32 $0x5200  }
0xd8: {  	[tilespmem:s21], [sflag:$0x1] =	stream.indirect.gather [hbm4b:s11+s19], $0x40, s24, s19, $0xb8;
	[tilespmem:$0x1F000] =	vst v63  }
0xd9: {  	_ =	swait.ge [sflag:s30], $0x2000  }
0xda: {  	[sflag:s30] =	ssyncset.done $0x0  }
0xdb: {  	[sflag:s30] =	ssyncadd.s32 $0xFFFFE000  }
0xdc: {  	_ =	swait.ge [sflag:s30], $0x2000  }
0xdd: {  	[sflag:s30] =	ssyncset.done $0x0  }
0xde: {  	[sflag:s30] =	ssyncadd.s32 $0xFFFFE000  }
0xdf: {  	[spmem:s3] =	stream.indirect.scatter.add.f32 [tilespmem:s23], [sflag:$0x4], $0x40, s12, s19, $0xb8;
	[tilespmem:$0x1F000] =	vst v63  }
0xe0: {  	_ =	swait.ge [sflag:s17], $0x2000  }
0xe1: {  	[sflag:s17] =	ssyncset.done $0x0  }
0xe2: {  	[sflag:s17] =	ssyncadd.s32 $0xFFFFE000  }
0xe3: {  	[spmem:s3] =	stream.indirect.scatter.add.f32 [tilespmem:s25], [sflag:$0x4], $0x40, s7, s19, $0xb8;
	[tilespmem:$0x1F000] =	vst v63  }
0xe4: {  	_ =	swait.ge [sflag:s17], $0x2000  }
0xe5: {  	[sflag:s17] =	ssyncset.done $0x0  }
0xe6: {  	[sflag:s17] =	ssyncadd.s32 $0xFFFFE000  }
0xe7: {  	_ =	swait.ge [sflag:s31], $0x800  }
0xe8: {  	[sflag:s31] =	ssyncset.done $0x0  }
0xe9: {  	s8 =	simm.s32 $0x100;
	s12 =	simm.s32 $0x800;
	[sflag:s31] =	ssyncadd.s32 $0xFFFFF800  }
.LBB2_6:
0xea: {  	[spmem:s4] =	stream.indirect.scatter.add.f32 [tilespmem:s22], [sflag:$0x3], $0x10, s7, s19, $0xb8;
	[tilespmem:$0x1F000] =	vst v63  }
0xeb: {  	s7 =	smov.u32 s12  }
0xec: {  	s9 =	sadd.s32 $0x400, s12;
	s13 =	sshra.s32 s7, $0x2;
	s7 =	sadd.s32 $0x180, s8  }
0xed: {  	[tilespmem:s23], [sflag:$0x2] =	stream.indirect.gather [hbm4b:s10+s19], $0x40, s7, s19, $0xb8;
	[tilespmem:$0x1F000] =	vst v63  }
0xee: {  	p1 =	sne.s32 s12, $0x13400;
	s12 =	sadd.s32 $0x5180, s8  }
0xef: {  	[tilespmem:s25], [sflag:$0x2] =	stream.indirect.gather [hbm4b:s11+s19], $0x40, s12, s19, $0xb8;
	[tilespmem:$0x1F000] =	vst v63  }
0xf0: {  	_ =	swait.ge [sflag:s26], $0x2000  }
0xf1: {  	[sflag:s26] =	ssyncset.done $0x0  }
0xf2: {  	[sflag:s26] =	ssyncadd.s32 $0xFFFFE000  }
0xf3: {  	_ =	swait.ge [sflag:s26], $0x2000  }
0xf4: {  	[sflag:s26] =	ssyncset.done $0x0  }
0xf5: {  	s14 =	sadd.s32 $0x5100, s8;
	[sflag:s26] =	ssyncadd.s32 $0xFFFFE000  }
0xf6: {  	[spmem:s3] =	stream.indirect.scatter.add.f32 [tilespmem:s20], [sflag:$0x4], $0x40, s14, s19, $0xb8;
	[tilespmem:$0x1F000] =	vst v63  }
0xf7: {  	_ =	swait.ge [sflag:s17], $0x2000  }
0xf8: {  	[sflag:s17] =	ssyncset.done $0x0  }
0xf9: {  	s14 =	sadd.s32 $0x100, s8;
	[sflag:s17] =	ssyncadd.s32 $0xFFFFE000  }
0xfa: {  	[spmem:s3] =	stream.indirect.scatter.add.f32 [tilespmem:s21], [sflag:$0x4], $0x40, s14, s19, $0xb8;
	[tilespmem:$0x1F000] =	vst v63  }
0xfb: {  	_ =	swait.ge [sflag:s17], $0x2000  }
0xfc: {  	[sflag:s17] =	ssyncset.done $0x0  }
0xfd: {  	[sflag:s17] =	ssyncadd.s32 $0xFFFFE000  }
0xfe: {  	_ =	swait.ge [sflag:s31], $0x800  }
0xff: {  	[sflag:s31] =	ssyncset.done $0x0  }
0x100: {  	[sflag:s31] =	ssyncadd.s32 $0xFFFFF800  }
0x101: {  	[spmem:s4] =	stream.indirect.scatter.add.f32 [tilespmem:s22], [sflag:$0x3], $0x10, s14, s19, $0xb8;
	[tilespmem:$0x1F000] =	vst v63  }
0x102: {  	s14 =	sadd.s32 $0x200, s8  }
0x103: {  	[tilespmem:s20], [sflag:$0x1] =	stream.indirect.gather [hbm4b:s10+s19], $0x40, s14, s19, $0xb8;
	[tilespmem:$0x1F000] =	vst v63  }
0x104: {  	s14 =	sadd.s32 $0x5200, s8;
	s8 =	smov.u32 s13  }
0x105: {  	[tilespmem:s21], [sflag:$0x1] =	stream.indirect.gather [hbm4b:s11+s19], $0x40, s14, s19, $0xb8;
	[tilespmem:$0x1F000] =	vst v63  }
0x106: {  	_ =	swait.ge [sflag:s30], $0x2000  }
0x107: {  	[sflag:s30] =	ssyncset.done $0x0  }
0x108: {  	[sflag:s30] =	ssyncadd.s32 $0xFFFFE000  }
0x109: {  	_ =	swait.ge [sflag:s30], $0x2000  }
0x10a: {  	[sflag:s30] =	ssyncset.done $0x0  }
0x10b: {  	[sflag:s30] =	ssyncadd.s32 $0xFFFFE000  }
0x10c: {  	[spmem:s3] =	stream.indirect.scatter.add.f32 [tilespmem:s23], [sflag:$0x4], $0x40, s12, s19, $0xb8;
	[tilespmem:$0x1F000] =	vst v63  }
0x10d: {  	_ =	swait.ge [sflag:s17], $0x2000  }
0x10e: {  	[sflag:s17] =	ssyncset.done $0x0  }
0x10f: {  	[sflag:s17] =	ssyncadd.s32 $0xFFFFE000  }
0x110: {  	[spmem:s3] =	stream.indirect.scatter.add.f32 [tilespmem:s25], [sflag:$0x4], $0x40, s7, s19, $0xb8;
	[tilespmem:$0x1F000] =	vst v63  }
0x111: {  	_ =	swait.ge [sflag:s17], $0x2000  }
.Ltmp3:
0x112: {  	[sflag:s17] =	ssyncset.done $0x0;
	(pc) =	sbr.rel @p1 .LBB2_6-.Ltmp3, $4  }
0x113: {  	[sflag:s17] =	ssyncadd.s32 $0xFFFFE000  }
0x114: {  	_ =	swait.ge [sflag:s31], $0x800  }
0x115: {  	[sflag:s31] =	ssyncset.done $0x0  }
0x116: {  	s12 =	smov.u32 s9;
	[sflag:s31] =	ssyncadd.s32 $0xFFFFF800  }
.Ltmp4:
0x117: {  	_ = 	snop;
	(pc) =	sbr.rel .LBB2_7-.Ltmp4, $1  }
0x118: {  	_ =	sdelay $0x3  }
.LBB2_2:
0x119: {  	[tilespmem:s23], [sflag:$0x2] =	stream.indirect.gather [hbm4b:s10+s19], $0x40, s19, s19, $0xb8;
	[tilespmem:$0x1F000] =	vst v63  }
0x11a: {  	s8 =	simm.s32 $0x5080  }
0x11b: {  	[tilespmem:s25], [sflag:$0x2] =	stream.indirect.gather [hbm4b:s11+s19], $0x40, s8, s19, $0xb8;
	[tilespmem:$0x1F000] =	vst v63  }
0x11c: {  	_ =	swait.ge [sflag:s26], $0x2000  }
0x11d: {  	[sflag:s26] =	ssyncset.done $0x0  }
0x11e: {  	[sflag:s26] =	ssyncadd.s32 $0xFFFFE000  }
0x11f: {  	_ =	swait.ge [sflag:s26], $0x2000  }
0x120: {  	[sflag:s26] =	ssyncset.done $0x0  }
0x121: {  	[sflag:s26] =	ssyncadd.s32 $0xFFFFE000  }
0x122: {  	[spmem:s3] =	stream.indirect.scatter.add.f32 [tilespmem:s20], [sflag:$0x4], $0x40, s18, s19, $0xb8;
	[tilespmem:$0x1F000] =	vst v63  }
0x123: {  	_ =	swait.ge [sflag:s17], $0x2000  }
0x124: {  	[sflag:s17] =	ssyncset.done $0x0  }
0x125: {  	s7 =	simm.s32 $0x0;
	[sflag:s17] =	ssyncadd.s32 $0xFFFFE000  }
0x126: {  	[spmem:s3] =	stream.indirect.scatter.add.f32 [tilespmem:s21], [sflag:$0x4], $0x40, s7, s19, $0xb8;
	[tilespmem:$0x1F000] =	vst v63  }
0x127: {  	_ =	swait.ge [sflag:s17], $0x2000  }
0x128: {  	[sflag:s17] =	ssyncset.done $0x0  }
0x129: {  	[sflag:s17] =	ssyncadd.s32 $0xFFFFE000  }
0x12a: {  	[spmem:s4] =	stream.indirect.scatter.add.f32 [tilespmem:s22], [sflag:$0x3], $0x10, s18, s19, $0xb8;
	[tilespmem:$0x1F000] =	vst v63  }
0x12b: {  	s12 =	simm.s32 $0x100  }
0x12c: {  	[tilespmem:s20], [sflag:$0x1] =	stream.indirect.gather [hbm4b:s10+s19], $0x40, s12, s19, $0xb8;
	[tilespmem:$0x1F000] =	vst v63  }
0x12d: {  	s13 =	simm.s32 $0x5100  }
0x12e: {  	[tilespmem:s21], [sflag:$0x1] =	stream.indirect.gather [hbm4b:s11+s19], $0x40, s13, s19, $0xb8;
	[tilespmem:$0x1F000] =	vst v63  }
0x12f: {  	_ =	swait.ge [sflag:s30], $0x2000  }
0x130: {  	[sflag:s30] =	ssyncset.done $0x0  }
0x131: {  	[sflag:s30] =	ssyncadd.s32 $0xFFFFE000  }
0x132: {  	_ =	swait.ge [sflag:s30], $0x2000  }
0x133: {  	[sflag:s30] =	ssyncset.done $0x0  }
0x134: {  	[sflag:s30] =	ssyncadd.s32 $0xFFFFE000  }
0x135: {  	[spmem:s3] =	stream.indirect.scatter.add.f32 [tilespmem:s23], [sflag:$0x4], $0x40, s8, s19, $0xb8;
	[tilespmem:$0x1F000] =	vst v63  }
0x136: {  	_ =	swait.ge [sflag:s17], $0x2000  }
0x137: {  	[sflag:s17] =	ssyncset.done $0x0  }
0x138: {  	[sflag:s17] =	ssyncadd.s32 $0xFFFFE000  }
0x139: {  	[spmem:s3] =	stream.indirect.scatter.add.f32 [tilespmem:s25], [sflag:$0x4], $0x40, s19, s19, $0xb8;
	[tilespmem:$0x1F000] =	vst v63  }
0x13a: {  	_ =	swait.ge [sflag:s17], $0x2000  }
0x13b: {  	[sflag:s17] =	ssyncset.done $0x0  }
0x13c: {  	[sflag:s17] =	ssyncadd.s32 $0xFFFFE000  }
0x13d: {  	_ =	swait.ge [sflag:s31], $0x800  }
0x13e: {  	[sflag:s31] =	ssyncset.done $0x0  }
0x13f: {  	[sflag:s31] =	ssyncadd.s32 $0xFFFFF800  }
0x140: {  	[spmem:s4] =	stream.indirect.scatter.add.f32 [tilespmem:s22], [sflag:$0x3], $0x10, s8, s19, $0xb8;
	[tilespmem:$0x1F000] =	vst v63  }
0x141: {  	s14 =	simm.s32 $0x180  }
0x142: {  	[tilespmem:s23], [sflag:$0x2] =	stream.indirect.gather [hbm4b:s10+s19], $0x40, s14, s19, $0xb8;
	[tilespmem:$0x1F000] =	vst v63  }
0x143: {  	s7 =	simm.s32 $0x5180  }
0x144: {  	[tilespmem:s25], [sflag:$0x2] =	stream.indirect.gather [hbm4b:s11+s19], $0x40, s7, s19, $0xb8;
	[tilespmem:$0x1F000] =	vst v63  }
0x145: {  	_ =	swait.ge [sflag:s26], $0x2000  }
0x146: {  	[sflag:s26] =	ssyncset.done $0x0  }
0x147: {  	[sflag:s26] =	ssyncadd.s32 $0xFFFFE000  }
0x148: {  	_ =	swait.ge [sflag:s26], $0x2000  }
0x149: {  	[sflag:s26] =	ssyncset.done $0x0  }
0x14a: {  	s9 =	simm.s32 $0x5100;
	[sflag:s26] =	ssyncadd.s32 $0xFFFFE000  }
0x14b: {  	[spmem:s3] =	stream.indirect.scatter.add.f32 [tilespmem:s20], [sflag:$0x4], $0x40, s9, s19, $0xb8;
	[tilespmem:$0x1F000] =	vst v63  }
0x14c: {  	_ =	swait.ge [sflag:s17], $0x2000  }
0x14d: {  	[sflag:s17] =	ssyncset.done $0x0  }
0x14e: {  	s12 =	simm.s32 $0x100;
	[sflag:s17] =	ssyncadd.s32 $0xFFFFE000  }
0x14f: {  	[spmem:s3] =	stream.indirect.scatter.add.f32 [tilespmem:s21], [sflag:$0x4], $0x40, s12, s19, $0xb8;
	[tilespmem:$0x1F000] =	vst v63  }
0x150: {  	_ =	swait.ge [sflag:s17], $0x2000  }
0x151: {  	[sflag:s17] =	ssyncset.done $0x0  }
0x152: {  	[sflag:s17] =	ssyncadd.s32 $0xFFFFE000  }
0x153: {  	_ =	swait.ge [sflag:s31], $0x800  }
0x154: {  	[sflag:s31] =	ssyncset.done $0x0  }
0x155: {  	[sflag:s31] =	ssyncadd.s32 $0xFFFFF800  }
0x156: {  	[spmem:s4] =	stream.indirect.scatter.add.f32 [tilespmem:s22], [sflag:$0x3], $0x10, s9, s19, $0xb8;
	[tilespmem:$0x1F000] =	vst v63  }
0x157: {  	s15 =	simm.s32 $0x200  }
0x158: {  	[tilespmem:s20], [sflag:$0x1] =	stream.indirect.gather [hbm4b:s10+s19], $0x40, s15, s19, $0xb8;
	[tilespmem:$0x1F000] =	vst v63  }
0x159: {  	s16 =	simm.s32 $0x5200  }
0x15a: {  	[tilespmem:s21], [sflag:$0x1] =	stream.indirect.gather [hbm4b:s11+s19], $0x40, s16, s19, $0xb8;
	[tilespmem:$0x1F000] =	vst v63  }
0x15b: {  	_ =	swait.ge [sflag:s30], $0x2000  }
0x15c: {  	[sflag:s30] =	ssyncset.done $0x0  }
0x15d: {  	[sflag:s30] =	ssyncadd.s32 $0xFFFFE000  }
0x15e: {  	_ =	swait.ge [sflag:s30], $0x2000  }
0x15f: {  	[sflag:s30] =	ssyncset.done $0x0  }
0x160: {  	[sflag:s30] =	ssyncadd.s32 $0xFFFFE000  }
0x161: {  	[spmem:s3] =	stream.indirect.scatter.add.f32 [tilespmem:s23], [sflag:$0x4], $0x40, s7, s19, $0xb8;
	[tilespmem:$0x1F000] =	vst v63  }
0x162: {  	_ =	swait.ge [sflag:s17], $0x2000  }
0x163: {  	[sflag:s17] =	ssyncset.done $0x0  }
0x164: {  	[sflag:s17] =	ssyncadd.s32 $0xFFFFE000  }
0x165: {  	[spmem:s3] =	stream.indirect.scatter.add.f32 [tilespmem:s25], [sflag:$0x4], $0x40, s14, s19, $0xb8;
	[tilespmem:$0x1F000] =	vst v63  }
0x166: {  	_ =	swait.ge [sflag:s17], $0x2000  }
0x167: {  	[sflag:s17] =	ssyncset.done $0x0  }
0x168: {  	[sflag:s17] =	ssyncadd.s32 $0xFFFFE000  }
0x169: {  	_ =	swait.ge [sflag:s31], $0x800  }
0x16a: {  	[sflag:s31] =	ssyncset.done $0x0  }
0x16b: {  	s8 =	simm.s32 $0x100;
	s9 =	simm.s32 $0x800;
	[sflag:s31] =	ssyncadd.s32 $0xFFFFF800  }
.LBB2_3:
0x16c: {  	[spmem:s4] =	stream.indirect.scatter.add.f32 [tilespmem:s22], [sflag:$0x3], $0x10, s7, s19, $0xb8;
	[tilespmem:$0x1F000] =	vst v63  }
0x16d: {  	s7 =	smov.u32 s9  }
0x16e: {  	s13 =	sadd.s32 $0x400, s9;
	s12 =	sadd.s32 $0x180, s8;
	s14 =	sshra.s32 s7, $0x2  }
0x16f: {  	[tilespmem:s23], [sflag:$0x2] =	stream.indirect.gather [hbm4b:s10+s19], $0x40, s12, s19, $0xb8;
	[tilespmem:$0x1F000] =	vst v63  }
0x170: {  	p1 =	seq.s32 s9, $0x13400;
	s7 =	sadd.s32 $0x5180, s8  }
0x171: {  	[tilespmem:s25], [sflag:$0x2] =	stream.indirect.gather [hbm4b:s11+s19], $0x40, s7, s19, $0xb8;
	[tilespmem:$0x1F000] =	vst v63  }
0x172: {  	_ =	swait.ge [sflag:s26], $0x2000  }
0x173: {  	[sflag:s26] =	ssyncset.done $0x0  }
0x174: {  	[sflag:s26] =	ssyncadd.s32 $0xFFFFE000  }
0x175: {  	_ =	swait.ge [sflag:s26], $0x2000  }
0x176: {  	[sflag:s26] =	ssyncset.done $0x0  }
0x177: {  	s9 =	sadd.s32 $0x5100, s8;
	[sflag:s26] =	ssyncadd.s32 $0xFFFFE000  }
0x178: {  	[spmem:s3] =	stream.indirect.scatter.add.f32 [tilespmem:s20], [sflag:$0x4], $0x40, s9, s19, $0xb8;
	[tilespmem:$0x1F000] =	vst v63  }
0x179: {  	_ =	swait.ge [sflag:s17], $0x2000  }
0x17a: {  	[sflag:s17] =	ssyncset.done $0x0  }
0x17b: {  	s15 =	sadd.s32 $0x100, s8;
	[sflag:s17] =	ssyncadd.s32 $0xFFFFE000  }
0x17c: {  	[spmem:s3] =	stream.indirect.scatter.add.f32 [tilespmem:s21], [sflag:$0x4], $0x40, s15, s19, $0xb8;
	[tilespmem:$0x1F000] =	vst v63  }
0x17d: {  	_ =	swait.ge [sflag:s17], $0x2000  }
0x17e: {  	[sflag:s17] =	ssyncset.done $0x0  }
0x17f: {  	[sflag:s17] =	ssyncadd.s32 $0xFFFFE000  }
0x180: {  	_ =	swait.ge [sflag:s31], $0x800  }
0x181: {  	[sflag:s31] =	ssyncset.done $0x0  }
0x182: {  	[sflag:s31] =	ssyncadd.s32 $0xFFFFF800  }
0x183: {  	[spmem:s4] =	stream.indirect.scatter.add.f32 [tilespmem:s22], [sflag:$0x3], $0x10, s9, s19, $0xb8;
	[tilespmem:$0x1F000] =	vst v63  }
0x184: {  	s9 =	sadd.s32 $0x200, s8  }
0x185: {  	[tilespmem:s20], [sflag:$0x1] =	stream.indirect.gather [hbm4b:s10+s19], $0x40, s9, s19, $0xb8;
	[tilespmem:$0x1F000] =	vst v63  }
0x186: {  	s9 =	sadd.s32 $0x5200, s8;
	s8 =	smov.u32 s14  }
0x187: {  	[tilespmem:s21], [sflag:$0x1] =	stream.indirect.gather [hbm4b:s11+s19], $0x40, s9, s19, $0xb8;
	[tilespmem:$0x1F000] =	vst v63  }
0x188: {  	_ =	swait.ge [sflag:s30], $0x2000  }
0x189: {  	[sflag:s30] =	ssyncset.done $0x0  }
0x18a: {  	[sflag:s30] =	ssyncadd.s32 $0xFFFFE000  }
0x18b: {  	_ =	swait.ge [sflag:s30], $0x2000  }
0x18c: {  	[sflag:s30] =	ssyncset.done $0x0  }
0x18d: {  	[sflag:s30] =	ssyncadd.s32 $0xFFFFE000  }
0x18e: {  	[spmem:s3] =	stream.indirect.scatter.add.f32 [tilespmem:s23], [sflag:$0x4], $0x40, s7, s19, $0xb8;
	[tilespmem:$0x1F000] =	vst v63  }
0x18f: {  	_ =	swait.ge [sflag:s17], $0x2000  }
0x190: {  	[sflag:s17] =	ssyncset.done $0x0  }
0x191: {  	[sflag:s17] =	ssyncadd.s32 $0xFFFFE000  }
0x192: {  	[spmem:s3] =	stream.indirect.scatter.add.f32 [tilespmem:s25], [sflag:$0x4], $0x40, s12, s19, $0xb8;
	[tilespmem:$0x1F000] =	vst v63  }
0x193: {  	_ =	swait.ge [sflag:s17], $0x2000  }
.Ltmp5:
0x194: {  	[sflag:s17] =	ssyncset.done $0x0;
	(pc) =	sbr.rel @!p1 .LBB2_3-.Ltmp5, $4  }
0x195: {  	[sflag:s17] =	ssyncadd.s32 $0xFFFFE000  }
0x196: {  	_ =	swait.ge [sflag:s31], $0x800  }
0x197: {  	[sflag:s31] =	ssyncset.done $0x0  }
0x198: {  	s9 =	smov.u32 s13;
	[sflag:s31] =	ssyncadd.s32 $0xFFFFF800  }
0x199: {  	[spmem:s4] =	stream.indirect.scatter.add.f32 [tilespmem:s22], [sflag:$0x3], $0x10, s7, s19, $0xb8;
	[tilespmem:$0x1F000] =	vst v63  }
0x19a: {  	s16 =	sadd.s32 $0x180, s8  }
0x19b: {  	[tilespmem:s23], [sflag:$0x2] =	stream.indirect.gather [hbm4b:s10+s19], $0x40, s16, s19, $0xb8;
	[tilespmem:$0x1F000] =	vst v63  }
0x19c: {  	s9 =	sadd.s32 $0x5180, s8  }
0x19d: {  	[tilespmem:s25], [sflag:$0x2] =	stream.indirect.gather [hbm4b:s11+s19], $0x40, s9, s19, $0xb8;
	[tilespmem:$0x1F000] =	vst v63  }
0x19e: {  	_ =	swait.ge [sflag:s26], $0x2000  }
0x19f: {  	[sflag:s26] =	ssyncset.done $0x0  }
0x1a0: {  	[sflag:s26] =	ssyncadd.s32 $0xFFFFE000  }
0x1a1: {  	_ =	swait.ge [sflag:s26], $0x2000  }
0x1a2: {  	[sflag:s26] =	ssyncset.done $0x0  }
0x1a3: {  	s12 =	sadd.s32 $0x5100, s8;
	[sflag:s26] =	ssyncadd.s32 $0xFFFFE000  }
0x1a4: {  	[spmem:s3] =	stream.indirect.scatter.add.f32 [tilespmem:s20], [sflag:$0x4], $0x40, s12, s19, $0xb8;
	[tilespmem:$0x1F000] =	vst v63  }
0x1a5: {  	_ =	swait.ge [sflag:s17], $0x2000  }
0x1a6: {  	[sflag:s17] =	ssyncset.done $0x0  }
0x1a7: {  	s13 =	sadd.s32 $0x100, s8;
	[sflag:s17] =	ssyncadd.s32 $0xFFFFE000  }
0x1a8: {  	[spmem:s3] =	stream.indirect.scatter.add.f32 [tilespmem:s21], [sflag:$0x4], $0x40, s13, s19, $0xb8;
	[tilespmem:$0x1F000] =	vst v63  }
0x1a9: {  	_ =	swait.ge [sflag:s17], $0x2000  }
0x1aa: {  	[sflag:s17] =	ssyncset.done $0x0  }
0x1ab: {  	[sflag:s17] =	ssyncadd.s32 $0xFFFFE000  }
0x1ac: {  	_ =	swait.ge [sflag:s31], $0x800  }
0x1ad: {  	[sflag:s31] =	ssyncset.done $0x0  }
0x1ae: {  	[sflag:s31] =	ssyncadd.s32 $0xFFFFF800  }
0x1af: {  	[spmem:s4] =	stream.indirect.scatter.add.f32 [tilespmem:s22], [sflag:$0x3], $0x10, s12, s19, $0xb8;
	[tilespmem:$0x1F000] =	vst v63  }
0x1b0: {  	s13 =	sadd.s32 $0x200, s8  }
0x1b1: {  	[tilespmem:s20], [sflag:$0x1] =	stream.indirect.gather [hbm4b:s10+s19], $0x40, s13, s19, $0xb8;
	[tilespmem:$0x1F000] =	vst v63  }
0x1b2: {  	s14 =	sadd.s32 $0x5200, s8  }
0x1b3: {  	[tilespmem:s21], [sflag:$0x1] =	stream.indirect.gather [hbm4b:s11+s19], $0x40, s14, s19, $0xb8;
	[tilespmem:$0x1F000] =	vst v63  }
0x1b4: {  	_ =	swait.ge [sflag:s30], $0x2000  }
0x1b5: {  	[sflag:s30] =	ssyncset.done $0x0  }
0x1b6: {  	[sflag:s30] =	ssyncadd.s32 $0xFFFFE000  }
0x1b7: {  	_ =	swait.ge [sflag:s30], $0x2000  }
0x1b8: {  	[sflag:s30] =	ssyncset.done $0x0  }
0x1b9: {  	[sflag:s30] =	ssyncadd.s32 $0xFFFFE000  }
0x1ba: {  	[spmem:s3] =	stream.indirect.scatter.add.f32 [tilespmem:s23], [sflag:$0x4], $0x40, s9, s19, $0xb8;
	[tilespmem:$0x1F000] =	vst v63  }
0x1bb: {  	_ =	swait.ge [sflag:s17], $0x2000  }
0x1bc: {  	[sflag:s17] =	ssyncset.done $0x0  }
0x1bd: {  	[sflag:s17] =	ssyncadd.s32 $0xFFFFE000  }
0x1be: {  	[spmem:s3] =	stream.indirect.scatter.add.f32 [tilespmem:s25], [sflag:$0x4], $0x40, s16, s19, $0xb8;
	[tilespmem:$0x1F000] =	vst v63  }
0x1bf: {  	_ =	swait.ge [sflag:s17], $0x2000  }
0x1c0: {  	[sflag:s17] =	ssyncset.done $0x0  }
0x1c1: {  	[sflag:s17] =	ssyncadd.s32 $0xFFFFE000  }
0x1c2: {  	_ =	swait.ge [sflag:s31], $0x800  }
0x1c3: {  	[sflag:s31] =	ssyncset.done $0x0  }
0x1c4: {  	[sflag:s31] =	ssyncadd.s32 $0xFFFFF800  }
0x1c5: {  	[spmem:s4] =	stream.indirect.scatter.add.f32 [tilespmem:s22], [sflag:$0x3], $0x10, s9, s19, $0xb8;
	[tilespmem:$0x1F000] =	vst v63  }
0x1c6: {  	_ = 	snop  }
0x1c7: {  	[tilespmem:s23], [sflag:$0x2] =	stream.indirect.gather [hbm4b:s10+s19], $0x40, s2, s19, $0xb8;
	[tilespmem:$0x1F000] =	vst v63  }
0x1c8: {  	_ = 	snop  }
0x1c9: {  	[tilespmem:s25], [sflag:$0x2] =	stream.indirect.gather [hbm4b:s11+s19], $0x40, s1, s19, $0xb8;
	[tilespmem:$0x1F000] =	vst v63  }
0x1ca: {  	_ =	swait.ge [sflag:s26], $0x2000  }
0x1cb: {  	[sflag:s26] =	ssyncset.done $0x0  }
0x1cc: {  	[sflag:s26] =	ssyncadd.s32 $0xFFFFE000  }
0x1cd: {  	_ =	swait.ge [sflag:s26], $0x2000  }
0x1ce: {  	[sflag:s26] =	ssyncset.done $0x0  }
0x1cf: {  	s15 =	simm.s32 $0x9F00;
	[sflag:s26] =	ssyncadd.s32 $0xFFFFE000  }
0x1d0: {  	[spmem:s3] =	stream.indirect.scatter.add.f32 [tilespmem:s20], [sflag:$0x4], $0x40, s15, s19, $0xb8;
	[tilespmem:$0x1F000] =	vst v63  }
0x1d1: {  	_ =	swait.ge [sflag:s17], $0x2000  }
0x1d2: {  	[sflag:s17] =	ssyncset.done $0x0  }
0x1d3: {  	[sflag:s17] =	ssyncadd.s32 $0xFFFFE000  }
0x1d4: {  	[spmem:s3] =	stream.indirect.scatter.add.f32 [tilespmem:s21], [sflag:$0x4], $0x40, s24, s19, $0xb8;
	[tilespmem:$0x1F000] =	vst v63  }
0x1d5: {  	_ =	swait.ge [sflag:s17], $0x2000  }
0x1d6: {  	[sflag:s17] =	ssyncset.done $0x0  }
0x1d7: {  	[sflag:s17] =	ssyncadd.s32 $0xFFFFE000  }
0x1d8: {  	_ =	swait.ge [sflag:s31], $0x800  }
0x1d9: {  	[sflag:s31] =	ssyncset.done $0x0  }
0x1da: {  	[sflag:s31] =	ssyncadd.s32 $0xFFFFF800  }
0x1db: {  	[spmem:s4] =	stream.indirect.scatter.add.f32 [tilespmem:s22], [sflag:$0x3], $0x10, s15, s19, $0xb8;
	[tilespmem:$0x1F000] =	vst v63  }
0x1dc: {  	_ =	swait.ge [sflag:s30], $0x2000  }
0x1dd: {  	[sflag:s30] =	ssyncset.done $0x0  }
0x1de: {  	[sflag:s30] =	ssyncadd.s32 $0xFFFFE000  }
0x1df: {  	_ =	swait.ge [sflag:s30], $0x2000  }
0x1e0: {  	[sflag:s30] =	ssyncset.done $0x0  }
0x1e1: {  	[sflag:s30] =	ssyncadd.s32 $0xFFFFE000  }
0x1e2: {  	[spmem:s3] =	stream.indirect.scatter.add.f32 [tilespmem:s23], [sflag:$0x4], $0x40, s1, s19, $0xb8;
	[tilespmem:$0x1F000] =	vst v63  }
0x1e3: {  	_ =	swait.ge [sflag:s17], $0x2000  }
0x1e4: {  	[sflag:s17] =	ssyncset.done $0x0  }
0x1e5: {  	[sflag:s17] =	ssyncadd.s32 $0xFFFFE000  }
0x1e6: {  	[spmem:s3] =	stream.indirect.scatter.add.f32 [tilespmem:s25], [sflag:$0x4], $0x40, s2, s19, $0xb8;
	[tilespmem:$0x1F000] =	vst v63  }
0x1e7: {  	_ =	swait.ge [sflag:s17], $0x2000  }
0x1e8: {  	[sflag:s17] =	ssyncset.done $0x0  }
.Ltmp6:
0x1e9: {  	[sflag:s17] =	ssyncadd.s32 $0xFFFFE000;
	(pc) =	sbr.rel .LBB2_8-.Ltmp6, $4  }
0x1ea: {  	_ =	swait.ge [sflag:s31], $0x800  }
0x1eb: {  	[sflag:s31] =	ssyncset.done $0x0  }
0x1ec: {  	s16 =	simm.s32 $0x9F00;
	s15 =	stileid.u32;
	[sflag:s31] =	ssyncadd.s32 $0xFFFFF800  }
0x1ed: {  	[spmem:s4] =	stream.indirect.scatter.add.f32 [tilespmem:s22], [sflag:$0x3], $0x10, s1, s19, $0xb8;
	[tilespmem:$0x1F000] =	vst v63  }
.LBB2_9:
0x1ee: {  	_ =	sfence.sel $0x180000  }
0x1ef: {  	[bflag:$0x0] =	sbarrier.arrive $0xFFFF  }
0x1f0: {  	_ =	strace $0x9000004A  }
0x1f1: {  	[bflag:$0x2] =	sbarrier.arrive $0xFFFF  }
0x1f2: {  	p0 =	sne.s32 s15, $0x0;
	s0 =	rddreg [dreg:$0x4]  }
0x1f3: {  	s0 =	sadd.s32 @!p0 $0x100000, s0  }
0x1f4: {  	[sflag:s0] =	ssyncadd.tile.s32 @!p0 $0x1;
	_ =	shalt  }
.Lfunc_end2:
_tile_overlayer_lowered:
.L_overlay_start_2:
0x1f5: {  	(tag) =	ssettag $0x2  }
0x1f6: {  	s0 =	rddreg [dreg:$0x0];
	s2 =	stileid.u32  }
0x1f7: {  	s1 =	rddreg [dreg:$0x1];
	p0 =	sne.s32 s2, $0x0  }
0x1f8: {  	s3 =	rddreg [dreg:$0x2];
	[bflag:$0x3] =	sbarrier.arrive $0xFFFF;
	s2 =	simm.s32 @!p0 $0x1C04  }
0x1f9: {  	[timem:s3], [sflag:s2] =	dma.local @!p0 [hbm:s0], s1  }
0x1fa: {  	s0 =	simm.s32 @!p0 $0x4  }
0x1fb: {  	_ =	swait.ge @!p0 [sflag:s0], s1  }
0x1fc: {  	s1 =	ssub.s32 @!p0 $0x0, s1;
	[sflag:s0] =	ssyncset.done @!p0 $0x0  }
0x1fd: {  	[sflag:s0] =	ssyncadd.s32 @!p0 s1  }
0x1fe: {  	[bflag:$0x3] =	sbarrier.arrive $0xFFFF  }
0x1ff: {  	_ =	shalt  }

// kernel: kernel.14.cloned.1.call-start
scs
__scs_entry_jumppad:
0x0: {  	(pc) =	sbr.rel $0x88, $3  }
0x1: {  	(tag) =	ssettag $0x0;
	lr =	simm.s32 $0x1  }
0x2: {  	[smem:$0x3F95] =	sst lr;
	_ =	strace $0xD0000000  }
0x3: {  	_ = 	snop  }
0x4: {  	_ = 	snop  }
0x5: {  	_ = 	snop  }
0x6: {  	_ = 	snop  }
0x7: {  	_ = 	snop  }
__scs_overlays_trampoline_lowered:
0x8: {  	[smem:$0x3FA4] =	sst s0  }
0x9: {  	[smem:$0x3FA5] =	sst s1  }
0xa: {  	[smem:$0x3FA6] =	sst s2  }
0xb: {  	[smem:$0x3FA7] =	sst s3  }
0xc: {  	[smem:$0x3FA8] =	sst s4  }
0xd: {  	[smem:$0x3FA9] =	sst s5  }
0xe: {  	[smem:$0x3FAA] =	sst s6  }
0xf: {  	[smem:$0x3FAB] =	sst s7  }
0x10: {  	[smem:$0x3FAC] =	sst s8  }
0x11: {  	[smem:$0x3FAD] =	sst s9;
	s0 =	simm.s32 @!p0 $0x0  }
0x12: {  	s1 =	sld [smem:$0x3F93];
	s0 =	simm.s32 @p0 $0x1  }
0x13: {  	[smem:$0x3FAE] =	sst s0;
	s0 =	simm.s32 @!p1 $0x0  }
0x14: {  	s2 =	sld [smem:$0x3F92];
	s0 =	simm.s32 @p1 $0x1  }
0x15: {  	[smem:$0x3FAF] =	sst s0;
	s0 =	simm.s32 @!p2 $0x0  }
0x16: {  	s3 =	sld [smem:$0x3FDB];
	s0 =	simm.s32 @p2 $0x1  }
0x17: {  	s4 =	simm.s32 $0x1BF5;
	[smem:$0x3FB1] =	sst s0  }
0x18: {  	s0 =	sld [smem:$0x3F94];
	_ =	swait.ge [sflag:s4], $0x0  }
0x19: {  	s7 =	sld [smem:$0x3F95]  }
0x1a: {  	s8 =	sadd.s32 $0xFFFFE003, lr  }
0x1b: {  	s9 =	sadd.s32 $0xFFFFFEF7, lr;
	s5 =	simm.s32 $0xFFFFFFFF;
	p2 =	slt.u32 s8, $0xFFFFF086  }
0x1c: {  	p1 =	slt.u32 s9, $0xF7A;
	s5 =	simm.s32 @!p2 $0x0  }
0x1d: {  	s5 =	simm.s32 @p1 $0x1;
	p0 =	seq.s32 s7, s2  }
0x1e: {  	s7 =	smul.u32 @!p0 $0xF7A, s2;
	p2 =	seq.s32 @!p0 s5, $0x0  }
0x1f: {  	s9 =	smul.u32 $0xF7A, s1;
	s8 =	simm.s32 @!p0 $0x1BF5;
	p2 =	por !p2, p0  }
0x20: {  	[sflag:s8] =	ssyncset.s32 @!p0 $0xFFFFF086;
	s6 =	sadd.s32 @!p0 s3, s7;
	s7 =	simm.s32 @!p0 $0x108  }
0x21: {  	s3 =	sadd.s32 s3, s9;
	s6 =	sadd.s32 @!p0 $0x88, s6;
	s7 =	simm.s32 @p2 $0x1082  }
0x22: {  	[simem:s7], [sflag:s8] =	dma.local @!p0 [hbm:s6], $0xF7A  }
0x23: {  	s9 =	sor.u32 $0xD0000000, s2;
	s6 =	simm.s32 $0x108;
	_ =	swait.ge @!p0 [sflag:s8], $0x0  }
0x24: {  	s3 =	sadd.s32 $0x88, s3;
	s6 =	simm.s32 @!p1 $0x1082;
	[sflag:s4] =	ssyncset.s32 $0xFFFFF086  }
0x25: {  	[simem:s6], [sflag:s4] =	dma.local [hbm:s3], $0xF7A  }
0x26: {  	[smem:$0x3F95] =	sst s1;
	(tag) =	ssettag s2;
	_ =	strace s9  }
0x27: {  	s1 =	sld [smem:$0x3FA5]  }
0x28: {  	s2 =	sld [smem:$0x3FA6]  }
0x29: {  	s4 =	sld [smem:$0x3FA8]  }
0x2a: {  	p0 =	seq.s32 s5, $0x0;
	s5 =	sld [smem:$0x3FA9]  }
0x2b: {  	s6 =	sld [smem:$0x3FAA]  }
0x2c: {  	s7 =	sld [smem:$0x3FAB]  }
0x2d: {  	s3 =	simm.s32 $0x108;
	s8 =	sld [smem:$0x3FAC]  }
0x2e: {  	s3 =	simm.s32 @!p0 $0x1082;
	s9 =	sld [smem:$0x3FAD]  }
0x2f: {  	lr =	sadd.s32 s0, s3;
	s0 =	sld [smem:$0x3FA4]  }
0x30: {  	s3 =	sld [smem:$0x3FA7]  }
0x31: {  	[smem:$0x3FB0] =	sst s10  }
0x32: {  	s10 =	sld [smem:$0x3FAE];
	_ =	sdelay $0x3  }
0x33: {  	p0 =	seq.s32 s10, $0x1;
	s10 =	sld [smem:$0x3FB0];
	_ =	sdelay $0x3  }
0x34: {  	[smem:$0x3FB0] =	sst s10  }
0x35: {  	s10 =	sld [smem:$0x3FAF];
	_ =	sdelay $0x3  }
0x36: {  	p1 =	seq.s32 s10, $0x1;
	s10 =	sld [smem:$0x3FB0];
	_ =	sdelay $0x3  }
0x37: {  	[smem:$0x3FB0] =	sst s10  }
0x38: {  	s10 =	sld [smem:$0x3FB1]  }
0x39: {  	_ = 	snop;
	(pc) =	sbr.ind lr, $3  }
0x3a: {  	_ = 	snop  }
0x3b: {  	_ = 	snop  }
0x3c: {  	p2 =	seq.s32 s10, $0x1;
	s10 =	sld [smem:$0x3FB0]  }
0x3d: {  	_ =	shalt  }
0x3e: {  	_ =	shalt  }
0x3f: {  	_ =	shalt  }
0x40: {  	_ =	shalt  }
0x41: {  	_ =	shalt  }
0x42: {  	_ =	shalt  }
0x43: {  	_ =	shalt  }
0x44: {  	_ =	shalt  }
0x45: {  	_ =	shalt  }
0x46: {  	_ =	shalt  }
0x47: {  	_ =	shalt  }
0x48: {  	_ =	shalt  }
0x49: {  	_ =	shalt  }
0x4a: {  	_ =	shalt  }
0x4b: {  	_ =	shalt  }
0x4c: {  	_ =	shalt  }
0x4d: {  	_ =	shalt  }
0x4e: {  	_ =	shalt  }
0x4f: {  	_ =	shalt  }
0x50: {  	_ =	shalt  }
0x51: {  	_ =	shalt  }
0x52: {  	_ =	shalt  }
0x53: {  	_ =	shalt  }
0x54: {  	_ =	shalt  }
0x55: {  	_ =	shalt  }
0x56: {  	_ =	shalt  }
0x57: {  	_ =	shalt  }
0x58: {  	_ =	shalt  }
0x59: {  	_ =	shalt  }
0x5a: {  	_ =	shalt  }
0x5b: {  	_ =	shalt  }
0x5c: {  	_ =	shalt  }
0x5d: {  	_ =	shalt  }
0x5e: {  	_ =	shalt  }
0x5f: {  	_ =	shalt  }
0x60: {  	_ =	shalt  }
0x61: {  	_ =	shalt  }
0x62: {  	_ =	shalt  }
0x63: {  	_ =	shalt  }
0x64: {  	_ =	shalt  }
0x65: {  	_ =	shalt  }
0x66: {  	_ =	shalt  }
0x67: {  	_ =	shalt  }
0x68: {  	_ =	shalt  }
0x69: {  	_ =	shalt  }
0x6a: {  	_ =	shalt  }
0x6b: {  	_ =	shalt  }
0x6c: {  	_ =	shalt  }
0x6d: {  	_ =	shalt  }
0x6e: {  	_ =	shalt  }
0x6f: {  	_ =	shalt  }
0x70: {  	_ =	shalt  }
0x71: {  	_ =	shalt  }
0x72: {  	_ =	shalt  }
0x73: {  	_ =	shalt  }
0x74: {  	_ =	shalt  }
0x75: {  	_ =	shalt  }
0x76: {  	_ =	shalt  }
0x77: {  	_ =	shalt  }
0x78: {  	_ =	shalt  }
0x79: {  	_ =	shalt  }
0x7a: {  	_ =	shalt  }
0x7b: {  	_ =	shalt  }
0x7c: {  	_ =	shalt  }
0x7d: {  	_ =	shalt  }
0x7e: {  	_ =	shalt  }
0x7f: {  	_ =	shalt  }
0x80: {  	_ =	shalt  }
0x81: {  	_ =	shalt  }
0x82: {  	_ =	shalt  }
0x83: {  	_ =	shalt  }
0x84: {  	_ =	shalt  }
0x85: {  	_ =	shalt  }
0x86: {  	_ =	shalt  }
0x87: {  	_ =	shalt  }
.Lfunc_end0:
.L_simem_size_0:
called_computation.2_lowered:
.L_overlay_start_0:
0x88: {  	s2 =	sld [smem:$0x3FD9]  }
0x89: {  	s3 =	sld [smem:$0x3FFE];
	_ =	sdelay $0x1  }
0x8a: {  	s1 =	srdreg.scid  }
0x8b: {  	s0 =	sand.u32 $0x1, s1  }
0x8c: {  	s16 =	sshll.u32 s0, $0xA;
	s2 =	sadd.s32 s3, s2  }
0x8d: {  	s2 =	sadd.s32 s2, s16  }
0x8e: {  	[smem:$0x3FBC] =	sst s2  }
0x8f: {  	_ = 	snop  }
0x90: {  	(tm) =	ssettm $0x1  }
0x91: {  	s17 =	sld [smem:$0x3FFB];
	_ =	sdelay $0x3  }
0x92: {  	_ =	strace s17  }
0x93: {  	s2 =	sld [smem:$0x3FFC];
	_ =	sdelay $0x3  }
0x94: {  	_ =	strace s2  }
0x95: {  	s2 =	sld [smem:$0x3FFD];
	_ =	sdelay $0x3  }
0x96: {  	_ =	strace s2  }
0x97: {  	_ =	strace $0x8FFFFFFF  }
0x98: {  	s18 =	sld [smem:$0x3FDB];
	_ =	sdelay $0x1  }
0x99: {  	s19 =	simm.s32 $_scs_section_size  }
0x9a: {  	s4 =	simm.s32 $_size__tile_overlayer_lowered;
	s5 =	simm.s32 $_tile_overlayer_lowered  }
0x9b: {  	s22 =	simm.s32 $0x1BFF;
	s21 =	sshll.u32 s5, $0x1;
	s2 =	sadd.s32 s19, s18  }
0x9c: {  	s6 =	simm.s32 $0x0;
	s20 =	sshll.u32 s4, $0x1;
	s4 =	sadd.s32 s21, s2  }
0x9d: {  	[timem:s6], [sflag:s22] =	dma.local [hbm:s4], s20  }
0x9e: {  	_ =	swait.ge [sflag:s22], s20  }
0x9f: {  	s3 =	ssub.s32 $0x0, s20;
	[sflag:s22] =	ssyncset.done $0x0  }
0xa0: {  	[sflag:s22] =	ssyncadd.s32 s3;
	_ =	sdelay $0x1  }
0xa1: {  	s23 =	simm.s32 $0x1B8B  }
0xa2: {  	_ =	swait.ge [sflag:s23], $0x1  }
0xa3: {  	[sflag:s23] =	ssyncset.done $0x0  }
0xa4: {  	s25 =	simm.s32 $0x1B8E;
	s24 =	sld [smem:$0x3FFE];
	[sflag:s23] =	ssyncadd.s32 $0xFFFFFFFF  }
0xa5: {  	s26 =	simm.s32 $execute0_lowered;
	[smem:$0x3FD2] =	sst s25  }
0xa6: {  	s4 =	sshll.u32 s26, $0x1;
	_ =	strace $0x8000004C;
	[dreg:$0x1] =	wrdreg $0xFFFFFFFF  }
0xa7: {  	s28 =	simm.s32 $_size_execute0_lowered;
	s2 =	sadd.s32 s2, s4;
	[dreg:$0x0] =	wrdreg $0x0  }
0xa8: {  	s4 =	sshll.u32 s28, $0x1;
	[dreg:$0x2] =	wrdreg s2  }
0xa9: {  	[dreg:$0x3] =	wrdreg s4  }
0xaa: {  	[dreg:$0x4] =	wrdreg $0xC0  }
0xab: {  	_ =	task [dreg:s6], $0x5FFFF  }
0xac: {  	[dreg:$0x1] =	wrdreg $0xFFFFFFFF  }
0xad: {  	[dreg:$0x0] =	wrdreg $0x60  }
0xae: {  	[dreg:$0x2] =	wrdreg s24  }
0xaf: {  	[dreg:$0x3] =	wrdreg $0x120000  }
0xb0: {  	[dreg:$0x4] =	wrdreg $0x9  }
0xb1: {  	_ =	task.clear_ibuf [dreg:s6], $0x5FFFF;
	_ =	strace $0x9000004C  }
0xb2: {  	s29 =	simm.s32 $0x9;
	_ =	strace $0x8000004E  }
0xb3: {  	_ =	swait.ge [sflag:s29], $0x1  }
0xb4: {  	[sflag:s29] =	ssyncadd.s32 $0xFFFFFFFF  }
0xb5: {  	_ =	strace $0x9000004E  }
0xb6: {  	_ =	sfence  }
0xb7: {  	s30 =	sld [smem:$0x0];
	_ =	sdelay $0x2  }
0xb8: {  	s31 =	sshll.u32 s1, $0xD;
	s1 =	sshrl.u32 s1, $0x2  }
0xb9: {  	s3 =	sand.u32 $0x4000, s31;
	s1 =	sadd.s32 s1, s30  }
0xba: {  	s0 =	sor.u32 s3, s0;
	s1 =	sshll.u32 s1, $0x11  }
0xbb: {  	s0 =	sor.u32 s1, s0  }
0xbc: {  	s0 =	sadd.s32 $0x8F2B, s0  }
0xbd: {  	[sflag:s0] =	ssyncadd.remote.s32 $0x1  }
0xbe: {  	_ =	sfence.sel $0xFFFF  }
0xbf: {  	[dreg:$0x0] =	wrdreg $0xFFFFFFFF;
	(pc) =	sbr.abs _section_cstart, $3  }
0xc0: {  	[dreg:$0x1] =	wrdreg $0xFFFFFFFF  }
0xc1: {  	_ =	task.clear_ibuf [dreg:s6], $0x2FFFF;
	_ =	strace $0x9FFFFFFF  }
0xc2: {  	(tm) =	ssettm $0x7FFFFFFF  }
0xc3: {  	_ =	shalt  }
tec
execute0_lowered:
.L_overlay_start_1:
0x0: {  	(tag) =	ssettag $0x1  }
0x1: {  	s1 =	rddreg [dreg:$0x0]  }
0x2: {  	s0 =	stileid.u32;
	s3 =	srdreg.scid  }
0x3: {  	s2 =	rddreg [dreg:$0x1];
	s11 =	simm.s32 $0x3;
	s12 =	simm.s32 $0x5000  }
0x4: {  	s13 =	simm.s32 $0x80;
	s14 =	simm.s32 $0xA000;
	s15 =	simm.s32 $0xE000  }
0x5: {  	s18 =	simm.s32 $0xC000;
	s19 =	simm.s32 $0x10000;
	s20 =	simm.s32 $0x1  }
0x6: {  	s21 =	simm.s32 $0x2;
	s22 =	simm.s32 $0x4F80;
	s23 =	simm.s32 $0x9F80  }
0x7: {  	s24 =	simm.s32 $0x9F00;
	s25 =	simm.s32 $0x4F00;
	s4 =	smul.u32 $0xA00, s0  }
0x8: {  	s26 =	simm.s32 $0x0;
	s5 =	sand.u32 $0x1, s3;
	s9 =	smul.u32 $0xA000, s0  }
0x9: {  	s3 =	simm.s32 $0x0;
	s31 =	sshll.u32 s0, $0x6;
	s6 =	smul.u32 $0xA0000, s5  }
0xa: {  	[smem:$0x7FF] =	sst s3;
	s5 =	ssub.s32 $0x2, s5;
	s16 =	sor.u32 $0x1C03, s31  }
0xb: {  	_ =	strace $0x8000004D;
	s7 =	sadd.s32 s4, s1;
	s10 =	sshrl.u32 s5, $0x1  }
0xc: {  	s4 =	sadd.s32 $0x66C00, s1;
	s17 =	sadd.s32 s9, s2;
	s30 =	sshrl.u32 s6, $0x3  }
0xd: {  	s6 =	sadd.s32 s9, s6;
	s10 =	ssub.s32 s5, s10;
	s5 =	sadd.s32 $0x34C00, s7  }
0xe: {  	s17 =	sshrl.u32 s17, $0x3;
	s8 =	sadd.s32 s30, s1;
	s6 =	sshrl.u32 s6, $0x3  }
0xf: {  	s10 =	smax.u32 s10, $0x1;
	s1 =	sadd.s32 s6, s1;
	s6 =	sadd.s32 $0x2AC00, s7  }
0x10: {  	s7 =	sadd.s32 $0x2400, s8;
	s8 =	sadd.s32 $0x3EC00, s8;
	s9 =	sadd.s32 $0x68000, s1  }
.LBB2_1:
0x11: {  	[tilespmem:s3], [sflag:$0x3] =	stream.linear.gather [hbm4b:s5+s3], $0x5000, $0x38;
	[tilespmem:$0x1C000] =	vst v63  }
0x12: {  	_ =	swait.ge [sflag:s11], $0x5000  }
0x13: {  	[sflag:s11] =	ssyncset.done $0x0  }
0x14: {  	[sflag:s11] =	ssyncadd.s32 $0xFFFFB000  }
0x15: {  	[tilespmem:s12], [sflag:$0x3] =	stream.linear.gather [hbm4b:s6+s3], $0x5000, $0x38;
	[tilespmem:$0x1C000] =	vst v63  }
0x16: {  	_ =	swait.ge [sflag:s11], $0x5000  }
0x17: {  	[sflag:s11] =	ssyncset.done $0x0  }
0x18: {  	[sflag:s11] =	ssyncadd.s32 $0xFFFFB000  }
0x19: {  	[tilespmem:s14], [sflag:$0x1] =	stream.indirect.gather [hbm4b:s7+s13], $0x40, s3, s13, $0xb8;
	[tilespmem:$0x1C000] =	vst v63  }
0x1a: {  	_ = 	snop  }
0x1b: {  	[tilespmem:s15], [sflag:$0x1] =	stream.indirect.gather [hbm4b:s8+s13], $0x40, s12, s13, $0xb8;
	[tilespmem:$0x1C000] =	vst v63  }
0x1c: {  	[spmem:s17], [sflag:s16] =	dma.local [hbm:s4], $0x1400  }
0x1d: {  	_ =	swait.ge [sflag:s11], $0x1400  }
0x1e: {  	[sflag:s11] =	ssyncset.done $0x0  }
0x1f: {  	[sflag:s11] =	ssyncadd.s32 $0xFFFFEC00  }
0x20: {  	s1 =	simm.s32 $0x80;
	[bflag:$0x0] =	sbarrier.arrive $0xFFFF  }
0x21: {  	[tilespmem:s18], [sflag:$0x2] =	stream.indirect.gather [hbm4b:s7+s13], $0x40, s1, s13, $0xb8;
	[tilespmem:$0x1C000] =	vst v63  }
0x22: {  	s28 =	simm.s32 $0x5080  }
0x23: {  	[tilespmem:s19], [sflag:$0x2] =	stream.indirect.gather [hbm4b:s8+s13], $0x40, s28, s13, $0xb8;
	[tilespmem:$0x1C000] =	vst v63  }
0x24: {  	_ =	swait.ge [sflag:s20], $0x2000  }
0x25: {  	[sflag:s20] =	ssyncset.done $0x0  }
0x26: {  	[sflag:s20] =	ssyncadd.s32 $0xFFFFE000  }
0x27: {  	_ =	swait.ge [sflag:s20], $0x2000  }
0x28: {  	[sflag:s20] =	ssyncset.done $0x0  }
0x29: {  	s29 =	simm.s32 $0x5000;
	[sflag:s20] =	ssyncadd.s32 $0xFFFFE000  }
0x2a: {  	[spmem:s2] =	stream.indirect.scatter.add.f32 [tilespmem:s14], [sflag:$0x3], $0x40, s29, s13, $0xb8;
	[tilespmem:$0x1C000] =	vst v63  }
0x2b: {  	_ =	swait.ge [sflag:s11], $0x2000  }
0x2c: {  	[sflag:s11] =	ssyncset.done $0x0  }
0x2d: {  	s29 =	simm.s32 $0x0;
	[sflag:s11] =	ssyncadd.s32 $0xFFFFE000  }
0x2e: {  	[spmem:s2] =	stream.indirect.scatter.add.f32 [tilespmem:s15], [sflag:$0x3], $0x40, s29, s13, $0xb8;
	[tilespmem:$0x1C000] =	vst v63  }
0x2f: {  	_ =	swait.ge [sflag:s11], $0x2000  }
0x30: {  	[sflag:s11] =	ssyncset.done $0x0  }
0x31: {  	s29 =	simm.s32 $0x100;
	[sflag:s11] =	ssyncadd.s32 $0xFFFFE000  }
0x32: {  	[tilespmem:s14], [sflag:$0x1] =	stream.indirect.gather [hbm4b:s7+s13], $0x40, s29, s13, $0xb8;
	[tilespmem:$0x1C000] =	vst v63  }
0x33: {  	s29 =	simm.s32 $0x5100  }
0x34: {  	[tilespmem:s15], [sflag:$0x1] =	stream.indirect.gather [hbm4b:s8+s13], $0x40, s29, s13, $0xb8;
	[tilespmem:$0x1C000] =	vst v63  }
0x35: {  	_ =	swait.ge [sflag:s21], $0x2000  }
0x36: {  	[sflag:s21] =	ssyncset.done $0x0  }
0x37: {  	[sflag:s21] =	ssyncadd.s32 $0xFFFFE000  }
0x38: {  	_ =	swait.ge [sflag:s21], $0x2000  }
0x39: {  	[sflag:s21] =	ssyncset.done $0x0  }
0x3a: {  	[sflag:s21] =	ssyncadd.s32 $0xFFFFE000  }
0x3b: {  	[spmem:s2] =	stream.indirect.scatter.add.f32 [tilespmem:s18], [sflag:$0x3], $0x40, s28, s13, $0xb8;
	[tilespmem:$0x1C000] =	vst v63  }
0x3c: {  	_ =	swait.ge [sflag:s11], $0x2000  }
0x3d: {  	[sflag:s11] =	ssyncset.done $0x0  }
0x3e: {  	[sflag:s11] =	ssyncadd.s32 $0xFFFFE000  }
0x3f: {  	[spmem:s2] =	stream.indirect.scatter.add.f32 [tilespmem:s19], [sflag:$0x3], $0x40, s1, s13, $0xb8;
	[tilespmem:$0x1C000] =	vst v63  }
0x40: {  	_ =	swait.ge [sflag:s11], $0x2000  }
0x41: {  	s29 =	simm.s32 $0x800;
	s28 =	simm.s32 $0x100;
	[sflag:s11] =	ssyncset.done $0x0  }
.LBB2_2:
0x42: {  	s31 =	sadd.s32 $0x80, s28  }
0x43: {  	[sflag:s11] =	ssyncadd.s32 $0xFFFFE000;
	s30 =	smov.u32 s29;
	s1 =	sadd.s32 $0x400, s29  }
0x44: {  	[tilespmem:s18], [sflag:$0x2] =	stream.indirect.gather [hbm4b:s7+s13], $0x40, s31, s13, $0xb8;
	[tilespmem:$0x1C000] =	vst v63  }
0x45: {  	p0 =	sne.s32 s29, $0x13800;
	s29 =	sadd.s32 $0x5080, s28  }
0x46: {  	[tilespmem:s19], [sflag:$0x2] =	stream.indirect.gather [hbm4b:s8+s13], $0x40, s29, s13, $0xb8;
	[tilespmem:$0x1C000] =	vst v63  }
0x47: {  	_ =	swait.ge [sflag:s20], $0x2000  }
0x48: {  	[sflag:s20] =	ssyncset.done $0x0  }
0x49: {  	[sflag:s20] =	ssyncadd.s32 $0xFFFFE000  }
0x4a: {  	_ =	swait.ge [sflag:s20], $0x2000  }
0x4b: {  	[sflag:s20] =	ssyncset.done $0x0  }
0x4c: {  	s0 =	sadd.s32 $0x5000, s28;
	[sflag:s20] =	ssyncadd.s32 $0xFFFFE000  }
0x4d: {  	[spmem:s2] =	stream.indirect.scatter.add.f32 [tilespmem:s14], [sflag:$0x3], $0x40, s0, s13, $0xb8;
	[tilespmem:$0x1C000] =	vst v63  }
0x4e: {  	_ =	swait.ge [sflag:s11], $0x2000  }
0x4f: {  	[sflag:s11] =	ssyncset.done $0x0  }
0x50: {  	[sflag:s11] =	ssyncadd.s32 $0xFFFFE000  }
0x51: {  	[spmem:s2] =	stream.indirect.scatter.add.f32 [tilespmem:s15], [sflag:$0x3], $0x40, s28, s13, $0xb8;
	[tilespmem:$0x1C000] =	vst v63  }
0x52: {  	_ =	swait.ge [sflag:s11], $0x2000  }
0x53: {  	[sflag:s11] =	ssyncset.done $0x0  }
0x54: {  	s0 =	sadd.s32 $0x100, s28;
	[sflag:s11] =	ssyncadd.s32 $0xFFFFE000  }
0x55: {  	[tilespmem:s14], [sflag:$0x1] =	stream.indirect.gather [hbm4b:s7+s13], $0x40, s0, s13, $0xb8;
	[tilespmem:$0x1C000] =	vst v63  }
0x56: {  	s0 =	sadd.s32 $0x5100, s28  }
0x57: {  	[tilespmem:s15], [sflag:$0x1] =	stream.indirect.gather [hbm4b:s8+s13], $0x40, s0, s13, $0xb8;
	[tilespmem:$0x1C000] =	vst v63  }
0x58: {  	_ =	swait.ge [sflag:s21], $0x2000  }
0x59: {  	[sflag:s21] =	ssyncset.done $0x0  }
0x5a: {  	[sflag:s21] =	ssyncadd.s32 $0xFFFFE000  }
0x5b: {  	_ =	swait.ge [sflag:s21], $0x2000  }
0x5c: {  	[sflag:s21] =	ssyncset.done $0x0  }
0x5d: {  	[sflag:s21] =	ssyncadd.s32 $0xFFFFE000  }
0x5e: {  	[spmem:s2] =	stream.indirect.scatter.add.f32 [tilespmem:s18], [sflag:$0x3], $0x40, s29, s13, $0xb8;
	[tilespmem:$0x1C000] =	vst v63  }
0x5f: {  	_ =	swait.ge [sflag:s11], $0x2000  }
.Ltmp0:
0x60: {  	[sflag:s11] =	ssyncset.done $0x0;
	(pc) =	sbr.rel @p0 .LBB2_2-.Ltmp0, $4  }
0x61: {  	[sflag:s11] =	ssyncadd.s32 $0xFFFFE000  }
0x62: {  	[spmem:s2] =	stream.indirect.scatter.add.f32 [tilespmem:s19], [sflag:$0x3], $0x40, s31, s13, $0xb8;
	[tilespmem:$0x1C000] =	vst v63  }
0x63: {  	_ =	swait.ge [sflag:s11], $0x2000  }
0x64: {  	s28 =	sshra.s32 s30, $0x2;
	s29 =	smov.u32 s1;
	[sflag:s11] =	ssyncset.done $0x0  }
0x65: {  	s0 =	sadd.s32 $0x80, s28;
	[sflag:s11] =	ssyncadd.s32 $0xFFFFE000  }
0x66: {  	[tilespmem:s18], [sflag:$0x2] =	stream.indirect.gather [hbm4b:s7+s13], $0x40, s0, s13, $0xb8;
	[tilespmem:$0x1C000] =	vst v63  }
0x67: {  	s1 =	sadd.s32 $0x5080, s28  }
0x68: {  	[tilespmem:s19], [sflag:$0x2] =	stream.indirect.gather [hbm4b:s8+s13], $0x40, s1, s13, $0xb8;
	[tilespmem:$0x1C000] =	vst v63  }
0x69: {  	_ =	swait.ge [sflag:s20], $0x2000  }
0x6a: {  	[sflag:s20] =	ssyncset.done $0x0  }
0x6b: {  	[sflag:s20] =	ssyncadd.s32 $0xFFFFE000  }
0x6c: {  	_ =	swait.ge [sflag:s20], $0x2000  }
0x6d: {  	[sflag:s20] =	ssyncset.done $0x0  }
0x6e: {  	s29 =	sadd.s32 $0x5000, s28;
	[sflag:s20] =	ssyncadd.s32 $0xFFFFE000  }
0x6f: {  	[spmem:s2] =	stream.indirect.scatter.add.f32 [tilespmem:s14], [sflag:$0x3], $0x40, s29, s13, $0xb8;
	[tilespmem:$0x1C000] =	vst v63  }
0x70: {  	_ =	swait.ge [sflag:s11], $0x2000  }
0x71: {  	[sflag:s11] =	ssyncset.done $0x0  }
0x72: {  	[sflag:s11] =	ssyncadd.s32 $0xFFFFE000  }
0x73: {  	[spmem:s2] =	stream.indirect.scatter.add.f32 [tilespmem:s15], [sflag:$0x3], $0x40, s28, s13, $0xb8;
	[tilespmem:$0x1C000] =	vst v63  }
0x74: {  	_ =	swait.ge [sflag:s11], $0x2000  }
0x75: {  	[sflag:s11] =	ssyncset.done $0x0  }
0x76: {  	s30 =	sadd.s32 $0x100, s28;
	[sflag:s11] =	ssyncadd.s32 $0xFFFFE000  }
0x77: {  	[tilespmem:s14], [sflag:$0x1] =	stream.indirect.gather [hbm4b:s7+s13], $0x40, s30, s13, $0xb8;
	[tilespmem:$0x1C000] =	vst v63  }
0x78: {  	s31 =	sadd.s32 $0x5100, s28  }
0x79: {  	[tilespmem:s15], [sflag:$0x1] =	stream.indirect.gather [hbm4b:s8+s13], $0x40, s31, s13, $0xb8;
	[tilespmem:$0x1C000] =	vst v63  }
0x7a: {  	_ =	swait.ge [sflag:s21], $0x2000  }
0x7b: {  	[sflag:s21] =	ssyncset.done $0x0  }
0x7c: {  	[sflag:s21] =	ssyncadd.s32 $0xFFFFE000  }
0x7d: {  	_ =	swait.ge [sflag:s21], $0x2000  }
0x7e: {  	[sflag:s21] =	ssyncset.done $0x0  }
0x7f: {  	[sflag:s21] =	ssyncadd.s32 $0xFFFFE000  }
0x80: {  	[spmem:s2] =	stream.indirect.scatter.add.f32 [tilespmem:s18], [sflag:$0x3], $0x40, s1, s13, $0xb8;
	[tilespmem:$0x1C000] =	vst v63  }
0x81: {  	_ =	swait.ge [sflag:s11], $0x2000  }
0x82: {  	[sflag:s11] =	ssyncset.done $0x0  }
0x83: {  	[sflag:s11] =	ssyncadd.s32 $0xFFFFE000  }
0x84: {  	[spmem:s2] =	stream.indirect.scatter.add.f32 [tilespmem:s19], [sflag:$0x3], $0x40, s0, s13, $0xb8;
	[tilespmem:$0x1C000] =	vst v63  }
0x85: {  	_ =	swait.ge [sflag:s11], $0x2000  }
0x86: {  	[sflag:s11] =	ssyncset.done $0x0  }
0x87: {  	[sflag:s11] =	ssyncadd.s32 $0xFFFFE000  }
0x88: {  	[tilespmem:s18], [sflag:$0x2] =	stream.indirect.gather [hbm4b:s7+s13], $0x40, s22, s13, $0xb8;
	[tilespmem:$0x1C000] =	vst v63  }
0x89: {  	_ = 	snop  }
0x8a: {  	[tilespmem:s19], [sflag:$0x2] =	stream.indirect.gather [hbm4b:s8+s13], $0x40, s23, s13, $0xb8;
	[tilespmem:$0x1C000] =	vst v63  }
0x8b: {  	_ =	swait.ge [sflag:s20], $0x2000  }
0x8c: {  	[sflag:s20] =	ssyncset.done $0x0  }
0x8d: {  	[sflag:s20] =	ssyncadd.s32 $0xFFFFE000  }
0x8e: {  	_ =	swait.ge [sflag:s20], $0x2000  }
0x8f: {  	[sflag:s20] =	ssyncset.done $0x0  }
0x90: {  	[sflag:s20] =	ssyncadd.s32 $0xFFFFE000  }
0x91: {  	[spmem:s2] =	stream.indirect.scatter.add.f32 [tilespmem:s14], [sflag:$0x3], $0x40, s24, s13, $0xb8;
	[tilespmem:$0x1C000] =	vst v63  }
0x92: {  	_ =	swait.ge [sflag:s11], $0x2000  }
0x93: {  	[sflag:s11] =	ssyncset.done $0x0  }
0x94: {  	[sflag:s11] =	ssyncadd.s32 $0xFFFFE000  }
0x95: {  	[spmem:s2] =	stream.indirect.scatter.add.f32 [tilespmem:s15], [sflag:$0x3], $0x40, s25, s13, $0xb8;
	[tilespmem:$0x1C000] =	vst v63  }
0x96: {  	_ =	swait.ge [sflag:s11], $0x2000  }
0x97: {  	[sflag:s11] =	ssyncset.done $0x0  }
0x98: {  	[sflag:s11] =	ssyncadd.s32 $0xFFFFE000  }
0x99: {  	_ =	swait.ge [sflag:s21], $0x2000  }
0x9a: {  	[sflag:s21] =	ssyncset.done $0x0  }
0x9b: {  	[sflag:s21] =	ssyncadd.s32 $0xFFFFE000  }
0x9c: {  	_ =	swait.ge [sflag:s21], $0x2000  }
0x9d: {  	[sflag:s21] =	ssyncset.done $0x0  }
0x9e: {  	[sflag:s21] =	ssyncadd.s32 $0xFFFFE000  }
0x9f: {  	[spmem:s2] =	stream.indirect.scatter.add.f32 [tilespmem:s18], [sflag:$0x3], $0x40, s23, s13, $0xb8;
	[tilespmem:$0x1C000] =	vst v63  }
0xa0: {  	_ =	swait.ge [sflag:s11], $0x2000  }
0xa1: {  	[sflag:s11] =	ssyncset.done $0x0  }
0xa2: {  	[sflag:s11] =	ssyncadd.s32 $0xFFFFE000  }
0xa3: {  	[spmem:s2] =	stream.indirect.scatter.add.f32 [tilespmem:s19], [sflag:$0x3], $0x40, s22, s13, $0xb8;
	[tilespmem:$0x1C000] =	vst v63  }
0xa4: {  	_ =	swait.ge [sflag:s11], $0x2000  }
0xa5: {  	s26 =	sadd.s32 $0x1, s26;
	[sflag:s11] =	ssyncset.done $0x0  }
0xa6: {  	p0 =	sne.s32 s26, s10;
	[sflag:s11] =	ssyncadd.s32 $0xFFFFE000  }
.Ltmp1:
0xa7: {  	[bflag:$0x0] =	sbarrier.arrive $0xFFFF;
	(pc) =	sbr.rel @p0 .LBB2_1-.Ltmp1, $4  }
0xa8: {  	[hbm:s9], [sflag:s16] =	dma.local [spmem:s17], $0x1400  }
0xa9: {  	_ =	swait.ge [sflag:s11], $0x1400  }
0xaa: {  	[sflag:s11] =	ssyncset.done $0x0  }
0xab: {  	[sflag:s11] =	ssyncadd.s32 $0xFFFFEC00  }
0xac: {  	_ =	sfence.sel $0x180000  }
0xad: {  	[bflag:$0x0] =	sbarrier.arrive $0xFFFF  }
0xae: {  	_ =	strace $0x9000004D  }
0xaf: {  	s0 =	stileid.u32;
	[bflag:$0x2] =	sbarrier.arrive $0xFFFF  }
0xb0: {  	p0 =	sne.s32 s0, $0x0;
	s0 =	rddreg [dreg:$0x2]  }
0xb1: {  	s0 =	sadd.s32 @!p0 $0x100000, s0  }
0xb2: {  	[sflag:s0] =	ssyncadd.tile.s32 @!p0 $0x1;
	_ =	shalt  }
.Lfunc_end2:
_tile_overlayer_lowered:
.L_overlay_start_2:
0xb3: {  	(tag) =	ssettag $0x2  }
0xb4: {  	s0 =	rddreg [dreg:$0x0];
	s2 =	stileid.u32  }
0xb5: {  	s1 =	rddreg [dreg:$0x1];
	p0 =	sne.s32 s2, $0x0  }
0xb6: {  	s3 =	rddreg [dreg:$0x2];
	[bflag:$0x3] =	sbarrier.arrive $0xFFFF;
	s2 =	simm.s32 @!p0 $0x1C03  }
0xb7: {  	[timem:s3], [sflag:s2] =	dma.local @!p0 [hbm:s0], s1  }
0xb8: {  	s0 =	simm.s32 @!p0 $0x3  }
0xb9: {  	_ =	swait.ge @!p0 [sflag:s0], s1  }
0xba: {  	s1 =	ssub.s32 @!p0 $0x0, s1;
	[sflag:s0] =	ssyncset.done @!p0 $0x0  }
0xbb: {  	[sflag:s0] =	ssyncadd.s32 @!p0 s1  }
0xbc: {  	[bflag:$0x3] =	sbarrier.arrive $0xFFFF  }
0xbd: {  	_ =	shalt  }

// kernel: kernel.8.cloned.1.call-start
scs
__scs_entry_jumppad:
0x0: {  	(pc) =	sbr.rel $0x88, $3  }
0x1: {  	(tag) =	ssettag $0x0;
	lr =	simm.s32 $0x1  }
0x2: {  	[smem:$0x3F95] =	sst lr;
	_ =	strace $0xD0000000  }
0x3: {  	_ = 	snop  }
0x4: {  	_ = 	snop  }
0x5: {  	_ = 	snop  }
0x6: {  	_ = 	snop  }
0x7: {  	_ = 	snop  }
__scs_overlays_trampoline_lowered:
0x8: {  	[smem:$0x3FA4] =	sst s0  }
0x9: {  	[smem:$0x3FA5] =	sst s1  }
0xa: {  	[smem:$0x3FA6] =	sst s2  }
0xb: {  	[smem:$0x3FA7] =	sst s3  }
0xc: {  	[smem:$0x3FA8] =	sst s4  }
0xd: {  	[smem:$0x3FA9] =	sst s5  }
0xe: {  	[smem:$0x3FAA] =	sst s6  }
0xf: {  	[smem:$0x3FAB] =	sst s7  }
0x10: {  	[smem:$0x3FAC] =	sst s8  }
0x11: {  	[smem:$0x3FAD] =	sst s9;
	s0 =	simm.s32 @!p0 $0x0  }
0x12: {  	s1 =	sld [smem:$0x3F93];
	s0 =	simm.s32 @p0 $0x1  }
0x13: {  	[smem:$0x3FAE] =	sst s0;
	s0 =	simm.s32 @!p1 $0x0  }
0x14: {  	s2 =	sld [smem:$0x3F92];
	s0 =	simm.s32 @p1 $0x1  }
0x15: {  	[smem:$0x3FAF] =	sst s0;
	s0 =	simm.s32 @!p2 $0x0  }
0x16: {  	s3 =	sld [smem:$0x3FDB];
	s0 =	simm.s32 @p2 $0x1  }
0x17: {  	s4 =	simm.s32 $0x1BF5;
	[smem:$0x3FB1] =	sst s0  }
0x18: {  	s0 =	sld [smem:$0x3F94];
	_ =	swait.ge [sflag:s4], $0x0  }
0x19: {  	s7 =	sld [smem:$0x3F95]  }
0x1a: {  	s8 =	sadd.s32 $0xFFFFE003, lr  }
0x1b: {  	s9 =	sadd.s32 $0xFFFFFEF7, lr;
	s5 =	simm.s32 $0xFFFFFFFF;
	p2 =	slt.u32 s8, $0xFFFFF086  }
0x1c: {  	p1 =	slt.u32 s9, $0xF7A;
	s5 =	simm.s32 @!p2 $0x0  }
0x1d: {  	s5 =	simm.s32 @p1 $0x1;
	p0 =	seq.s32 s7, s2  }
0x1e: {  	s7 =	smul.u32 @!p0 $0xF7A, s2;
	p2 =	seq.s32 @!p0 s5, $0x0  }
0x1f: {  	s9 =	smul.u32 $0xF7A, s1;
	s8 =	simm.s32 @!p0 $0x1BF5;
	p2 =	por !p2, p0  }
0x20: {  	[sflag:s8] =	ssyncset.s32 @!p0 $0xFFFFF086;
	s6 =	sadd.s32 @!p0 s3, s7;
	s7 =	simm.s32 @!p0 $0x108  }
0x21: {  	s3 =	sadd.s32 s3, s9;
	s6 =	sadd.s32 @!p0 $0x88, s6;
	s7 =	simm.s32 @p2 $0x1082  }
0x22: {  	[simem:s7], [sflag:s8] =	dma.local @!p0 [hbm:s6], $0xF7A  }
0x23: {  	s9 =	sor.u32 $0xD0000000, s2;
	s6 =	simm.s32 $0x108;
	_ =	swait.ge @!p0 [sflag:s8], $0x0  }
0x24: {  	s3 =	sadd.s32 $0x88, s3;
	s6 =	simm.s32 @!p1 $0x1082;
	[sflag:s4] =	ssyncset.s32 $0xFFFFF086  }
0x25: {  	[simem:s6], [sflag:s4] =	dma.local [hbm:s3], $0xF7A  }
0x26: {  	[smem:$0x3F95] =	sst s1;
	(tag) =	ssettag s2;
	_ =	strace s9  }
0x27: {  	s1 =	sld [smem:$0x3FA5]  }
0x28: {  	s2 =	sld [smem:$0x3FA6]  }
0x29: {  	s4 =	sld [smem:$0x3FA8]  }
0x2a: {  	p0 =	seq.s32 s5, $0x0;
	s5 =	sld [smem:$0x3FA9]  }
0x2b: {  	s6 =	sld [smem:$0x3FAA]  }
0x2c: {  	s7 =	sld [smem:$0x3FAB]  }
0x2d: {  	s3 =	simm.s32 $0x108;
	s8 =	sld [smem:$0x3FAC]  }
0x2e: {  	s3 =	simm.s32 @!p0 $0x1082;
	s9 =	sld [smem:$0x3FAD]  }
0x2f: {  	lr =	sadd.s32 s0, s3;
	s0 =	sld [smem:$0x3FA4]  }
0x30: {  	s3 =	sld [smem:$0x3FA7]  }
0x31: {  	[smem:$0x3FB0] =	sst s10  }
0x32: {  	s10 =	sld [smem:$0x3FAE];
	_ =	sdelay $0x3  }
0x33: {  	p0 =	seq.s32 s10, $0x1;
	s10 =	sld [smem:$0x3FB0];
	_ =	sdelay $0x3  }
0x34: {  	[smem:$0x3FB0] =	sst s10  }
0x35: {  	s10 =	sld [smem:$0x3FAF];
	_ =	sdelay $0x3  }
0x36: {  	p1 =	seq.s32 s10, $0x1;
	s10 =	sld [smem:$0x3FB0];
	_ =	sdelay $0x3  }
0x37: {  	[smem:$0x3FB0] =	sst s10  }
0x38: {  	s10 =	sld [smem:$0x3FB1]  }
0x39: {  	_ = 	snop;
	(pc) =	sbr.ind lr, $3  }
0x3a: {  	_ = 	snop  }
0x3b: {  	_ = 	snop  }
0x3c: {  	p2 =	seq.s32 s10, $0x1;
	s10 =	sld [smem:$0x3FB0]  }
0x3d: {  	_ =	shalt  }
0x3e: {  	_ =	shalt  }
0x3f: {  	_ =	shalt  }
0x40: {  	_ =	shalt  }
0x41: {  	_ =	shalt  }
0x42: {  	_ =	shalt  }
0x43: {  	_ =	shalt  }
0x44: {  	_ =	shalt  }
0x45: {  	_ =	shalt  }
0x46: {  	_ =	shalt  }
0x47: {  	_ =	shalt  }
0x48: {  	_ =	shalt  }
0x49: {  	_ =	shalt  }
0x4a: {  	_ =	shalt  }
0x4b: {  	_ =	shalt  }
0x4c: {  	_ =	shalt  }
0x4d: {  	_ =	shalt  }
0x4e: {  	_ =	shalt  }
0x4f: {  	_ =	shalt  }
0x50: {  	_ =	shalt  }
0x51: {  	_ =	shalt  }
0x52: {  	_ =	shalt  }
0x53: {  	_ =	shalt  }
0x54: {  	_ =	shalt  }
0x55: {  	_ =	shalt  }
0x56: {  	_ =	shalt  }
0x57: {  	_ =	shalt  }
0x58: {  	_ =	shalt  }
0x59: {  	_ =	shalt  }
0x5a: {  	_ =	shalt  }
0x5b: {  	_ =	shalt  }
0x5c: {  	_ =	shalt  }
0x5d: {  	_ =	shalt  }
0x5e: {  	_ =	shalt  }
0x5f: {  	_ =	shalt  }
0x60: {  	_ =	shalt  }
0x61: {  	_ =	shalt  }
0x62: {  	_ =	shalt  }
0x63: {  	_ =	shalt  }
0x64: {  	_ =	shalt  }
0x65: {  	_ =	shalt  }
0x66: {  	_ =	shalt  }
0x67: {  	_ =	shalt  }
0x68: {  	_ =	shalt  }
0x69: {  	_ =	shalt  }
0x6a: {  	_ =	shalt  }
0x6b: {  	_ =	shalt  }
0x6c: {  	_ =	shalt  }
0x6d: {  	_ =	shalt  }
0x6e: {  	_ =	shalt  }
0x6f: {  	_ =	shalt  }
0x70: {  	_ =	shalt  }
0x71: {  	_ =	shalt  }
0x72: {  	_ =	shalt  }
0x73: {  	_ =	shalt  }
0x74: {  	_ =	shalt  }
0x75: {  	_ =	shalt  }
0x76: {  	_ =	shalt  }
0x77: {  	_ =	shalt  }
0x78: {  	_ =	shalt  }
0x79: {  	_ =	shalt  }
0x7a: {  	_ =	shalt  }
0x7b: {  	_ =	shalt  }
0x7c: {  	_ =	shalt  }
0x7d: {  	_ =	shalt  }
0x7e: {  	_ =	shalt  }
0x7f: {  	_ =	shalt  }
0x80: {  	_ =	shalt  }
0x81: {  	_ =	shalt  }
0x82: {  	_ =	shalt  }
0x83: {  	_ =	shalt  }
0x84: {  	_ =	shalt  }
0x85: {  	_ =	shalt  }
0x86: {  	_ =	shalt  }
0x87: {  	_ =	shalt  }
.Lfunc_end0:
.L_simem_size_0:
called_computation_lowered:
.L_overlay_start_0:
0x88: {  	s2 =	sld [smem:$0x3FD9]  }
0x89: {  	s3 =	sld [smem:$0x3FFE];
	_ =	sdelay $0x1  }
0x8a: {  	s1 =	srdreg.scid  }
0x8b: {  	s0 =	sand.u32 $0x1, s1  }
0x8c: {  	s17 =	sshll.u32 s0, $0xA;
	s2 =	sadd.s32 s3, s2  }
0x8d: {  	s2 =	sadd.s32 s2, s17  }
0x8e: {  	[smem:$0x3FBC] =	sst s2  }
0x8f: {  	_ = 	snop  }
0x90: {  	s2 =	sld [smem:$0x3FC6];
	(tm) =	ssettm $0x1  }
0x91: {  	s18 =	sld [smem:$0x3FFB];
	_ =	sdelay $0x3  }
0x92: {  	_ =	strace s18  }
0x93: {  	s3 =	sld [smem:$0x3FFC];
	_ =	sdelay $0x3  }
0x94: {  	_ =	strace s3  }
0x95: {  	s3 =	sld [smem:$0x3FFD];
	_ =	sdelay $0x3  }
0x96: {  	_ =	strace s3  }
0x97: {  	_ =	strace $0x8FFFFFFF  }
0x98: {  	s19 =	sld [smem:$0x3FDB];
	_ =	sdelay $0x1  }
0x99: {  	s4 =	simm.s32 $_scs_section_size  }
0x9a: {  	s5 =	simm.s32 $_size__tile_overlayer_lowered;
	s6 =	simm.s32 $_tile_overlayer_lowered  }
0x9b: {  	s22 =	simm.s32 $0x1BFF;
	s21 =	sshll.u32 s6, $0x1;
	s3 =	sadd.s32 s4, s19  }
0x9c: {  	s7 =	simm.s32 $0x0;
	s20 =	sshll.u32 s5, $0x1;
	s5 =	sadd.s32 s21, s3  }
0x9d: {  	[timem:s7], [sflag:s22] =	dma.local [hbm:s5], s20  }
0x9e: {  	_ =	swait.ge [sflag:s22], s20  }
0x9f: {  	s4 =	ssub.s32 $0x0, s20;
	[sflag:s22] =	ssyncset.done $0x0  }
0xa0: {  	[sflag:s22] =	ssyncadd.s32 s4;
	_ =	sdelay $0x1  }
0xa1: {  	s23 =	simm.s32 $0x1B8B  }
0xa2: {  	_ =	swait.ge [sflag:s23], $0x1  }
0xa3: {  	[sflag:s23] =	ssyncset.done $0x0  }
0xa4: {  	s25 =	simm.s32 $0x1B8E;
	s24 =	sld [smem:$0x3FFE];
	[sflag:s23] =	ssyncadd.s32 $0xFFFFFFFF  }
0xa5: {  	s26 =	simm.s32 $execute0_lowered;
	[smem:$0x3FD2] =	sst s25  }
0xa6: {  	s5 =	sshll.u32 s26, $0x1;
	_ =	strace $0x80000046;
	[dreg:$0x1] =	wrdreg $0xFFFFFFFF  }
0xa7: {  	s28 =	simm.s32 $_size_execute0_lowered;
	s3 =	sadd.s32 s3, s5;
	[dreg:$0x0] =	wrdreg $0x0  }
0xa8: {  	s5 =	sshll.u32 s28, $0x1;
	[dreg:$0x2] =	wrdreg s3  }
0xa9: {  	[dreg:$0x3] =	wrdreg s5  }
0xaa: {  	[dreg:$0x4] =	wrdreg $0xC0  }
0xab: {  	_ =	task [dreg:s7], $0x5FFFF  }
0xac: {  	[dreg:$0x1] =	wrdreg $0xFFFFFFFF  }
0xad: {  	[dreg:$0x0] =	wrdreg $0x60  }
0xae: {  	[dreg:$0x2] =	wrdreg s24  }
0xaf: {  	[dreg:$0x3] =	wrdreg s2  }
0xb0: {  	[dreg:$0x4] =	wrdreg $0x9  }
0xb1: {  	_ =	task.clear_ibuf [dreg:s7], $0x5FFFF;
	_ =	strace $0x90000046  }
0xb2: {  	s29 =	simm.s32 $0x9;
	_ =	strace $0x80000048  }
0xb3: {  	_ =	swait.ge [sflag:s29], $0x1  }
0xb4: {  	[sflag:s29] =	ssyncadd.s32 $0xFFFFFFFF  }
0xb5: {  	_ =	strace $0x90000048  }
0xb6: {  	_ =	sfence  }
0xb7: {  	s30 =	sld [smem:$0x0];
	_ =	sdelay $0x2  }
0xb8: {  	s31 =	sshll.u32 s1, $0xD;
	s1 =	sshrl.u32 s1, $0x2  }
0xb9: {  	s3 =	sand.u32 $0x4000, s31;
	s1 =	sadd.s32 s1, s30  }
0xba: {  	s0 =	sor.u32 s3, s0;
	s1 =	sshll.u32 s1, $0x11  }
0xbb: {  	s0 =	sor.u32 s1, s0  }
0xbc: {  	s0 =	sadd.s32 $0x8F2B, s0  }
0xbd: {  	[sflag:s0] =	ssyncadd.remote.s32 $0x1  }
0xbe: {  	_ =	sfence.sel $0xFFFF  }
0xbf: {  	[dreg:$0x0] =	wrdreg $0xFFFFFFFF;
	(pc) =	sbr.abs _section_cstart, $3  }
0xc0: {  	[dreg:$0x1] =	wrdreg $0xFFFFFFFF  }
0xc1: {  	_ =	task.clear_ibuf [dreg:s7], $0x2FFFF;
	_ =	strace $0x9FFFFFFF  }
0xc2: {  	(tm) =	ssettm $0x7FFFFFFF  }
0xc3: {  	_ =	shalt  }
tec
execute0_lowered:
.L_overlay_start_1:
0x0: {  	(tag) =	ssettag $0x1  }
0x1: {  	s1 =	srdreg.scid;
	s0 =	stileid.u32  }
0x2: {  	s9 =	rddreg [dreg:$0x0];
	s14 =	sand.u32 $0x1, s1;
	s30 =	sshll.u32 s0, $0x1  }
0x3: {  	s2 =	rddreg [dreg:$0x1];
	s10 =	sor.u32 s14, s30  }
0x4: {  	s3 =	simm.s32 $0x0;
	s1 =	rddreg [dreg:$0x2];
	s4 =	sshll.u32 s10, $0x6  }
0x5: {  	[smem:$0x7FF] =	sst s3;
	s4 =	sadd.s32 s4, s9  }
0x6: {  	_ =	strace $0x80000047;
	s5 =	sadd.s32 $0x2400, s4;
	s4 =	simm.s32 $0x2  }
0x7: {  	[tilespmem:s3], [sflag:$0x2] =	stream.linear.gather [hbm4b:s5+s3], $0x200, $0x38;
	[tilespmem:$0x2A00] =	vst v63  }
0x8: {  	_ =	swait.ge [sflag:s4], $0x200  }
0x9: {  	s6 =	simm.s32 $0x50;
	[sflag:s4] =	ssyncset.done $0x0  }
0xa: {  	s7 =	simm.s32 $0x200;
	s8 =	simm.s32 $0x1;
	[sflag:s4] =	ssyncadd.s32 $0xFFFFFE00  }
0xb: {  	[tilespmem:s7], [sflag:$0x1] =	stream.indirect.gather [hbm4b:s2+s6], $0x80, s3, s6, $0xb8;
	[tilespmem:$0x2A00] =	vst v63  }
0xc: {  	s11 =	smul.u32 $0x1400, s10;
	_ =	swait.ge [sflag:s8], $0x2800  }
0xd: {  	s12 =	sadd.s32 $0x2C00, s9;
	[sflag:s8] =	ssyncset.done $0x0  }
0xe: {  	s9 =	sadd.s32 s12, s11;
	[sflag:s8] =	ssyncadd.s32 $0xFFFFD800  }
0xf: {  	[hbm4b:s9+s3] =	stream.linear.scatter [tilespmem:s7], [sflag:$0x2], $0x2800, $0x38;
	[tilespmem:$0x2A00] =	vst v63  }
0x10: {  	_ =	swait.ge [sflag:s4], $0x2800  }
0x11: {  	[sflag:s4] =	ssyncset.done $0x0  }
0x12: {  	s31 =	smul.u32 $0xA000, s10;
	s10 =	simm.s32 $0x80;
	[sflag:s4] =	ssyncadd.s32 $0xFFFFD800  }
0x13: {  	[tilespmem:s7], [sflag:$0x1] =	stream.indirect.gather [hbm4b:s2+s6], $0x80, s10, s6, $0xb8;
	[tilespmem:$0x2A00] =	vst v63  }
0x14: {  	s11 =	sshrl.u32 s31, $0x3;
	_ =	swait.ge [sflag:s8], $0x2800  }
0x15: {  	s15 =	sadd.s32 s12, s11;
	[sflag:s8] =	ssyncset.done $0x0  }
0x16: {  	s11 =	sadd.s32 $0x500, s15;
	[sflag:s8] =	ssyncadd.s32 $0xFFFFD800  }
0x17: {  	[hbm4b:s11+s3] =	stream.linear.scatter [tilespmem:s7], [sflag:$0x2], $0x2800, $0x38;
	[tilespmem:$0x2A00] =	vst v63  }
0x18: {  	_ =	swait.ge [sflag:s4], $0x2800  }
0x19: {  	[sflag:s4] =	ssyncset.done $0x0  }
0x1a: {  	s12 =	simm.s32 $0x100;
	[sflag:s4] =	ssyncadd.s32 $0xFFFFD800  }
0x1b: {  	[tilespmem:s7], [sflag:$0x1] =	stream.indirect.gather [hbm4b:s2+s6], $0x80, s12, s6, $0xb8;
	[tilespmem:$0x2A00] =	vst v63  }
0x1c: {  	_ =	swait.ge [sflag:s8], $0x2800  }
0x1d: {  	[sflag:s8] =	ssyncset.done $0x0  }
0x1e: {  	s16 =	ssub.s32 $0x2, s14;
	s13 =	sadd.s32 $0xA00, s15;
	[sflag:s8] =	ssyncadd.s32 $0xFFFFD800  }
0x1f: {  	[hbm4b:s13+s3] =	stream.linear.scatter [tilespmem:s7], [sflag:$0x2], $0x2800, $0x38;
	[tilespmem:$0x2A00] =	vst v63  }
0x20: {  	s17 =	sshrl.u32 s16, $0x1;
	_ =	swait.ge [sflag:s4], $0x2800  }
0x21: {  	s16 =	ssub.s32 s16, s17;
	[sflag:s4] =	ssyncset.done $0x0  }
0x22: {  	s14 =	simm.s32 $0x180;
	s16 =	smax.u32 s16, $0x1;
	[sflag:s4] =	ssyncadd.s32 $0xFFFFD800  }
0x23: {  	[tilespmem:s7], [sflag:$0x1] =	stream.indirect.gather [hbm4b:s2+s6], $0x80, s14, s6, $0xb8;
	[tilespmem:$0x2A00] =	vst v63  }
0x24: {  	p0 =	sne.s32 s16, $0x1;
	_ =	swait.ge [sflag:s8], $0x2800  }
.Ltmp0:
0x25: {  	[sflag:s8] =	ssyncset.done $0x0;
	(pc) =	sbr.rel @!p0 .LBB2_2-.Ltmp0, $4  }
0x26: {  	s15 =	sadd.s32 $0xF00, s15;
	[sflag:s8] =	ssyncadd.s32 $0xFFFFD800  }
0x27: {  	[hbm4b:s15+s3] =	stream.linear.scatter [tilespmem:s7], [sflag:$0x2], $0x2800, $0x38;
	[tilespmem:$0x2A00] =	vst v63  }
0x28: {  	_ =	swait.ge [sflag:s4], $0x2800  }
0x29: {  	s16 =	sadd.s32 $0xFFFFFFFF, s16;
	[sflag:s4] =	ssyncset.done $0x0  }
.LBB2_1:
0x2a: {  	p0 =	sne.s32 s16, $0x1;
	s16 =	sadd.s32 $0xFFFFFFFF, s16;
	[sflag:s4] =	ssyncadd.s32 $0xFFFFD800  }
0x2b: {  	[tilespmem:s3], [sflag:$0x2] =	stream.linear.gather [hbm4b:s5+s3], $0x200, $0x38;
	[tilespmem:$0x2A00] =	vst v63  }
0x2c: {  	_ =	swait.ge [sflag:s4], $0x200  }
0x2d: {  	[sflag:s4] =	ssyncset.done $0x0  }
0x2e: {  	[sflag:s4] =	ssyncadd.s32 $0xFFFFFE00  }
0x2f: {  	[tilespmem:s7], [sflag:$0x1] =	stream.indirect.gather [hbm4b:s2+s6], $0x80, s3, s6, $0xb8;
	[tilespmem:$0x2A00] =	vst v63  }
0x30: {  	_ =	swait.ge [sflag:s8], $0x2800  }
0x31: {  	[sflag:s8] =	ssyncset.done $0x0  }
0x32: {  	[sflag:s8] =	ssyncadd.s32 $0xFFFFD800  }
0x33: {  	[hbm4b:s9+s3] =	stream.linear.scatter [tilespmem:s7], [sflag:$0x2], $0x2800, $0x38;
	[tilespmem:$0x2A00] =	vst v63  }
0x34: {  	_ =	swait.ge [sflag:s4], $0x2800  }
0x35: {  	[sflag:s4] =	ssyncset.done $0x0  }
0x36: {  	[sflag:s4] =	ssyncadd.s32 $0xFFFFD800  }
0x37: {  	[tilespmem:s7], [sflag:$0x1] =	stream.indirect.gather [hbm4b:s2+s6], $0x80, s10, s6, $0xb8;
	[tilespmem:$0x2A00] =	vst v63  }
0x38: {  	_ =	swait.ge [sflag:s8], $0x2800  }
0x39: {  	[sflag:s8] =	ssyncset.done $0x0  }
0x3a: {  	[sflag:s8] =	ssyncadd.s32 $0xFFFFD800  }
0x3b: {  	[hbm4b:s11+s3] =	stream.linear.scatter [tilespmem:s7], [sflag:$0x2], $0x2800, $0x38;
	[tilespmem:$0x2A00] =	vst v63  }
0x3c: {  	_ =	swait.ge [sflag:s4], $0x2800  }
0x3d: {  	[sflag:s4] =	ssyncset.done $0x0  }
0x3e: {  	[sflag:s4] =	ssyncadd.s32 $0xFFFFD800  }
0x3f: {  	[tilespmem:s7], [sflag:$0x1] =	stream.indirect.gather [hbm4b:s2+s6], $0x80, s12, s6, $0xb8;
	[tilespmem:$0x2A00] =	vst v63  }
0x40: {  	_ =	swait.ge [sflag:s8], $0x2800  }
0x41: {  	[sflag:s8] =	ssyncset.done $0x0  }
0x42: {  	[sflag:s8] =	ssyncadd.s32 $0xFFFFD800  }
0x43: {  	[hbm4b:s13+s3] =	stream.linear.scatter [tilespmem:s7], [sflag:$0x2], $0x2800, $0x38;
	[tilespmem:$0x2A00] =	vst v63  }
0x44: {  	_ =	swait.ge [sflag:s4], $0x2800  }
0x45: {  	[sflag:s4] =	ssyncset.done $0x0  }
0x46: {  	[sflag:s4] =	ssyncadd.s32 $0xFFFFD800  }
0x47: {  	[tilespmem:s7], [sflag:$0x1] =	stream.indirect.gather [hbm4b:s2+s6], $0x80, s14, s6, $0xb8;
	[tilespmem:$0x2A00] =	vst v63  }
0x48: {  	_ =	swait.ge [sflag:s8], $0x2800  }
.Ltmp1:
0x49: {  	[sflag:s8] =	ssyncset.done $0x0;
	(pc) =	sbr.rel @p0 .LBB2_1-.Ltmp1, $4  }
0x4a: {  	[sflag:s8] =	ssyncadd.s32 $0xFFFFD800  }
0x4b: {  	[hbm4b:s15+s3] =	stream.linear.scatter [tilespmem:s7], [sflag:$0x2], $0x2800, $0x38;
	[tilespmem:$0x2A00] =	vst v63  }
0x4c: {  	_ =	swait.ge [sflag:s4], $0x2800  }
0x4d: {  	[sflag:s4] =	ssyncset.done $0x0  }
.LBB2_2:
0x4e: {  	[sflag:s4] =	ssyncadd.s32 $0xFFFFD800  }
0x4f: {  	_ =	sfence.sel $0x180000  }
0x50: {  	[bflag:$0x0] =	sbarrier.arrive $0xFFFF  }
0x51: {  	p0 =	sne.s32 s0, $0x0;
	_ =	strace $0x90000047  }
0x52: {  	s0 =	sadd.s32 @!p0 $0x100000, s1;
	[bflag:$0x2] =	sbarrier.arrive $0xFFFF  }
0x53: {  	[sflag:s0] =	ssyncadd.tile.s32 @!p0 $0x1;
	_ =	shalt  }
.Lfunc_end2:
_tile_overlayer_lowered:
.L_overlay_start_2:
0x54: {  	(tag) =	ssettag $0x2  }
0x55: {  	s0 =	rddreg [dreg:$0x0];
	s2 =	stileid.u32  }
0x56: {  	s1 =	rddreg [dreg:$0x1];
	p0 =	sne.s32 s2, $0x0  }
0x57: {  	s3 =	rddreg [dreg:$0x2];
	[bflag:$0x3] =	sbarrier.arrive $0xFFFF;
	s2 =	simm.s32 @!p0 $0x1C02  }
0x58: {  	[timem:s3], [sflag:s2] =	dma.local @!p0 [hbm:s0], s1  }
0x59: {  	s0 =	simm.s32 @!p0 $0x2  }
0x5a: {  	_ =	swait.ge @!p0 [sflag:s0], s1  }
0x5b: {  	s1 =	ssub.s32 @!p0 $0x0, s1;
	[sflag:s0] =	ssyncset.done @!p0 $0x0  }
0x5c: {  	[sflag:s0] =	ssyncadd.s32 @!p0 s1  }
0x5d: {  	[bflag:$0x3] =	sbarrier.arrive $0xFFFF  }
0x5e: {  	_ =	shalt  }

</sc_bundles>
